<compile_context>
chip_gen: v7x
topology: tpu7x:2x2x1
jax: 0.10.2.dev20260603
libtpu: 0.0.44.dev20260713+nightly
codegen_flags: <defaults>
</compile_context>

<pallas_src>
import functools

import jax
import jax.numpy as jnp
from jax import lax
from jax.experimental import pallas as pl
from jax.experimental.pallas import tpu as pltpu
from jax.experimental.pallas import tpu_sc as plsc

N_NODES = 100000
N_EDGES = 3200000
DIM_IN = 128
BATCH = 4
N_GCN = 3

NC = 2
NS = 16
NPAD = 100096
NPT = NPAD // NS
EPT = N_EDGES // NS
CHUNK = 5000
NCHUNK = EPT // CHUNK
NVEC = NPT // 16


def _proj_body(x_ref, w_ref, b_ref, o_ref):
    x = x_ref[...].astype(jnp.bfloat16).astype(jnp.float32)
    w = w_ref[...].astype(jnp.bfloat16).astype(jnp.float32)
    y = jnp.sum(x * w[0][None, None, :], axis=-1) + b_ref[0, 0]
    o_ref[...] = y[None]


def _project(x, w, bias1):
    BN = 2000
    grid = N_NODES // BN
    out = pl.pallas_call(
        _proj_body,
        grid=(grid,),
        in_specs=[
            pl.BlockSpec((BATCH, BN, DIM_IN), lambda i: (0, i, 0)),
            pl.BlockSpec((1, DIM_IN), lambda i: (0, 0)),
            pl.BlockSpec(memory_space=pltpu.SMEM),
        ],
        out_specs=pl.BlockSpec((1, BATCH, BN), lambda i: (i, 0, 0)),
        out_shape=jax.ShapeDtypeStruct((grid, BATCH, BN), jnp.float32),
    )(x, w, bias1)
    return out.transpose(1, 0, 2).reshape(BATCH, N_NODES)


def _deg_body(dst_hbm, ones_hbm, zeros_hbm, deg_hbm, dg, dstb, onesb, zb,
              sem_i, sem_s):
    c = lax.axis_index("c")
    s = lax.axis_index("s")
    nb = s * NPT
    nsl = pl.ds(nb, NPT)
    eb = (s + c * NS) * (N_EDGES // (2 * NS) // CHUNK) * CHUNK
    ndeg = N_EDGES // (2 * NS) // CHUNK

    pltpu.sync_copy(ones_hbm, onesb)
    pltpu.sync_copy(zeros_hbm, zb)
    pltpu.sync_copy(zb, dg.at[nsl])
    plsc.subcore_barrier()

    def issue_idx(j, p):
        base = eb + j * CHUNK
        pltpu.async_copy(dst_hbm.at[pl.ds(base, CHUNK)], dstb.at[p], sem_i)

    def wait_idx(j, p):
        base = eb + j * CHUNK
        pltpu.make_async_copy(
            dst_hbm.at[pl.ds(base, CHUNK)], dstb.at[p], sem_i).wait()

    def wait_scat(p):
        pltpu.make_async_copy(onesb, dg.at[dstb.at[p]], sem_s).wait()

    issue_idx(0, 0)

    def pair(i, carry):
        for p in (0, 1):
            j = 2 * i + p
            wait_idx(j, p)
            if p == 0:
                @pl.when(i > 0)
                def _():
                    wait_scat(1)
                issue_idx(j + 1, 1)
            else:
                wait_scat(0)

                @pl.when(i < ndeg // 2 - 1)
                def _():
                    issue_idx(j + 1, 0)
            pltpu.async_copy(onesb, dg.at[dstb.at[p]], sem_s, add=True)
        return carry

    lax.fori_loop(0, ndeg // 2, pair, 0)
    wait_scat(1)
    plsc.subcore_barrier()

    pltpu.sync_copy(dg.at[nsl], zb)
    pltpu.sync_copy(zb, deg_hbm.at[c, nsl])


_deg_kernel = functools.partial(
    pl.kernel,
    out_type=jax.ShapeDtypeStruct((NC, NPAD), jnp.float32),
    mesh=plsc.VectorSubcoreMesh(core_axis_name="c", subcore_axis_name="s"),
    compiler_params=pltpu.CompilerParams(
        use_tc_tiling_on_sc=False, needs_layout_passes=False
    ),
    scratch_types=[
        pltpu.VMEM_SHARED((NPAD,), jnp.float32),
        pltpu.VMEM((2, CHUNK), jnp.int32),
        pltpu.VMEM((CHUNK,), jnp.float32),
        pltpu.VMEM((NPT,), jnp.float32),
        pltpu.SemaphoreType.DMA,
        pltpu.SemaphoreType.DMA,
    ],
)(_deg_body)


def _bf16_round(v):
    bits = plsc.bitcast(v, jnp.int32)
    lsb = lax.bitwise_and(lax.shift_right_logical(bits, 16), 1)
    r = lax.bitwise_and(bits + (lsb + 0x7FFF), -65536)
    return plsc.bitcast(r, jnp.float32)


def _sc_body(h0_hbm, src_hbm, dst_hbm, pw_hbm, par_hbm, deg_hbm, zeros_hbm,
             out_hbm,
             t0, t1, s0a, s1a,
             srcb, dstb, gat0, gat1,
             sl0, sl1, dsl, h0b, h1b, zb, pwb, parb, ovec,
             sem_i, sem_g, sem_s):
    c = lax.axis_index("c")
    s = lax.axis_index("s")
    nb = s * NPT
    eb = s * EPT
    nsl = pl.ds(nb, NPT)

    iota = lax.iota(jnp.int32, 16)

    pltpu.sync_copy(par_hbm, parb)
    pltpu.sync_copy(zeros_hbm, zb)
    pltpu.sync_copy(pw_hbm.at[nsl], pwb)
    pltpu.sync_copy(h0_hbm.at[c, 0, nsl], h0b)
    pltpu.sync_copy(h0_hbm.at[c, 1, nsl], h1b)
    pltpu.sync_copy(h0b, t0.at[nsl])
    pltpu.sync_copy(h1b, t1.at[nsl])
    pltpu.sync_copy(zb, s0a.at[nsl])
    pltpu.sync_copy(zb, s1a.at[nsl])
    pltpu.sync_copy(deg_hbm.at[0, nsl], dsl)
    pltpu.sync_copy(deg_hbm.at[1, nsl], sl0)

    def deg_sum(j, carry):
        d16 = pl.ds(j * 16, 16)
        dsl[d16] = dsl[d16] + sl0[d16]
        return carry

    lax.fori_loop(0, NVEC, deg_sum, 0)
    plsc.subcore_barrier()

    accs = (jnp.zeros((16,), jnp.float32), jnp.zeros((16,), jnp.float32))

    for k in range(N_GCN):
        def issue_idx(j, p):
            base = eb + j * CHUNK
            pltpu.async_copy(src_hbm.at[pl.ds(base, CHUNK)], srcb.at[p], sem_i)
            pltpu.async_copy(dst_hbm.at[pl.ds(base, CHUNK)], dstb.at[p], sem_i)

        def wait_idx(j, p):
            base = eb + j * CHUNK
            pltpu.make_async_copy(
                src_hbm.at[pl.ds(base, CHUNK)], srcb.at[p], sem_i).wait()
            pltpu.make_async_copy(
                dst_hbm.at[pl.ds(base, CHUNK)], dstb.at[p], sem_i).wait()

        def issue_scat(p):
            pltpu.async_copy(gat0.at[p], s0a.at[dstb.at[p]], sem_s, add=True)
            pltpu.async_copy(gat1.at[p], s1a.at[dstb.at[p]], sem_s, add=True)

        def wait_scat(p):
            pltpu.make_async_copy(gat0.at[p], s0a.at[dstb.at[p]], sem_s).wait()
            pltpu.make_async_copy(gat1.at[p], s1a.at[dstb.at[p]], sem_s).wait()

        issue_idx(0, 0)

        def edge_pair(i, carry):
            for p in (0, 1):
                j = 2 * i + p
                wait_idx(j, p)
                g0 = pltpu.async_copy(t0.at[srcb.at[p]], gat0.at[p], sem_g)
                g1 = pltpu.async_copy(t1.at[srcb.at[p]], gat1.at[p], sem_g)
                if p == 0:
                    @pl.when(i > 0)
                    def _():
                        wait_scat(1)
                    issue_idx(j + 1, 1)
                else:
                    wait_scat(0)

                    @pl.when(i < NCHUNK // 2 - 1)
                    def _():
                        issue_idx(j + 1, 0)
                g0.wait()
                g1.wait()
                issue_scat(p)
            return carry

        lax.fori_loop(0, NCHUNK // 2, edge_pair, 0)
        wait_scat(1)
        plsc.subcore_barrier()

        pltpu.sync_copy(s0a.at[nsl], sl0)
        pltpu.sync_copy(s1a.at[nsl], sl1)

        ak = parb.at[k][pl.ds(0, 16)]
        bk = parb.at[k][pl.ds(16, 16)]
        ck = parb.at[k][pl.ds(32, 16)]

        def node_step(j, carry):
            a0, a1 = carry
            d16 = pl.ds(j * 16, 16)
            dv = dsl[d16]
            denom = jnp.maximum(dv, 1.0)
            hn0 = (ak * sl0[d16] + bk * dv * h0b[d16]) / denom + ck
            hn0 = jnp.where(hn0 >= 0.0, hn0, 0.1 * hn0)
            h0b[d16] = hn0
            hn1 = (ak * sl1[d16] + bk * dv * h1b[d16]) / denom + ck
            hn1 = jnp.where(hn1 >= 0.0, hn1, 0.1 * hn1)
            h1b[d16] = hn1
            if k == N_GCN - 1:
                pwv = pwb[d16]
                a0 = a0 + _bf16_round(hn0) * pwv
                a1 = a1 + _bf16_round(hn1) * pwv
            return (a0, a1)

        accs = lax.fori_loop(0, NVEC, node_step, accs)

        if k < N_GCN - 1:
            pltpu.sync_copy(zb, s0a.at[nsl])
            pltpu.sync_copy(zb, s1a.at[nsl])
            pltpu.sync_copy(h0b, t0.at[nsl])
            pltpu.sync_copy(h1b, t1.at[nsl])
            plsc.subcore_barrier()

    p0 = jnp.sum(accs[0])
    p1 = jnp.sum(accs[1])
    res = jnp.where(iota == 0, p0, jnp.where(iota == 1, p1, 0.0))
    ovec[...] = res
    pltpu.sync_copy(ovec, out_hbm.at[c, s])


_sc_kernel = functools.partial(
    pl.kernel,
    out_type=jax.ShapeDtypeStruct((NC, NS, 16), jnp.float32),
    mesh=plsc.VectorSubcoreMesh(core_axis_name="c", subcore_axis_name="s"),
    compiler_params=pltpu.CompilerParams(
        use_tc_tiling_on_sc=False, needs_layout_passes=False
    ),
    scratch_types=[
        pltpu.VMEM_SHARED((NPAD,), jnp.float32),
        pltpu.VMEM_SHARED((NPAD,), jnp.float32),
        pltpu.VMEM_SHARED((NPAD,), jnp.float32),
        pltpu.VMEM_SHARED((NPAD,), jnp.float32),
        pltpu.VMEM((2, CHUNK), jnp.int32),
        pltpu.VMEM((2, CHUNK), jnp.int32),
        pltpu.VMEM((2, CHUNK), jnp.float32),
        pltpu.VMEM((2, CHUNK), jnp.float32),
        pltpu.VMEM((NPT,), jnp.float32),
        pltpu.VMEM((NPT,), jnp.float32),
        pltpu.VMEM((NPT,), jnp.float32),
        pltpu.VMEM((NPT,), jnp.float32),
        pltpu.VMEM((NPT,), jnp.float32),
        pltpu.VMEM((NPT,), jnp.float32),
        pltpu.VMEM((NPT,), jnp.float32),
        pltpu.VMEM((N_GCN, 48), jnp.float32),
        pltpu.VMEM((16,), jnp.float32),
        pltpu.SemaphoreType.DMA,
        pltpu.SemaphoreType.DMA,
        pltpu.SemaphoreType.DMA,
    ],
)(_sc_body)


@jax.jit
def kernel(x, edge, edge_weight, parameter, bias1, p1, p2, agg_bias,
           pred_w, pred_b):
    del edge_weight
    w = (jnp.abs(parameter) / DIM_IN).reshape(1, DIM_IN)
    h0 = _project(x, w, bias1)
    h0p = jnp.pad(h0, ((0, 0), (0, NPAD - N_NODES)))
    h0s = h0p.reshape(NC, 2, NPAD)

    src = edge[0]
    dst = edge[1]

    lane = jnp.ones((16,), jnp.float32)
    a3 = jnp.abs(p1[:, 0, 0])
    b3 = jnp.abs(p2[:, 0, 0])
    c3 = agg_bias[:, 0, 0]
    par = jnp.concatenate(
        [a3[:, None] * lane, b3[:, None] * lane, c3[:, None] * lane], axis=1
    )

    pw_r = pred_w[0].astype(jnp.bfloat16).astype(jnp.float32)
    pw = jnp.pad(pw_r, (0, NPAD - N_NODES))
    ones_c = jnp.ones((CHUNK,), jnp.float32)
    zeros_c = jnp.zeros((NPT,), jnp.float32)

    deg = _deg_kernel(dst, ones_c, zeros_c)
    parts = _sc_kernel(h0s, src, dst, pw, par, deg, zeros_c)
    out = parts[:, :, :2].sum(axis=1).reshape(BATCH, 1) + pred_b[None, :]
    return out

# --- scband reference (transcript-rebuilt; emitter-appended) ---
"""Pipeline reference for scband-sc-prs-37460704755979 (READ-ONLY COPY).

The authoritative reference and input builder live on the scoring server;
editing this copy changes nothing except your own understanding.
"""

import jax, jax.numpy as jnp
import numpy as np

N_NODES = 100000
N_EDGES = 3200000
DIM_IN = 128
BATCH = 4
N_GCN = 3


def setup_inputs(seed: int = 0) -> dict:
    key = jax.random.key(seed)
    ks = jax.random.split(key, 10)
    x = jax.random.normal(ks[0], (BATCH, N_NODES, DIM_IN), dtype=jnp.float32)
    edge = jax.random.randint(ks[1], (2, N_EDGES), 0, N_NODES, dtype=jnp.int32)
    edge_weight = jax.random.uniform(ks[2], (N_EDGES,), dtype=jnp.float32)
    # learned parameters sized per init_kwargs (dim_in=128, n_cell=100000, n_gcn=3)
    parameter = jnp.abs(jax.random.uniform(ks[3], (DIM_IN, 1), dtype=jnp.float32))
    bias1 = jnp.zeros((1, 1), dtype=jnp.float32)
    p1 = jnp.abs(jax.random.uniform(ks[4], (N_GCN, 1, 1), dtype=jnp.float32))
    p2 = jnp.abs(jax.random.uniform(ks[5], (N_GCN, 1, 1), dtype=jnp.float32))
    agg_bias = jnp.zeros((N_GCN, 1, 1), dtype=jnp.float32)
    pred_w = jax.random.normal(ks[6], (1, N_NODES), dtype=jnp.float32) * (1.0 / np.sqrt(N_NODES))
    pred_b = jnp.zeros((1,), dtype=jnp.float32)
    return {
        "x": x,
        "edge": edge,
        "edge_weight": edge_weight,
        "parameter": parameter,
        "bias1": bias1,
        "p1": p1,
        "p2": p2,
        "agg_bias": agg_bias,
        "pred_w": pred_w,
        "pred_b": pred_b,
    }


def reference(x, edge, edge_weight, parameter, bias1, p1, p2, agg_bias, pred_w, pred_b):
    # h = (x @ |parameter| / dim_in + bias1).transpose(0,1).squeeze(-1)
    h = (x @ jnp.abs(parameter)) / x.shape[-1] + bias1  # [B, N, 1]
    h = jnp.transpose(h, (1, 0, 2))[..., 0]  # [N, B]
    src = edge[0]
    dst = edge[1]
    # mean-aggregation denominator (PyG 'mean': zero in-degree -> 0; sum is 0 so max(deg,1) is safe)
    deg = jax.ops.segment_sum(jnp.ones((edge.shape[1],), dtype=jnp.float32), dst, num_segments=N_NODES)
    denom = jnp.maximum(deg, 1.0)[:, None]
    for i in range(N_GCN):
        x_j = h[src]  # gather source node features per edge
        x_i = h[dst]  # gather dest node features per edge
        msg = jnp.abs(p1[i]) * x_j + jnp.abs(p2[i]) * x_i  # [E, B]
        agg = jax.ops.segment_sum(msg, dst, num_segments=N_NODES) / denom  # mean aggr at dst
        out = agg + agg_bias[i]
        h = jnp.where(out >= 0, out, 0.1 * out)  # leaky_relu(negative_slope=0.1)
    out = h.T  # [B, N]
    out = out @ pred_w.T + pred_b  # Linear(n_cell, 1) -> [B, 1]
    return out

if __name__ == "__main__":
    import jax
    _d = setup_inputs()
    print(jax.jit(kernel)(*tuple(_d.values())))

</pallas_src>

<mosaic_0001>
#map = affine_map<(d0, d1) -> (0, 0, 0)>
#map1 = affine_map<(d0, d1) -> (0)>
#map2 = affine_map<(d0, d1) -> (0, 0)>
module attributes {stable_mosaic.version = 14 : i64} {
  func.func @_sc_body(%arg0: i32, %arg1: i32, %arg2: memref<2x2x100096xf32, #tpu.memory_space<hbm>>, %arg3: memref<3200000xi32, #tpu.memory_space<hbm>>, %arg4: memref<3200000xi32, #tpu.memory_space<hbm>>, %arg5: memref<100096xf32, #tpu.memory_space<hbm>>, %arg6: memref<3x48xf32, #tpu.memory_space<hbm>>, %arg7: memref<2x100096xf32, #tpu.memory_space<hbm>>, %arg8: memref<6256xf32, #tpu.memory_space<hbm>>, %arg9: memref<2x16x16xf32, #tpu.memory_space<hbm>>, %arg10: memref<100096xf32, #tpu.memory_space<vmem_shared>>, %arg11: memref<100096xf32, #tpu.memory_space<vmem_shared>>, %arg12: memref<100096xf32, #tpu.memory_space<vmem_shared>>, %arg13: memref<100096xf32, #tpu.memory_space<vmem_shared>>, %arg14: memref<2x5000xi32, #tpu.memory_space<vmem>>, %arg15: memref<2x5000xi32, #tpu.memory_space<vmem>>, %arg16: memref<2x5000xf32, #tpu.memory_space<vmem>>, %arg17: memref<2x5000xf32, #tpu.memory_space<vmem>>, %arg18: memref<6256xf32, #tpu.memory_space<vmem>>, %arg19: memref<6256xf32, #tpu.memory_space<vmem>>, %arg20: memref<6256xf32, #tpu.memory_space<vmem>>, %arg21: memref<6256xf32, #tpu.memory_space<vmem>>, %arg22: memref<6256xf32, #tpu.memory_space<vmem>>, %arg23: memref<6256xf32, #tpu.memory_space<vmem>>, %arg24: memref<6256xf32, #tpu.memory_space<vmem>>, %arg25: memref<3x48xf32, #tpu.memory_space<vmem>>, %arg26: memref<16xf32, #tpu.memory_space<vmem>>, %arg27: memref<!tpu.dma_semaphore, #tpu.memory_space<semaphore_mem>>, %arg28: memref<!tpu.dma_semaphore, #tpu.memory_space<semaphore_mem>>, %arg29: memref<!tpu.dma_semaphore, #tpu.memory_space<semaphore_mem>>) attributes {dimension_semantics = [#tpu.dimension_semantics<core_parallel>, #tpu.dimension_semantics<subcore_parallel>], iteration_bounds = array<i64: 2, 16>, scalar_prefetch = 0 : i64, scratch_operands = 20 : i64, tpu.core_type = #tpu.core_type<sc_vector_subcore>, window_params = [{transform_indices = #map}, {transform_indices = #map1}, {transform_indices = #map1}, {transform_indices = #map1}, {transform_indices = #map2}, {transform_indices = #map2}, {transform_indices = #map1}, {transform_indices = #map}]} {
    %mul3A = arith.constant 6256 : i32
    %mul3A_0 = arith.muli %arg1, %mul3A : i32
    %mul3A_1 = arith.constant 200000 : i32
    %mul3A_2 = arith.muli %arg1, %mul3A_1 : i32
    %iota3A = tpu.iota {dimensions = array<i32: 0>} : vector<16xi32>
    "tpu.region"() ({
      %run_scoped3A_240 = tpu.sem_alloc : memref<!tpu.dma_semaphore, #tpu.memory_space<semaphore_mem>>
      tpu.enqueue_dma source(%arg6 : memref<3x48xf32, #tpu.memory_space<hbm>>) target(%arg25 : memref<3x48xf32, #tpu.memory_space<vmem>>) target_semaphore(%run_scoped3A_240 : memref<!tpu.dma_semaphore, #tpu.memory_space<semaphore_mem>>)
      tpu.wait_dma2 semaphore(%run_scoped3A_240 : memref<!tpu.dma_semaphore, #tpu.memory_space<semaphore_mem>>) src(%arg6 : memref<3x48xf32, #tpu.memory_space<hbm>>) dst(%arg25 : memref<3x48xf32, #tpu.memory_space<vmem>>)
      tpu.yield
    }) : () -> ()
    "tpu.region"() ({
      %run_scoped3A_240 = tpu.sem_alloc : memref<!tpu.dma_semaphore, #tpu.memory_space<semaphore_mem>>
      tpu.enqueue_dma source(%arg8 : memref<6256xf32, #tpu.memory_space<hbm>>) target(%arg23 : memref<6256xf32, #tpu.memory_space<vmem>>) target_semaphore(%run_scoped3A_240 : memref<!tpu.dma_semaphore, #tpu.memory_space<semaphore_mem>>)
      tpu.wait_dma2 semaphore(%run_scoped3A_240 : memref<!tpu.dma_semaphore, #tpu.memory_space<semaphore_mem>>) src(%arg8 : memref<6256xf32, #tpu.memory_space<hbm>>) dst(%arg23 : memref<6256xf32, #tpu.memory_space<vmem>>)
      tpu.yield
    }) : () -> ()
    "tpu.region"() ({
      %run_scoped3A_240 = tpu.sem_alloc : memref<!tpu.dma_semaphore, #tpu.memory_space<semaphore_mem>>
      %dma_start3A_241 = tpu.memref_slice %arg5[%mul3A_0] : memref<100096xf32, #tpu.memory_space<hbm>> -> memref<6256xf32, #tpu.memory_space<hbm>>
      %dma_start3A_242 = tpu.memref_slice %arg5[%mul3A_0] : memref<100096xf32, #tpu.memory_space<hbm>> -> memref<6256xf32, #tpu.memory_space<hbm>>
      tpu.enqueue_dma source(%dma_start3A_242 : memref<6256xf32, #tpu.memory_space<hbm>>) target(%arg24 : memref<6256xf32, #tpu.memory_space<vmem>>) target_semaphore(%run_scoped3A_240 : memref<!tpu.dma_semaphore, #tpu.memory_space<semaphore_mem>>)
      %dma_wait3A_243 = tpu.memref_slice %arg5[%mul3A_0] : memref<100096xf32, #tpu.memory_space<hbm>> -> memref<6256xf32, #tpu.memory_space<hbm>>
      %dma_wait3A_244 = tpu.memref_slice %arg5[%mul3A_0] : memref<100096xf32, #tpu.memory_space<hbm>> -> memref<6256xf32, #tpu.memory_space<hbm>>
      tpu.wait_dma2 semaphore(%run_scoped3A_240 : memref<!tpu.dma_semaphore, #tpu.memory_space<semaphore_mem>>) src(%dma_wait3A_244 : memref<6256xf32, #tpu.memory_space<hbm>>) dst(%arg24 : memref<6256xf32, #tpu.memory_space<vmem>>)
      tpu.yield
    }) : () -> ()
    %run_scoped3A = arith.constant 0 : i32
    "tpu.region"() ({
      %run_scoped3A_240 = tpu.sem_alloc : memref<!tpu.dma_semaphore, #tpu.memory_space<semaphore_mem>>
      %dma_start3A_241 = tpu.memref_slice %arg2[%arg0, %run_scoped3A, %mul3A_0] : memref<2x2x100096xf32, #tpu.memory_space<hbm>> -> memref<1x1x6256xf32, #tpu.memory_space<hbm>>
      %dma_start3A_242 = tpu.memref_squeeze %dma_start3A_241 : memref<1x1x6256xf32, #tpu.memory_space<hbm>> -> memref<6256xf32, #tpu.memory_space<hbm>>
      %dma_start3A_243 = tpu.memref_slice %arg2[%arg0, %run_scoped3A, %mul3A_0] : memref<2x2x100096xf32, #tpu.memory_space<hbm>> -> memref<1x1x6256xf32, #tpu.memory_space<hbm>>
      %dma_start3A_244 = tpu.memref_squeeze %dma_start3A_243 : memref<1x1x6256xf32, #tpu.memory_space<hbm>> -> memref<6256xf32, #tpu.memory_space<hbm>>
      tpu.enqueue_dma source(%dma_start3A_244 : memref<6256xf32, #tpu.memory_space<hbm>>) target(%arg21 : memref<6256xf32, #tpu.memory_space<vmem>>) target_semaphore(%run_scoped3A_240 : memref<!tpu.dma_semaphore, #tpu.memory_space<semaphore_mem>>)
      %dma_wait3A_245 = tpu.memref_slice %arg2[%arg0, %run_scoped3A, %mul3A_0] : memref<2x2x100096xf32, #tpu.memory_space<hbm>> -> memref<1x1x6256xf32, #tpu.memory_space<hbm>>
      %dma_wait3A_246 = tpu.memref_squeeze %dma_wait3A_245 : memref<1x1x6256xf32, #tpu.memory_space<hbm>> -> memref<6256xf32, #tpu.memory_space<hbm>>
      %dma_wait3A_247 = tpu.memref_slice %arg2[%arg0, %run_scoped3A, %mul3A_0] : memref<2x2x100096xf32, #tpu.memory_space<hbm>> -> memref<1x1x6256xf32, #tpu.memory_space<hbm>>
      %dma_wait3A_248 = tpu.memref_squeeze %dma_wait3A_247 : memref<1x1x6256xf32, #tpu.memory_space<hbm>> -> memref<6256xf32, #tpu.memory_space<hbm>>
      tpu.wait_dma2 semaphore(%run_scoped3A_240 : memref<!tpu.dma_semaphore, #tpu.memory_space<semaphore_mem>>) src(%dma_wait3A_248 : memref<6256xf32, #tpu.memory_space<hbm>>) dst(%arg21 : memref<6256xf32, #tpu.memory_space<vmem>>)
      tpu.yield
    }) : () -> ()
    %run_scoped3A_3 = arith.constant 1 : i32
    "tpu.region"() ({
      %run_scoped3A_240 = tpu.sem_alloc : memref<!tpu.dma_semaphore, #tpu.memory_space<semaphore_mem>>
      %dma_start3A_241 = tpu.memref_slice %arg2[%arg0, %run_scoped3A_3, %mul3A_0] : memref<2x2x100096xf32, #tpu.memory_space<hbm>> -> memref<1x1x6256xf32, #tpu.memory_space<hbm>>
      %dma_start3A_242 = tpu.memref_squeeze %dma_start3A_241 : memref<1x1x6256xf32, #tpu.memory_space<hbm>> -> memref<6256xf32, #tpu.memory_space<hbm>>
      %dma_start3A_243 = tpu.memref_slice %arg2[%arg0, %run_scoped3A_3, %mul3A_0] : memref<2x2x100096xf32, #tpu.memory_space<hbm>> -> memref<1x1x6256xf32, #tpu.memory_space<hbm>>
      %dma_start3A_244 = tpu.memref_squeeze %dma_start3A_243 : memref<1x1x6256xf32, #tpu.memory_space<hbm>> -> memref<6256xf32, #tpu.memory_space<hbm>>
      tpu.enqueue_dma source(%dma_start3A_244 : memref<6256xf32, #tpu.memory_space<hbm>>) target(%arg22 : memref<6256xf32, #tpu.memory_space<vmem>>) target_semaphore(%run_scoped3A_240 : memref<!tpu.dma_semaphore, #tpu.memory_space<semaphore_mem>>)
      %dma_wait3A_245 = tpu.memref_slice %arg2[%arg0, %run_scoped3A_3, %mul3A_0] : memref<2x2x100096xf32, #tpu.memory_space<hbm>> -> memref<1x1x6256xf32, #tpu.memory_space<hbm>>
      %dma_wait3A_246 = tpu.memref_squeeze %dma_wait3A_245 : memref<1x1x6256xf32, #tpu.memory_space<hbm>> -> memref<6256xf32, #tpu.memory_space<hbm>>
      %dma_wait3A_247 = tpu.memref_slice %arg2[%arg0, %run_scoped3A_3, %mul3A_0] : memref<2x2x100096xf32, #tpu.memory_space<hbm>> -> memref<1x1x6256xf32, #tpu.memory_space<hbm>>
      %dma_wait3A_248 = tpu.memref_squeeze %dma_wait3A_247 : memref<1x1x6256xf32, #tpu.memory_space<hbm>> -> memref<6256xf32, #tpu.memory_space<hbm>>
      tpu.wait_dma2 semaphore(%run_scoped3A_240 : memref<!tpu.dma_semaphore, #tpu.memory_space<semaphore_mem>>) src(%dma_wait3A_248 : memref<6256xf32, #tpu.memory_space<hbm>>) dst(%arg22 : memref<6256xf32, #tpu.memory_space<vmem>>)
      tpu.yield
    }) : () -> ()
    "tpu.region"() ({
      %run_scoped3A_240 = tpu.sem_alloc : memref<!tpu.dma_semaphore, #tpu.memory_space<semaphore_mem>>
      %dma_start3A_241 = tpu.memref_slice %arg10[%mul3A_0] : memref<100096xf32, #tpu.memory_space<vmem_shared>> -> memref<6256xf32, #tpu.memory_space<vmem_shared>>
      %dma_start3A_242 = tpu.memref_slice %arg10[%mul3A_0] : memref<100096xf32, #tpu.memory_space<vmem_shared>> -> memref<6256xf32, #tpu.memory_space<vmem_shared>>
      tpu.enqueue_dma source(%arg21 : memref<6256xf32, #tpu.memory_space<vmem>>) target(%dma_start3A_242 : memref<6256xf32, #tpu.memory_space<vmem_shared>>) target_semaphore(%run_scoped3A_240 : memref<!tpu.dma_semaphore, #tpu.memory_space<semaphore_mem>>)
      %dma_wait3A_243 = tpu.memref_slice %arg10[%mul3A_0] : memref<100096xf32, #tpu.memory_space<vmem_shared>> -> memref<6256xf32, #tpu.memory_space<vmem_shared>>
      %dma_wait3A_244 = tpu.memref_slice %arg10[%mul3A_0] : memref<100096xf32, #tpu.memory_space<vmem_shared>> -> memref<6256xf32, #tpu.memory_space<vmem_shared>>
      tpu.wait_dma2 semaphore(%run_scoped3A_240 : memref<!tpu.dma_semaphore, #tpu.memory_space<semaphore_mem>>) src(%arg21 : memref<6256xf32, #tpu.memory_space<vmem>>) dst(%dma_wait3A_244 : memref<6256xf32, #tpu.memory_space<vmem_shared>>)
      tpu.yield
    }) : () -> ()
    "tpu.region"() ({
      %run_scoped3A_240 = tpu.sem_alloc : memref<!tpu.dma_semaphore, #tpu.memory_space<semaphore_mem>>
      %dma_start3A_241 = tpu.memref_slice %arg11[%mul3A_0] : memref<100096xf32, #tpu.memory_space<vmem_shared>> -> memref<6256xf32, #tpu.memory_space<vmem_shared>>
      %dma_start3A_242 = tpu.memref_slice %arg11[%mul3A_0] : memref<100096xf32, #tpu.memory_space<vmem_shared>> -> memref<6256xf32, #tpu.memory_space<vmem_shared>>
      tpu.enqueue_dma source(%arg22 : memref<6256xf32, #tpu.memory_space<vmem>>) target(%dma_start3A_242 : memref<6256xf32, #tpu.memory_space<vmem_shared>>) target_semaphore(%run_scoped3A_240 : memref<!tpu.dma_semaphore, #tpu.memory_space<semaphore_mem>>)
      %dma_wait3A_243 = tpu.memref_slice %arg11[%mul3A_0] : memref<100096xf32, #tpu.memory_space<vmem_shared>> -> memref<6256xf32, #tpu.memory_space<vmem_shared>>
      %dma_wait3A_244 = tpu.memref_slice %arg11[%mul3A_0] : memref<100096xf32, #tpu.memory_space<vmem_shared>> -> memref<6256xf32, #tpu.memory_space<vmem_shared>>
      tpu.wait_dma2 semaphore(%run_scoped3A_240 : memref<!tpu.dma_semaphore, #tpu.memory_space<semaphore_mem>>) src(%arg22 : memref<6256xf32, #tpu.memory_space<vmem>>) dst(%dma_wait3A_244 : memref<6256xf32, #tpu.memory_space<vmem_shared>>)
      tpu.yield
    }) : () -> ()
    "tpu.region"() ({
      %run_scoped3A_240 = tpu.sem_alloc : memref<!tpu.dma_semaphore, #tpu.memory_space<semaphore_mem>>
      %dma_start3A_241 = tpu.memref_slice %arg12[%mul3A_0] : memref<100096xf32, #tpu.memory_space<vmem_shared>> -> memref<6256xf32, #tpu.memory_space<vmem_shared>>
      %dma_start3A_242 = tpu.memref_slice %arg12[%mul3A_0] : memref<100096xf32, #tpu.memory_space<vmem_shared>> -> memref<6256xf32, #tpu.memory_space<vmem_shared>>
      tpu.enqueue_dma source(%arg23 : memref<6256xf32, #tpu.memory_space<vmem>>) target(%dma_start3A_242 : memref<6256xf32, #tpu.memory_space<vmem_shared>>) target_semaphore(%run_scoped3A_240 : memref<!tpu.dma_semaphore, #tpu.memory_space<semaphore_mem>>)
      %dma_wait3A_243 = tpu.memref_slice %arg12[%mul3A_0] : memref<100096xf32, #tpu.memory_space<vmem_shared>> -> memref<6256xf32, #tpu.memory_space<vmem_shared>>
      %dma_wait3A_244 = tpu.memref_slice %arg12[%mul3A_0] : memref<100096xf32, #tpu.memory_space<vmem_shared>> -> memref<6256xf32, #tpu.memory_space<vmem_shared>>
      tpu.wait_dma2 semaphore(%run_scoped3A_240 : memref<!tpu.dma_semaphore, #tpu.memory_space<semaphore_mem>>) src(%arg23 : memref<6256xf32, #tpu.memory_space<vmem>>) dst(%dma_wait3A_244 : memref<6256xf32, #tpu.memory_space<vmem_shared>>)
      tpu.yield
    }) : () -> ()
    "tpu.region"() ({
      %run_scoped3A_240 = tpu.sem_alloc : memref<!tpu.dma_semaphore, #tpu.memory_space<semaphore_mem>>
      %dma_start3A_241 = tpu.memref_slice %arg13[%mul3A_0] : memref<100096xf32, #tpu.memory_space<vmem_shared>> -> memref<6256xf32, #tpu.memory_space<vmem_shared>>
      %dma_start3A_242 = tpu.memref_slice %arg13[%mul3A_0] : memref<100096xf32, #tpu.memory_space<vmem_shared>> -> memref<6256xf32, #tpu.memory_space<vmem_shared>>
      tpu.enqueue_dma source(%arg23 : memref<6256xf32, #tpu.memory_space<vmem>>) target(%dma_start3A_242 : memref<6256xf32, #tpu.memory_space<vmem_shared>>) target_semaphore(%run_scoped3A_240 : memref<!tpu.dma_semaphore, #tpu.memory_space<semaphore_mem>>)
      %dma_wait3A_243 = tpu.memref_slice %arg13[%mul3A_0] : memref<100096xf32, #tpu.memory_space<vmem_shared>> -> memref<6256xf32, #tpu.memory_space<vmem_shared>>
      %dma_wait3A_244 = tpu.memref_slice %arg13[%mul3A_0] : memref<100096xf32, #tpu.memory_space<vmem_shared>> -> memref<6256xf32, #tpu.memory_space<vmem_shared>>
      tpu.wait_dma2 semaphore(%run_scoped3A_240 : memref<!tpu.dma_semaphore, #tpu.memory_space<semaphore_mem>>) src(%arg23 : memref<6256xf32, #tpu.memory_space<vmem>>) dst(%dma_wait3A_244 : memref<6256xf32, #tpu.memory_space<vmem_shared>>)
      tpu.yield
    }) : () -> ()
    %run_scoped3A_4 = arith.constant 0 : i32
    "tpu.region"() ({
      %run_scoped3A_240 = tpu.sem_alloc : memref<!tpu.dma_semaphore, #tpu.memory_space<semaphore_mem>>
      %dma_start3A_241 = tpu.memref_slice %arg7[%run_scoped3A_4, %mul3A_0] : memref<2x100096xf32, #tpu.memory_space<hbm>> -> memref<1x6256xf32, #tpu.memory_space<hbm>>
      %dma_start3A_242 = tpu.memref_squeeze %dma_start3A_241 : memref<1x6256xf32, #tpu.memory_space<hbm>> -> memref<6256xf32, #tpu.memory_space<hbm>>
      %dma_start3A_243 = tpu.memref_slice %arg7[%run_scoped3A_4, %mul3A_0] : memref<2x100096xf32, #tpu.memory_space<hbm>> -> memref<1x6256xf32, #tpu.memory_space<hbm>>
      %dma_start3A_244 = tpu.memref_squeeze %dma_start3A_243 : memref<1x6256xf32, #tpu.memory_space<hbm>> -> memref<6256xf32, #tpu.memory_space<hbm>>
      tpu.enqueue_dma source(%dma_start3A_244 : memref<6256xf32, #tpu.memory_space<hbm>>) target(%arg20 : memref<6256xf32, #tpu.memory_space<vmem>>) target_semaphore(%run_scoped3A_240 : memref<!tpu.dma_semaphore, #tpu.memory_space<semaphore_mem>>)
      %dma_wait3A_245 = tpu.memref_slice %arg7[%run_scoped3A_4, %mul3A_0] : memref<2x100096xf32, #tpu.memory_space<hbm>> -> memref<1x6256xf32, #tpu.memory_space<hbm>>
      %dma_wait3A_246 = tpu.memref_squeeze %dma_wait3A_245 : memref<1x6256xf32, #tpu.memory_space<hbm>> -> memref<6256xf32, #tpu.memory_space<hbm>>
      %dma_wait3A_247 = tpu.memref_slice %arg7[%run_scoped3A_4, %mul3A_0] : memref<2x100096xf32, #tpu.memory_space<hbm>> -> memref<1x6256xf32, #tpu.memory_space<hbm>>
      %dma_wait3A_248 = tpu.memref_squeeze %dma_wait3A_247 : memref<1x6256xf32, #tpu.memory_space<hbm>> -> memref<6256xf32, #tpu.memory_space<hbm>>
      tpu.wait_dma2 semaphore(%run_scoped3A_240 : memref<!tpu.dma_semaphore, #tpu.memory_space<semaphore_mem>>) src(%dma_wait3A_248 : memref<6256xf32, #tpu.memory_space<hbm>>) dst(%arg20 : memref<6256xf32, #tpu.memory_space<vmem>>)
      tpu.yield
    }) : () -> ()
    %run_scoped3A_5 = arith.constant 1 : i32
    "tpu.region"() ({
      %run_scoped3A_240 = tpu.sem_alloc : memref<!tpu.dma_semaphore, #tpu.memory_space<semaphore_mem>>
      %dma_start3A_241 = tpu.memref_slice %arg7[%run_scoped3A_5, %mul3A_0] : memref<2x100096xf32, #tpu.memory_space<hbm>> -> memref<1x6256xf32, #tpu.memory_space<hbm>>
      %dma_start3A_242 = tpu.memref_squeeze %dma_start3A_241 : memref<1x6256xf32, #tpu.memory_space<hbm>> -> memref<6256xf32, #tpu.memory_space<hbm>>
      %dma_start3A_243 = tpu.memref_slice %arg7[%run_scoped3A_5, %mul3A_0] : memref<2x100096xf32, #tpu.memory_space<hbm>> -> memref<1x6256xf32, #tpu.memory_space<hbm>>
      %dma_start3A_244 = tpu.memref_squeeze %dma_start3A_243 : memref<1x6256xf32, #tpu.memory_space<hbm>> -> memref<6256xf32, #tpu.memory_space<hbm>>
      tpu.enqueue_dma source(%dma_start3A_244 : memref<6256xf32, #tpu.memory_space<hbm>>) target(%arg18 : memref<6256xf32, #tpu.memory_space<vmem>>) target_semaphore(%run_scoped3A_240 : memref<!tpu.dma_semaphore, #tpu.memory_space<semaphore_mem>>)
      %dma_wait3A_245 = tpu.memref_slice %arg7[%run_scoped3A_5, %mul3A_0] : memref<2x100096xf32, #tpu.memory_space<hbm>> -> memref<1x6256xf32, #tpu.memory_space<hbm>>
      %dma_wait3A_246 = tpu.memref_squeeze %dma_wait3A_245 : memref<1x6256xf32, #tpu.memory_space<hbm>> -> memref<6256xf32, #tpu.memory_space<hbm>>
      %dma_wait3A_247 = tpu.memref_slice %arg7[%run_scoped3A_5, %mul3A_0] : memref<2x100096xf32, #tpu.memory_space<hbm>> -> memref<1x6256xf32, #tpu.memory_space<hbm>>
      %dma_wait3A_248 = tpu.memref_squeeze %dma_wait3A_247 : memref<1x6256xf32, #tpu.memory_space<hbm>> -> memref<6256xf32, #tpu.memory_space<hbm>>
      tpu.wait_dma2 semaphore(%run_scoped3A_240 : memref<!tpu.dma_semaphore, #tpu.memory_space<semaphore_mem>>) src(%dma_wait3A_248 : memref<6256xf32, #tpu.memory_space<hbm>>) dst(%arg18 : memref<6256xf32, #tpu.memory_space<vmem>>)
      tpu.yield
    }) : () -> ()
    %scan3A = arith.constant 0 : i32
    %scan3A_6 = arith.constant 0 : i32
    %scan3A_7 = arith.constant 391 : i32
    %scan3A_8 = arith.addi %scan3A_6, %scan3A_7 : i32
    %scan3A_9 = arith.constant 1 : i32
    scf.for %scan3A_240 = %scan3A_6 to %scan3A_8 step %scan3A_9  : i32 {
      %mul3A_241 = arith.constant 16 : i32
      %mul3A_242 = arith.muli %scan3A_240, %mul3A_241 : i32
      %get3A_243 = arith.index_cast %mul3A_242 : i32 to index
      %get3A_244 = tpu.vector_load %arg20[%get3A_243] {strides = array<i32>} : memref<6256xf32, #tpu.memory_space<vmem>>, vector<16xf32>,
      %get3A_245 = arith.index_cast %mul3A_242 : i32 to index
      %get3A_246 = tpu.vector_load %arg18[%get3A_245] {strides = array<i32>} : memref<6256xf32, #tpu.memory_space<vmem>>, vector<16xf32>,
      %add3A_247 = arith.addf %get3A_244, %get3A_246 : vector<16xf32>
      %swap3A_248 = arith.index_cast %mul3A_242 : i32 to index
      %swap3A_249 = tpu.vector_load %arg20[%swap3A_248] {strides = array<i32>} : memref<6256xf32, #tpu.memory_space<vmem>>, vector<16xf32>,
      tpu.vector_store %arg20[%swap3A_248], %add3A_247 {strides = array<i32>} : memref<6256xf32, #tpu.memory_space<vmem>>, vector<16xf32>,
    }
    %scan3A_10 = arith.constant 391 : i32
    %barrier3A = arith.constant 0 : index
    tpu.barrier barrier_id(%barrier3A)
    %broadcast_in_dim3A = arith.constant 0.000000e+00 : f32
    %broadcast_in_dim3A_11 = vector.broadcast %broadcast_in_dim3A : f32 to vector<16xf32>
    %broadcast_in_dim3A_12 = arith.constant 0.000000e+00 : f32
    %broadcast_in_dim3A_13 = vector.broadcast %broadcast_in_dim3A_12 : f32 to vector<16xf32>
    %add3A = arith.constant 0 : i32
    %add3A_14 = arith.addi %mul3A_2, %add3A : i32
    %dma_start3A = arith.constant 0 : i32
    %dma_start3A_15 = arith.constant 0 : i32
    %dma_start3A_16 = tpu.memref_slice %arg14[%dma_start3A, %dma_start3A_15] : memref<2x5000xi32, #tpu.memory_space<vmem>> -> memref<1x5000xi32, #tpu.memory_space<vmem>>
    %dma_start3A_17 = tpu.memref_squeeze %dma_start3A_16 : memref<1x5000xi32, #tpu.memory_space<vmem>> -> memref<5000xi32, #tpu.memory_space<vmem>>
    %dma_start3A_18 = tpu.memref_slice %arg3[%add3A_14] : memref<3200000xi32, #tpu.memory_space<hbm>> -> memref<5000xi32, #tpu.memory_space<hbm>>
    %dma_start3A_19 = arith.constant 0 : i32
    %dma_start3A_20 = tpu.memref_slice %arg14[%dma_start3A, %dma_start3A_19] : memref<2x5000xi32, #tpu.memory_space<vmem>> -> memref<1x5000xi32, #tpu.memory_space<vmem>>
    %dma_start3A_21 = tpu.memref_squeeze %dma_start3A_20 : memref<1x5000xi32, #tpu.memory_space<vmem>> -> memref<5000xi32, #tpu.memory_space<vmem>>
    %dma_start3A_22 = tpu.memref_slice %arg3[%add3A_14] : memref<3200000xi32, #tpu.memory_space<hbm>> -> memref<5000xi32, #tpu.memory_space<hbm>>
    tpu.enqueue_dma source(%dma_start3A_22 : memref<5000xi32, #tpu.memory_space<hbm>>) target(%dma_start3A_21 : memref<5000xi32, #tpu.memory_space<vmem>>) target_semaphore(%arg27 : memref<!tpu.dma_semaphore, #tpu.memory_space<semaphore_mem>>)
    %dma_start3A_23 = arith.constant 0 : i32
    %dma_start3A_24 = arith.constant 0 : i32
    %dma_start3A_25 = tpu.memref_slice %arg15[%dma_start3A_23, %dma_start3A_24] : memref<2x5000xi32, #tpu.memory_space<vmem>> -> memref<1x5000xi32, #tpu.memory_space<vmem>>
    %dma_start3A_26 = tpu.memref_squeeze %dma_start3A_25 : memref<1x5000xi32, #tpu.memory_space<vmem>> -> memref<5000xi32, #tpu.memory_space<vmem>>
    %dma_start3A_27 = tpu.memref_slice %arg4[%add3A_14] : memref<3200000xi32, #tpu.memory_space<hbm>> -> memref<5000xi32, #tpu.memory_space<hbm>>
    %dma_start3A_28 = arith.constant 0 : i32
    %dma_start3A_29 = tpu.memref_slice %arg15[%dma_start3A_23, %dma_start3A_28] : memref<2x5000xi32, #tpu.memory_space<vmem>> -> memref<1x5000xi32, #tpu.memory_space<vmem>>
    %dma_start3A_30 = tpu.memref_squeeze %dma_start3A_29 : memref<1x5000xi32, #tpu.memory_space<vmem>> -> memref<5000xi32, #tpu.memory_space<vmem>>
    %dma_start3A_31 = tpu.memref_slice %arg4[%add3A_14] : memref<3200000xi32, #tpu.memory_space<hbm>> -> memref<5000xi32, #tpu.memory_space<hbm>>
    tpu.enqueue_dma source(%dma_start3A_31 : memref<5000xi32, #tpu.memory_space<hbm>>) target(%dma_start3A_30 : memref<5000xi32, #tpu.memory_space<vmem>>) target_semaphore(%arg27 : memref<!tpu.dma_semaphore, #tpu.memory_space<semaphore_mem>>)
    %scan3A_32 = arith.constant 0 : i32
    %scan3A_33 = arith.constant 0 : i32
    %scan3A_34 = arith.constant 20 : i32
    %scan3A_35 = arith.addi %scan3A_33, %scan3A_34 : i32
    %scan3A_36 = arith.constant 1 : i32
    scf.for %scan3A_240 = %scan3A_33 to %scan3A_35 step %scan3A_36  : i32 {
      %mul3A_241 = arith.constant 2 : i32
      %mul3A_242 = arith.muli %mul3A_241, %scan3A_240 : i32
      %add3A_243 = arith.constant 0 : i32
      %add3A_244 = arith.addi %mul3A_242, %add3A_243 : i32
      %mul3A_245 = arith.constant 5000 : i32
      %mul3A_246 = arith.muli %add3A_244, %mul3A_245 : i32
      %add3A_247 = arith.addi %mul3A_2, %mul3A_246 : i32
      %dma_wait3A_248 = arith.constant 0 : i32
      %dma_wait3A_249 = arith.constant 0 : i32
      %dma_wait3A_250 = tpu.memref_slice %arg14[%dma_wait3A_248, %dma_wait3A_249] : memref<2x5000xi32, #tpu.memory_space<vmem>> -> memref<1x5000xi32, #tpu.memory_space<vmem>>
      %dma_wait3A_251 = tpu.memref_squeeze %dma_wait3A_250 : memref<1x5000xi32, #tpu.memory_space<vmem>> -> memref<5000xi32, #tpu.memory_space<vmem>>
      %dma_wait3A_252 = tpu.memref_slice %arg3[%add3A_247] : memref<3200000xi32, #tpu.memory_space<hbm>> -> memref<5000xi32, #tpu.memory_space<hbm>>
      %dma_wait3A_253 = arith.constant 0 : i32
      %dma_wait3A_254 = tpu.memref_slice %arg14[%dma_wait3A_248, %dma_wait3A_253] : memref<2x5000xi32, #tpu.memory_space<vmem>> -> memref<1x5000xi32, #tpu.memory_space<vmem>>
      %dma_wait3A_255 = tpu.memref_squeeze %dma_wait3A_254 : memref<1x5000xi32, #tpu.memory_space<vmem>> -> memref<5000xi32, #tpu.memory_space<vmem>>
      %dma_wait3A_256 = tpu.memref_slice %arg3[%add3A_247] : memref<3200000xi32, #tpu.memory_space<hbm>> -> memref<5000xi32, #tpu.memory_space<hbm>>
      tpu.wait_dma2 semaphore(%arg27 : memref<!tpu.dma_semaphore, #tpu.memory_space<semaphore_mem>>) src(%dma_wait3A_256 : memref<5000xi32, #tpu.memory_space<hbm>>) dst(%dma_wait3A_255 : memref<5000xi32, #tpu.memory_space<vmem>>)
      %dma_wait3A_257 = arith.constant 0 : i32
      %dma_wait3A_258 = arith.constant 0 : i32
      %dma_wait3A_259 = tpu.memref_slice %arg15[%dma_wait3A_257, %dma_wait3A_258] : memref<2x5000xi32, #tpu.memory_space<vmem>> -> memref<1x5000xi32, #tpu.memory_space<vmem>>
      %dma_wait3A_260 = tpu.memref_squeeze %dma_wait3A_259 : memref<1x5000xi32, #tpu.memory_space<vmem>> -> memref<5000xi32, #tpu.memory_space<vmem>>
      %dma_wait3A_261 = tpu.memref_slice %arg4[%add3A_247] : memref<3200000xi32, #tpu.memory_space<hbm>> -> memref<5000xi32, #tpu.memory_space<hbm>>
      %dma_wait3A_262 = arith.constant 0 : i32
      %dma_wait3A_263 = tpu.memref_slice %arg15[%dma_wait3A_257, %dma_wait3A_262] : memref<2x5000xi32, #tpu.memory_space<vmem>> -> memref<1x5000xi32, #tpu.memory_space<vmem>>
      %dma_wait3A_264 = tpu.memref_squeeze %dma_wait3A_263 : memref<1x5000xi32, #tpu.memory_space<vmem>> -> memref<5000xi32, #tpu.memory_space<vmem>>
      %dma_wait3A_265 = tpu.memref_slice %arg4[%add3A_247] : memref<3200000xi32, #tpu.memory_space<hbm>> -> memref<5000xi32, #tpu.memory_space<hbm>>
      tpu.wait_dma2 semaphore(%arg27 : memref<!tpu.dma_semaphore, #tpu.memory_space<semaphore_mem>>) src(%dma_wait3A_265 : memref<5000xi32, #tpu.memory_space<hbm>>) dst(%dma_wait3A_264 : memref<5000xi32, #tpu.memory_space<vmem>>)
      %dma_start3A_266 = arith.constant 0 : i32
      %dma_start3A_267 = arith.constant 0 : i32
      %dma_start3A_268 = arith.constant 0 : i32
      %dma_start3A_269 = tpu.memref_slice %arg16[%dma_start3A_267, %dma_start3A_268] : memref<2x5000xf32, #tpu.memory_space<vmem>> -> memref<1x5000xf32, #tpu.memory_space<vmem>>
      %dma_start3A_270 = tpu.memref_squeeze %dma_start3A_269 : memref<1x5000xf32, #tpu.memory_space<vmem>> -> memref<5000xf32, #tpu.memory_space<vmem>>
      %dma_start3A_271 = arith.constant 0 : i32
      %dma_start3A_272 = tpu.memref_slice %arg14[%dma_start3A_266, %dma_start3A_271] : memref<2x5000xi32, #tpu.memory_space<vmem>> -> memref<1x5000xi32, #tpu.memory_space<vmem>>
      %dma_start3A_273 = tpu.memref_squeeze %dma_start3A_272 : memref<1x5000xi32, #tpu.memory_space<vmem>> -> memref<5000xi32, #tpu.memory_space<vmem>>
      %dma_start3A_274 = arith.constant 0 : i32
      %dma_start3A_275 = tpu.memref_slice %arg10[%dma_start3A_274] : memref<100096xf32, #tpu.memory_space<vmem_shared>> -> memref<100096xf32, #tpu.memory_space<vmem_shared>>
      tpu.enqueue_indirect_dma source(%dma_start3A_275 : memref<100096xf32, #tpu.memory_space<vmem_shared>>) target(%dma_start3A_270 : memref<5000xf32, #tpu.memory_space<vmem>>) offsets(%dma_start3A_273 : memref<5000xi32, #tpu.memory_space<vmem>>) semaphore(%arg28 : memref<!tpu.dma_semaphore, #tpu.memory_space<semaphore_mem>>)
      %dma_start3A_276 = arith.constant 0 : i32
      %dma_start3A_277 = arith.constant 0 : i32
      %dma_start3A_278 = arith.constant 0 : i32
      %dma_start3A_279 = tpu.memref_slice %arg17[%dma_start3A_277, %dma_start3A_278] : memref<2x5000xf32, #tpu.memory_space<vmem>> -> memref<1x5000xf32, #tpu.memory_space<vmem>>
      %dma_start3A_280 = tpu.memref_squeeze %dma_start3A_279 : memref<1x5000xf32, #tpu.memory_space<vmem>> -> memref<5000xf32, #tpu.memory_space<vmem>>
      %dma_start3A_281 = arith.constant 0 : i32
      %dma_start3A_282 = tpu.memref_slice %arg14[%dma_start3A_276, %dma_start3A_281] : memref<2x5000xi32, #tpu.memory_space<vmem>> -> memref<1x5000xi32, #tpu.memory_space<vmem>>
      %dma_start3A_283 = tpu.memref_squeeze %dma_start3A_282 : memref<1x5000xi32, #tpu.memory_space<vmem>> -> memref<5000xi32, #tpu.memory_space<vmem>>
      %dma_start3A_284 = arith.constant 0 : i32
      %dma_start3A_285 = tpu.memref_slice %arg11[%dma_start3A_284] : memref<100096xf32, #tpu.memory_space<vmem_shared>> -> memref<100096xf32, #tpu.memory_space<vmem_shared>>
      tpu.enqueue_indirect_dma source(%dma_start3A_285 : memref<100096xf32, #tpu.memory_space<vmem_shared>>) target(%dma_start3A_280 : memref<5000xf32, #tpu.memory_space<vmem>>) offsets(%dma_start3A_283 : memref<5000xi32, #tpu.memory_space<vmem>>) semaphore(%arg28 : memref<!tpu.dma_semaphore, #tpu.memory_space<semaphore_mem>>)
      %gt3A = arith.constant 0 : i32
      %gt3A_286 = arith.cmpi sgt, %scan3A_240, %gt3A : i32
      %convert_element_type3A = arith.extui %gt3A_286 : i1 to i32
      %cond3A = arith.constant 0 : i32
      %cond3A_287 = arith.cmpi ne, %convert_element_type3A, %cond3A : i32
      scf.if %cond3A_287 {
        %dma_wait3A_460 = arith.constant 1 : i32
        %dma_wait3A_461 = arith.constant 1 : i32
        %dma_wait3A_462 = arith.constant 0 : i32
        %dma_wait3A_463 = tpu.memref_slice %arg16[%dma_wait3A_460, %dma_wait3A_462] : memref<2x5000xf32, #tpu.memory_space<vmem>> -> memref<1x5000xf32, #tpu.memory_space<vmem>>
        %dma_wait3A_464 = tpu.memref_squeeze %dma_wait3A_463 : memref<1x5000xf32, #tpu.memory_space<vmem>> -> memref<5000xf32, #tpu.memory_space<vmem>>
        %dma_wait3A_465 = arith.constant 0 : i32
        %dma_wait3A_466 = tpu.memref_slice %arg15[%dma_wait3A_461, %dma_wait3A_465] : memref<2x5000xi32, #tpu.memory_space<vmem>> -> memref<1x5000xi32, #tpu.memory_space<vmem>>
        %dma_wait3A_467 = tpu.memref_squeeze %dma_wait3A_466 : memref<1x5000xi32, #tpu.memory_space<vmem>> -> memref<5000xi32, #tpu.memory_space<vmem>>
        %dma_wait3A_468 = arith.constant 0 : i32
        %dma_wait3A_469 = tpu.memref_slice %arg12[%dma_wait3A_468] : memref<100096xf32, #tpu.memory_space<vmem_shared>> -> memref<100096xf32, #tpu.memory_space<vmem_shared>>
        tpu.wait_indirect_dma semaphore(%arg29 : memref<!tpu.dma_semaphore, #tpu.memory_space<semaphore_mem>>) src(%dma_wait3A_464 : memref<5000xf32, #tpu.memory_space<vmem>>) dst(%dma_wait3A_469 : memref<100096xf32, #tpu.memory_space<vmem_shared>>)
        %dma_wait3A_470 = arith.constant 1 : i32
        %dma_wait3A_471 = arith.constant 1 : i32
        %dma_wait3A_472 = arith.constant 0 : i32
        %dma_wait3A_473 = tpu.memref_slice %arg17[%dma_wait3A_470, %dma_wait3A_472] : memref<2x5000xf32, #tpu.memory_space<vmem>> -> memref<1x5000xf32, #tpu.memory_space<vmem>>
        %dma_wait3A_474 = tpu.memref_squeeze %dma_wait3A_473 : memref<1x5000xf32, #tpu.memory_space<vmem>> -> memref<5000xf32, #tpu.memory_space<vmem>>
        %dma_wait3A_475 = arith.constant 0 : i32
        %dma_wait3A_476 = tpu.memref_slice %arg15[%dma_wait3A_471, %dma_wait3A_475] : memref<2x5000xi32, #tpu.memory_space<vmem>> -> memref<1x5000xi32, #tpu.memory_space<vmem>>
        %dma_wait3A_477 = tpu.memref_squeeze %dma_wait3A_476 : memref<1x5000xi32, #tpu.memory_space<vmem>> -> memref<5000xi32, #tpu.memory_space<vmem>>
        %dma_wait3A_478 = arith.constant 0 : i32
        %dma_wait3A_479 = tpu.memref_slice %arg13[%dma_wait3A_478] : memref<100096xf32, #tpu.memory_space<vmem_shared>> -> memref<100096xf32, #tpu.memory_space<vmem_shared>>
        tpu.wait_indirect_dma semaphore(%arg29 : memref<!tpu.dma_semaphore, #tpu.memory_space<semaphore_mem>>) src(%dma_wait3A_474 : memref<5000xf32, #tpu.memory_space<vmem>>) dst(%dma_wait3A_479 : memref<100096xf32, #tpu.memory_space<vmem_shared>>)
      } else {
      }
      %add3A_288 = arith.constant 1 : i32
      %add3A_289 = arith.addi %add3A_244, %add3A_288 : i32
      %mul3A_290 = arith.constant 5000 : i32
      %mul3A_291 = arith.muli %add3A_289, %mul3A_290 : i32
      %add3A_292 = arith.addi %mul3A_2, %mul3A_291 : i32
      %dma_start3A_293 = arith.constant 1 : i32
      %dma_start3A_294 = arith.constant 0 : i32
      %dma_start3A_295 = tpu.memref_slice %arg14[%dma_start3A_293, %dma_start3A_294] : memref<2x5000xi32, #tpu.memory_space<vmem>> -> memref<1x5000xi32, #tpu.memory_space<vmem>>
      %dma_start3A_296 = tpu.memref_squeeze %dma_start3A_295 : memref<1x5000xi32, #tpu.memory_space<vmem>> -> memref<5000xi32, #tpu.memory_space<vmem>>
      %dma_start3A_297 = tpu.memref_slice %arg3[%add3A_292] : memref<3200000xi32, #tpu.memory_space<hbm>> -> memref<5000xi32, #tpu.memory_space<hbm>>
      %dma_start3A_298 = arith.constant 0 : i32
      %dma_start3A_299 = tpu.memref_slice %arg14[%dma_start3A_293, %dma_start3A_298] : memref<2x5000xi32, #tpu.memory_space<vmem>> -> memref<1x5000xi32, #tpu.memory_space<vmem>>
      %dma_start3A_300 = tpu.memref_squeeze %dma_start3A_299 : memref<1x5000xi32, #tpu.memory_space<vmem>> -> memref<5000xi32, #tpu.memory_space<vmem>>
      %dma_start3A_301 = tpu.memref_slice %arg3[%add3A_292] : memref<3200000xi32, #tpu.memory_space<hbm>> -> memref<5000xi32, #tpu.memory_space<hbm>>
      tpu.enqueue_dma source(%dma_start3A_301 : memref<5000xi32, #tpu.memory_space<hbm>>) target(%dma_start3A_300 : memref<5000xi32, #tpu.memory_space<vmem>>) target_semaphore(%arg27 : memref<!tpu.dma_semaphore, #tpu.memory_space<semaphore_mem>>)
      %dma_start3A_302 = arith.constant 1 : i32
      %dma_start3A_303 = arith.constant 0 : i32
      %dma_start3A_304 = tpu.memref_slice %arg15[%dma_start3A_302, %dma_start3A_303] : memref<2x5000xi32, #tpu.memory_space<vmem>> -> memref<1x5000xi32, #tpu.memory_space<vmem>>
      %dma_start3A_305 = tpu.memref_squeeze %dma_start3A_304 : memref<1x5000xi32, #tpu.memory_space<vmem>> -> memref<5000xi32, #tpu.memory_space<vmem>>
      %dma_start3A_306 = tpu.memref_slice %arg4[%add3A_292] : memref<3200000xi32, #tpu.memory_space<hbm>> -> memref<5000xi32, #tpu.memory_space<hbm>>
      %dma_start3A_307 = arith.constant 0 : i32
      %dma_start3A_308 = tpu.memref_slice %arg15[%dma_start3A_302, %dma_start3A_307] : memref<2x5000xi32, #tpu.memory_space<vmem>> -> memref<1x5000xi32, #tpu.memory_space<vmem>>
      %dma_start3A_309 = tpu.memref_squeeze %dma_start3A_308 : memref<1x5000xi32, #tpu.memory_space<vmem>> -> memref<5000xi32, #tpu.memory_space<vmem>>
      %dma_start3A_310 = tpu.memref_slice %arg4[%add3A_292] : memref<3200000xi32, #tpu.memory_space<hbm>> -> memref<5000xi32, #tpu.memory_space<hbm>>
      tpu.enqueue_dma source(%dma_start3A_310 : memref<5000xi32, #tpu.memory_space<hbm>>) target(%dma_start3A_309 : memref<5000xi32, #tpu.memory_space<vmem>>) target_semaphore(%arg27 : memref<!tpu.dma_semaphore, #tpu.memory_space<semaphore_mem>>)
      %dma_wait3A_311 = arith.constant 0 : i32
      %dma_wait3A_312 = arith.constant 0 : i32
      %dma_wait3A_313 = arith.constant 0 : i32
      %dma_wait3A_314 = tpu.memref_slice %arg16[%dma_wait3A_312, %dma_wait3A_313] : memref<2x5000xf32, #tpu.memory_space<vmem>> -> memref<1x5000xf32, #tpu.memory_space<vmem>>
      %dma_wait3A_315 = tpu.memref_squeeze %dma_wait3A_314 : memref<1x5000xf32, #tpu.memory_space<vmem>> -> memref<5000xf32, #tpu.memory_space<vmem>>
      %dma_wait3A_316 = arith.constant 0 : i32
      %dma_wait3A_317 = tpu.memref_slice %arg14[%dma_wait3A_311, %dma_wait3A_316] : memref<2x5000xi32, #tpu.memory_space<vmem>> -> memref<1x5000xi32, #tpu.memory_space<vmem>>
      %dma_wait3A_318 = tpu.memref_squeeze %dma_wait3A_317 : memref<1x5000xi32, #tpu.memory_space<vmem>> -> memref<5000xi32, #tpu.memory_space<vmem>>
      %dma_wait3A_319 = arith.constant 0 : i32
      %dma_wait3A_320 = tpu.memref_slice %arg10[%dma_wait3A_319] : memref<100096xf32, #tpu.memory_space<vmem_shared>> -> memref<100096xf32, #tpu.memory_space<vmem_shared>>
      tpu.wait_indirect_dma semaphore(%arg28 : memref<!tpu.dma_semaphore, #tpu.memory_space<semaphore_mem>>) src(%dma_wait3A_320 : memref<100096xf32, #tpu.memory_space<vmem_shared>>) dst(%dma_wait3A_315 : memref<5000xf32, #tpu.memory_space<vmem>>)
      %dma_wait3A_321 = arith.constant 0 : i32
      %dma_wait3A_322 = arith.constant 0 : i32
      %dma_wait3A_323 = arith.constant 0 : i32
      %dma_wait3A_324 = tpu.memref_slice %arg17[%dma_wait3A_322, %dma_wait3A_323] : memref<2x5000xf32, #tpu.memory_space<vmem>> -> memref<1x5000xf32, #tpu.memory_space<vmem>>
      %dma_wait3A_325 = tpu.memref_squeeze %dma_wait3A_324 : memref<1x5000xf32, #tpu.memory_space<vmem>> -> memref<5000xf32, #tpu.memory_space<vmem>>
      %dma_wait3A_326 = arith.constant 0 : i32
      %dma_wait3A_327 = tpu.memref_slice %arg14[%dma_wait3A_321, %dma_wait3A_326] : memref<2x5000xi32, #tpu.memory_space<vmem>> -> memref<1x5000xi32, #tpu.memory_space<vmem>>
      %dma_wait3A_328 = tpu.memref_squeeze %dma_wait3A_327 : memref<1x5000xi32, #tpu.memory_space<vmem>> -> memref<5000xi32, #tpu.memory_space<vmem>>
      %dma_wait3A_329 = arith.constant 0 : i32
      %dma_wait3A_330 = tpu.memref_slice %arg11[%dma_wait3A_329] : memref<100096xf32, #tpu.memory_space<vmem_shared>> -> memref<100096xf32, #tpu.memory_space<vmem_shared>>
      tpu.wait_indirect_dma semaphore(%arg28 : memref<!tpu.dma_semaphore, #tpu.memory_space<semaphore_mem>>) src(%dma_wait3A_330 : memref<100096xf32, #tpu.memory_space<vmem_shared>>) dst(%dma_wait3A_325 : memref<5000xf32, #tpu.memory_space<vmem>>)
      %dma_start3A_331 = arith.constant 0 : i32
      %dma_start3A_332 = arith.constant 0 : i32
      %dma_start3A_333 = arith.constant 0 : i32
      %dma_start3A_334 = tpu.memref_slice %arg16[%dma_start3A_331, %dma_start3A_333] : memref<2x5000xf32, #tpu.memory_space<vmem>> -> memref<1x5000xf32, #tpu.memory_space<vmem>>
      %dma_start3A_335 = tpu.memref_squeeze %dma_start3A_334 : memref<1x5000xf32, #tpu.memory_space<vmem>> -> memref<5000xf32, #tpu.memory_space<vmem>>
      %dma_start3A_336 = arith.constant 0 : i32
      %dma_start3A_337 = tpu.memref_slice %arg15[%dma_start3A_332, %dma_start3A_336] : memref<2x5000xi32, #tpu.memory_space<vmem>> -> memref<1x5000xi32, #tpu.memory_space<vmem>>
      %dma_start3A_338 = tpu.memref_squeeze %dma_start3A_337 : memref<1x5000xi32, #tpu.memory_space<vmem>> -> memref<5000xi32, #tpu.memory_space<vmem>>
      %dma_start3A_339 = arith.constant 0 : i32
      %dma_start3A_340 = tpu.memref_slice %arg12[%dma_start3A_339] : memref<100096xf32, #tpu.memory_space<vmem_shared>> -> memref<100096xf32, #tpu.memory_space<vmem_shared>>
      tpu.enqueue_indirect_dma source(%dma_start3A_335 : memref<5000xf32, #tpu.memory_space<vmem>>) target(%dma_start3A_340 : memref<100096xf32, #tpu.memory_space<vmem_shared>>) offsets(%dma_start3A_338 : memref<5000xi32, #tpu.memory_space<vmem>>) semaphore(%arg29 : memref<!tpu.dma_semaphore, #tpu.memory_space<semaphore_mem>>) {add = true}
      %dma_start3A_341 = arith.constant 0 : i32
      %dma_start3A_342 = arith.constant 0 : i32
      %dma_start3A_343 = arith.constant 0 : i32
      %dma_start3A_344 = tpu.memref_slice %arg17[%dma_start3A_341, %dma_start3A_343] : memref<2x5000xf32, #tpu.memory_space<vmem>> -> memref<1x5000xf32, #tpu.memory_space<vmem>>
      %dma_start3A_345 = tpu.memref_squeeze %dma_start3A_344 : memref<1x5000xf32, #tpu.memory_space<vmem>> -> memref<5000xf32, #tpu.memory_space<vmem>>
      %dma_start3A_346 = arith.constant 0 : i32
      %dma_start3A_347 = tpu.memref_slice %arg15[%dma_start3A_342, %dma_start3A_346] : memref<2x5000xi32, #tpu.memory_space<vmem>> -> memref<1x5000xi32, #tpu.memory_space<vmem>>
      %dma_start3A_348 = tpu.memref_squeeze %dma_start3A_347 : memref<1x5000xi32, #tpu.memory_space<vmem>> -> memref<5000xi32, #tpu.memory_space<vmem>>
      %dma_start3A_349 = arith.constant 0 : i32
      %dma_start3A_350 = tpu.memref_slice %arg13[%dma_start3A_349] : memref<100096xf32, #tpu.memory_space<vmem_shared>> -> memref<100096xf32, #tpu.memory_space<vmem_shared>>
      tpu.enqueue_indirect_dma source(%dma_start3A_345 : memref<5000xf32, #tpu.memory_space<vmem>>) target(%dma_start3A_350 : memref<100096xf32, #tpu.memory_space<vmem_shared>>) offsets(%dma_start3A_348 : memref<5000xi32, #tpu.memory_space<vmem>>) semaphore(%arg29 : memref<!tpu.dma_semaphore, #tpu.memory_space<semaphore_mem>>) {add = true}
      %mul3A_351 = arith.constant 2 : i32
      %mul3A_352 = arith.muli %mul3A_351, %scan3A_240 : i32
      %add3A_353 = arith.constant 1 : i32
      %add3A_354 = arith.addi %mul3A_352, %add3A_353 : i32
      %mul3A_355 = arith.constant 5000 : i32
      %mul3A_356 = arith.muli %add3A_354, %mul3A_355 : i32
      %add3A_357 = arith.addi %mul3A_2, %mul3A_356 : i32
      %dma_wait3A_358 = arith.constant 1 : i32
      %dma_wait3A_359 = arith.constant 0 : i32
      %dma_wait3A_360 = tpu.memref_slice %arg14[%dma_wait3A_358, %dma_wait3A_359] : memref<2x5000xi32, #tpu.memory_space<vmem>> -> memref<1x5000xi32, #tpu.memory_space<vmem>>
      %dma_wait3A_361 = tpu.memref_squeeze %dma_wait3A_360 : memref<1x5000xi32, #tpu.memory_space<vmem>> -> memref<5000xi32, #tpu.memory_space<vmem>>
      %dma_wait3A_362 = tpu.memref_slice %arg3[%add3A_357] : memref<3200000xi32, #tpu.memory_space<hbm>> -> memref<5000xi32, #tpu.memory_space<hbm>>
      %dma_wait3A_363 = arith.constant 0 : i32
      %dma_wait3A_364 = tpu.memref_slice %arg14[%dma_wait3A_358, %dma_wait3A_363] : memref<2x5000xi32, #tpu.memory_space<vmem>> -> memref<1x5000xi32, #tpu.memory_space<vmem>>
      %dma_wait3A_365 = tpu.memref_squeeze %dma_wait3A_364 : memref<1x5000xi32, #tpu.memory_space<vmem>> -> memref<5000xi32, #tpu.memory_space<vmem>>
      %dma_wait3A_366 = tpu.memref_slice %arg3[%add3A_357] : memref<3200000xi32, #tpu.memory_space<hbm>> -> memref<5000xi32, #tpu.memory_space<hbm>>
      tpu.wait_dma2 semaphore(%arg27 : memref<!tpu.dma_semaphore, #tpu.memory_space<semaphore_mem>>) src(%dma_wait3A_366 : memref<5000xi32, #tpu.memory_space<hbm>>) dst(%dma_wait3A_365 : memref<5000xi32, #tpu.memory_space<vmem>>)
      %dma_wait3A_367 = arith.constant 1 : i32
      %dma_wait3A_368 = arith.constant 0 : i32
      %dma_wait3A_369 = tpu.memref_slice %arg15[%dma_wait3A_367, %dma_wait3A_368] : memref<2x5000xi32, #tpu.memory_space<vmem>> -> memref<1x5000xi32, #tpu.memory_space<vmem>>
      %dma_wait3A_370 = tpu.memref_squeeze %dma_wait3A_369 : memref<1x5000xi32, #tpu.memory_space<vmem>> -> memref<5000xi32, #tpu.memory_space<vmem>>
      %dma_wait3A_371 = tpu.memref_slice %arg4[%add3A_357] : memref<3200000xi32, #tpu.memory_space<hbm>> -> memref<5000xi32, #tpu.memory_space<hbm>>
      %dma_wait3A_372 = arith.constant 0 : i32
      %dma_wait3A_373 = tpu.memref_slice %arg15[%dma_wait3A_367, %dma_wait3A_372] : memref<2x5000xi32, #tpu.memory_space<vmem>> -> memref<1x5000xi32, #tpu.memory_space<vmem>>
      %dma_wait3A_374 = tpu.memref_squeeze %dma_wait3A_373 : memref<1x5000xi32, #tpu.memory_space<vmem>> -> memref<5000xi32, #tpu.memory_space<vmem>>
      %dma_wait3A_375 = tpu.memref_slice %arg4[%add3A_357] : memref<3200000xi32, #tpu.memory_space<hbm>> -> memref<5000xi32, #tpu.memory_space<hbm>>
      tpu.wait_dma2 semaphore(%arg27 : memref<!tpu.dma_semaphore, #tpu.memory_space<semaphore_mem>>) src(%dma_wait3A_375 : memref<5000xi32, #tpu.memory_space<hbm>>) dst(%dma_wait3A_374 : memref<5000xi32, #tpu.memory_space<vmem>>)
      %dma_start3A_376 = arith.constant 1 : i32
      %dma_start3A_377 = arith.constant 1 : i32
      %dma_start3A_378 = arith.constant 0 : i32
      %dma_start3A_379 = tpu.memref_slice %arg16[%dma_start3A_377, %dma_start3A_378] : memref<2x5000xf32, #tpu.memory_space<vmem>> -> memref<1x5000xf32, #tpu.memory_space<vmem>>
      %dma_start3A_380 = tpu.memref_squeeze %dma_start3A_379 : memref<1x5000xf32, #tpu.memory_space<vmem>> -> memref<5000xf32, #tpu.memory_space<vmem>>
      %dma_start3A_381 = arith.constant 0 : i32
      %dma_start3A_382 = tpu.memref_slice %arg14[%dma_start3A_376, %dma_start3A_381] : memref<2x5000xi32, #tpu.memory_space<vmem>> -> memref<1x5000xi32, #tpu.memory_space<vmem>>
      %dma_start3A_383 = tpu.memref_squeeze %dma_start3A_382 : memref<1x5000xi32, #tpu.memory_space<vmem>> -> memref<5000xi32, #tpu.memory_space<vmem>>
      %dma_start3A_384 = arith.constant 0 : i32
      %dma_start3A_385 = tpu.memref_slice %arg10[%dma_start3A_384] : memref<100096xf32, #tpu.memory_space<vmem_shared>> -> memref<100096xf32, #tpu.memory_space<vmem_shared>>
      tpu.enqueue_indirect_dma source(%dma_start3A_385 : memref<100096xf32, #tpu.memory_space<vmem_shared>>) target(%dma_start3A_380 : memref<5000xf32, #tpu.memory_space<vmem>>) offsets(%dma_start3A_383 : memref<5000xi32, #tpu.memory_space<vmem>>) semaphore(%arg28 : memref<!tpu.dma_semaphore, #tpu.memory_space<semaphore_mem>>)
      %dma_start3A_386 = arith.constant 1 : i32
      %dma_start3A_387 = arith.constant 1 : i32
      %dma_start3A_388 = arith.constant 0 : i32
      %dma_start3A_389 = tpu.memref_slice %arg17[%dma_start3A_387, %dma_start3A_388] : memref<2x5000xf32, #tpu.memory_space<vmem>> -> memref<1x5000xf32, #tpu.memory_space<vmem>>
      %dma_start3A_390 = tpu.memref_squeeze %dma_start3A_389 : memref<1x5000xf32, #tpu.memory_space<vmem>> -> memref<5000xf32, #tpu.memory_space<vmem>>
      %dma_start3A_391 = arith.constant 0 : i32
      %dma_start3A_392 = tpu.memref_slice %arg14[%dma_start3A_386, %dma_start3A_391] : memref<2x5000xi32, #tpu.memory_space<vmem>> -> memref<1x5000xi32, #tpu.memory_space<vmem>>
      %dma_start3A_393 = tpu.memref_squeeze %dma_start3A_392 : memref<1x5000xi32, #tpu.memory_space<vmem>> -> memref<5000xi32, #tpu.memory_space<vmem>>
      %dma_start3A_394 = arith.constant 0 : i32
      %dma_start3A_395 = tpu.memref_slice %arg11[%dma_start3A_394] : memref<100096xf32, #tpu.memory_space<vmem_shared>> -> memref<100096xf32, #tpu.memory_space<vmem_shared>>
      tpu.enqueue_indirect_dma source(%dma_start3A_395 : memref<100096xf32, #tpu.memory_space<vmem_shared>>) target(%dma_start3A_390 : memref<5000xf32, #tpu.memory_space<vmem>>) offsets(%dma_start3A_393 : memref<5000xi32, #tpu.memory_space<vmem>>) semaphore(%arg28 : memref<!tpu.dma_semaphore, #tpu.memory_space<semaphore_mem>>)
      %dma_wait3A_396 = arith.constant 0 : i32
      %dma_wait3A_397 = arith.constant 0 : i32
      %dma_wait3A_398 = arith.constant 0 : i32
      %dma_wait3A_399 = tpu.memref_slice %arg16[%dma_wait3A_396, %dma_wait3A_398] : memref<2x5000xf32, #tpu.memory_space<vmem>> -> memref<1x5000xf32, #tpu.memory_space<vmem>>
      %dma_wait3A_400 = tpu.memref_squeeze %dma_wait3A_399 : memref<1x5000xf32, #tpu.memory_space<vmem>> -> memref<5000xf32, #tpu.memory_space<vmem>>
      %dma_wait3A_401 = arith.constant 0 : i32
      %dma_wait3A_402 = tpu.memref_slice %arg15[%dma_wait3A_397, %dma_wait3A_401] : memref<2x5000xi32, #tpu.memory_space<vmem>> -> memref<1x5000xi32, #tpu.memory_space<vmem>>
      %dma_wait3A_403 = tpu.memref_squeeze %dma_wait3A_402 : memref<1x5000xi32, #tpu.memory_space<vmem>> -> memref<5000xi32, #tpu.memory_space<vmem>>
      %dma_wait3A_404 = arith.constant 0 : i32
      %dma_wait3A_405 = tpu.memref_slice %arg12[%dma_wait3A_404] : memref<100096xf32, #tpu.memory_space<vmem_shared>> -> memref<100096xf32, #tpu.memory_space<vmem_shared>>
      tpu.wait_indirect_dma semaphore(%arg29 : memref<!tpu.dma_semaphore, #tpu.memory_space<semaphore_mem>>) src(%dma_wait3A_400 : memref<5000xf32, #tpu.memory_space<vmem>>) dst(%dma_wait3A_405 : memref<100096xf32, #tpu.memory_space<vmem_shared>>)
      %dma_wait3A_406 = arith.constant 0 : i32
      %dma_wait3A_407 = arith.constant 0 : i32
      %dma_wait3A_408 = arith.constant 0 : i32
      %dma_wait3A_409 = tpu.memref_slice %arg17[%dma_wait3A_406, %dma_wait3A_408] : memref<2x5000xf32, #tpu.memory_space<vmem>> -> memref<1x5000xf32, #tpu.memory_space<vmem>>
      %dma_wait3A_410 = tpu.memref_squeeze %dma_wait3A_409 : memref<1x5000xf32, #tpu.memory_space<vmem>> -> memref<5000xf32, #tpu.memory_space<vmem>>
      %dma_wait3A_411 = arith.constant 0 : i32
      %dma_wait3A_412 = tpu.memref_slice %arg15[%dma_wait3A_407, %dma_wait3A_411] : memref<2x5000xi32, #tpu.memory_space<vmem>> -> memref<1x5000xi32, #tpu.memory_space<vmem>>
      %dma_wait3A_413 = tpu.memref_squeeze %dma_wait3A_412 : memref<1x5000xi32, #tpu.memory_space<vmem>> -> memref<5000xi32, #tpu.memory_space<vmem>>
      %dma_wait3A_414 = arith.constant 0 : i32
      %dma_wait3A_415 = tpu.memref_slice %arg13[%dma_wait3A_414] : memref<100096xf32, #tpu.memory_space<vmem_shared>> -> memref<100096xf32, #tpu.memory_space<vmem_shared>>
      tpu.wait_indirect_dma semaphore(%arg29 : memref<!tpu.dma_semaphore, #tpu.memory_space<semaphore_mem>>) src(%dma_wait3A_410 : memref<5000xf32, #tpu.memory_space<vmem>>) dst(%dma_wait3A_415 : memref<100096xf32, #tpu.memory_space<vmem_shared>>)
      %lt3A = arith.constant 19 : i32
      %lt3A_416 = arith.cmpi slt, %scan3A_240, %lt3A : i32
      %convert_element_type3A_417 = arith.extui %lt3A_416 : i1 to i32
      %cond3A_418 = arith.constant 0 : i32
      %cond3A_419 = arith.cmpi ne, %convert_element_type3A_417, %cond3A_418 : i32
      scf.if %cond3A_419 {
        %add3A_460 = arith.constant 1 : i32
        %add3A_461 = arith.addi %add3A_354, %add3A_460 : i32
        %mul3A_462 = arith.constant 5000 : i32
        %mul3A_463 = arith.muli %add3A_461, %mul3A_462 : i32
        %add3A_464 = arith.addi %mul3A_2, %mul3A_463 : i32
        %dma_start3A_465 = arith.constant 0 : i32
        %dma_start3A_466 = arith.constant 0 : i32
        %dma_start3A_467 = tpu.memref_slice %arg14[%dma_start3A_465, %dma_start3A_466] : memref<2x5000xi32, #tpu.memory_space<vmem>> -> memref<1x5000xi32, #tpu.memory_space<vmem>>
        %dma_start3A_468 = tpu.memref_squeeze %dma_start3A_467 : memref<1x5000xi32, #tpu.memory_space<vmem>> -> memref<5000xi32, #tpu.memory_space<vmem>>
        %dma_start3A_469 = tpu.memref_slice %arg3[%add3A_464] : memref<3200000xi32, #tpu.memory_space<hbm>> -> memref<5000xi32, #tpu.memory_space<hbm>>
        %dma_start3A_470 = arith.constant 0 : i32
        %dma_start3A_471 = tpu.memref_slice %arg14[%dma_start3A_465, %dma_start3A_470] : memref<2x5000xi32, #tpu.memory_space<vmem>> -> memref<1x5000xi32, #tpu.memory_space<vmem>>
        %dma_start3A_472 = tpu.memref_squeeze %dma_start3A_471 : memref<1x5000xi32, #tpu.memory_space<vmem>> -> memref<5000xi32, #tpu.memory_space<vmem>>
        %dma_start3A_473 = tpu.memref_slice %arg3[%add3A_464] : memref<3200000xi32, #tpu.memory_space<hbm>> -> memref<5000xi32, #tpu.memory_space<hbm>>
        tpu.enqueue_dma source(%dma_start3A_473 : memref<5000xi32, #tpu.memory_space<hbm>>) target(%dma_start3A_472 : memref<5000xi32, #tpu.memory_space<vmem>>) target_semaphore(%arg27 : memref<!tpu.dma_semaphore, #tpu.memory_space<semaphore_mem>>)
        %dma_start3A_474 = arith.constant 0 : i32
        %dma_start3A_475 = arith.constant 0 : i32
        %dma_start3A_476 = tpu.memref_slice %arg15[%dma_start3A_474, %dma_start3A_475] : memref<2x5000xi32, #tpu.memory_space<vmem>> -> memref<1x5000xi32, #tpu.memory_space<vmem>>
        %dma_start3A_477 = tpu.memref_squeeze %dma_start3A_476 : memref<1x5000xi32, #tpu.memory_space<vmem>> -> memref<5000xi32, #tpu.memory_space<vmem>>
        %dma_start3A_478 = tpu.memref_slice %arg4[%add3A_464] : memref<3200000xi32, #tpu.memory_space<hbm>> -> memref<5000xi32, #tpu.memory_space<hbm>>
        %dma_start3A_479 = arith.constant 0 : i32
        %dma_start3A_480 = tpu.memref_slice %arg15[%dma_start3A_474, %dma_start3A_479] : memref<2x5000xi32, #tpu.memory_space<vmem>> -> memref<1x5000xi32, #tpu.memory_space<vmem>>
        %dma_start3A_481 = tpu.memref_squeeze %dma_start3A_480 : memref<1x5000xi32, #tpu.memory_space<vmem>> -> memref<5000xi32, #tpu.memory_space<vmem>>
        %dma_start3A_482 = tpu.memref_slice %arg4[%add3A_464] : memref<3200000xi32, #tpu.memory_space<hbm>> -> memref<5000xi32, #tpu.memory_space<hbm>>
        tpu.enqueue_dma source(%dma_start3A_482 : memref<5000xi32, #tpu.memory_space<hbm>>) target(%dma_start3A_481 : memref<5000xi32, #tpu.memory_space<vmem>>) target_semaphore(%arg27 : memref<!tpu.dma_semaphore, #tpu.memory_space<semaphore_mem>>)
      } else {
      }
      %dma_wait3A_420 = arith.constant 1 : i32
      %dma_wait3A_421 = arith.constant 1 : i32
      %dma_wait3A_422 = arith.constant 0 : i32
      %dma_wait3A_423 = tpu.memref_slice %arg16[%dma_wait3A_421, %dma_wait3A_422] : memref<2x5000xf32, #tpu.memory_space<vmem>> -> memref<1x5000xf32, #tpu.memory_space<vmem>>
      %dma_wait3A_424 = tpu.memref_squeeze %dma_wait3A_423 : memref<1x5000xf32, #tpu.memory_space<vmem>> -> memref<5000xf32, #tpu.memory_space<vmem>>
      %dma_wait3A_425 = arith.constant 0 : i32
      %dma_wait3A_426 = tpu.memref_slice %arg14[%dma_wait3A_420, %dma_wait3A_425] : memref<2x5000xi32, #tpu.memory_space<vmem>> -> memref<1x5000xi32, #tpu.memory_space<vmem>>
      %dma_wait3A_427 = tpu.memref_squeeze %dma_wait3A_426 : memref<1x5000xi32, #tpu.memory_space<vmem>> -> memref<5000xi32, #tpu.memory_space<vmem>>
      %dma_wait3A_428 = arith.constant 0 : i32
      %dma_wait3A_429 = tpu.memref_slice %arg10[%dma_wait3A_428] : memref<100096xf32, #tpu.memory_space<vmem_shared>> -> memref<100096xf32, #tpu.memory_space<vmem_shared>>
      tpu.wait_indirect_dma semaphore(%arg28 : memref<!tpu.dma_semaphore, #tpu.memory_space<semaphore_mem>>) src(%dma_wait3A_429 : memref<100096xf32, #tpu.memory_space<vmem_shared>>) dst(%dma_wait3A_424 : memref<5000xf32, #tpu.memory_space<vmem>>)
      %dma_wait3A_430 = arith.constant 1 : i32
      %dma_wait3A_431 = arith.constant 1 : i32
      %dma_wait3A_432 = arith.constant 0 : i32
      %dma_wait3A_433 = tpu.memref_slice %arg17[%dma_wait3A_431, %dma_wait3A_432] : memref<2x5000xf32, #tpu.memory_space<vmem>> -> memref<1x5000xf32, #tpu.memory_space<vmem>>
      %dma_wait3A_434 = tpu.memref_squeeze %dma_wait3A_433 : memref<1x5000xf32, #tpu.memory_space<vmem>> -> memref<5000xf32, #tpu.memory_space<vmem>>
      %dma_wait3A_435 = arith.constant 0 : i32
      %dma_wait3A_436 = tpu.memref_slice %arg14[%dma_wait3A_430, %dma_wait3A_435] : memref<2x5000xi32, #tpu.memory_space<vmem>> -> memref<1x5000xi32, #tpu.memory_space<vmem>>
      %dma_wait3A_437 = tpu.memref_squeeze %dma_wait3A_436 : memref<1x5000xi32, #tpu.memory_space<vmem>> -> memref<5000xi32, #tpu.memory_space<vmem>>
      %dma_wait3A_438 = arith.constant 0 : i32
      %dma_wait3A_439 = tpu.memref_slice %arg11[%dma_wait3A_438] : memref<100096xf32, #tpu.memory_space<vmem_shared>> -> memref<100096xf32, #tpu.memory_space<vmem_shared>>
      tpu.wait_indirect_dma semaphore(%arg28 : memref<!tpu.dma_semaphore, #tpu.memory_space<semaphore_mem>>) src(%dma_wait3A_439 : memref<100096xf32, #tpu.memory_space<vmem_shared>>) dst(%dma_wait3A_434 : memref<5000xf32, #tpu.memory_space<vmem>>)
      %dma_start3A_440 = arith.constant 1 : i32
      %dma_start3A_441 = arith.constant 1 : i32
      %dma_start3A_442 = arith.constant 0 : i32
      %dma_start3A_443 = tpu.memref_slice %arg16[%dma_start3A_440, %dma_start3A_442] : memref<2x5000xf32, #tpu.memory_space<vmem>> -> memref<1x5000xf32, #tpu.memory_space<vmem>>
      %dma_start3A_444 = tpu.memref_squeeze %dma_start3A_443 : memref<1x5000xf32, #tpu.memory_space<vmem>> -> memref<5000xf32, #tpu.memory_space<vmem>>
      %dma_start3A_445 = arith.constant 0 : i32
      %dma_start3A_446 = tpu.memref_slice %arg15[%dma_start3A_441, %dma_start3A_445] : memref<2x5000xi32, #tpu.memory_space<vmem>> -> memref<1x5000xi32, #tpu.memory_space<vmem>>
      %dma_start3A_447 = tpu.memref_squeeze %dma_start3A_446 : memref<1x5000xi32, #tpu.memory_space<vmem>> -> memref<5000xi32, #tpu.memory_space<vmem>>
      %dma_start3A_448 = arith.constant 0 : i32
      %dma_start3A_449 = tpu.memref_slice %arg12[%dma_start3A_448] : memref<100096xf32, #tpu.memory_space<vmem_shared>> -> memref<100096xf32, #tpu.memory_space<vmem_shared>>
      tpu.enqueue_indirect_dma source(%dma_start3A_444 : memref<5000xf32, #tpu.memory_space<vmem>>) target(%dma_start3A_449 : memref<100096xf32, #tpu.memory_space<vmem_shared>>) offsets(%dma_start3A_447 : memref<5000xi32, #tpu.memory_space<vmem>>) semaphore(%arg29 : memref<!tpu.dma_semaphore, #tpu.memory_space<semaphore_mem>>) {add = true}
      %dma_start3A_450 = arith.constant 1 : i32
      %dma_start3A_451 = arith.constant 1 : i32
      %dma_start3A_452 = arith.constant 0 : i32
      %dma_start3A_453 = tpu.memref_slice %arg17[%dma_start3A_450, %dma_start3A_452] : memref<2x5000xf32, #tpu.memory_space<vmem>> -> memref<1x5000xf32, #tpu.memory_space<vmem>>
      %dma_start3A_454 = tpu.memref_squeeze %dma_start3A_453 : memref<1x5000xf32, #tpu.memory_space<vmem>> -> memref<5000xf32, #tpu.memory_space<vmem>>
      %dma_start3A_455 = arith.constant 0 : i32
      %dma_start3A_456 = tpu.memref_slice %arg15[%dma_start3A_451, %dma_start3A_455] : memref<2x5000xi32, #tpu.memory_space<vmem>> -> memref<1x5000xi32, #tpu.memory_space<vmem>>
      %dma_start3A_457 = tpu.memref_squeeze %dma_start3A_456 : memref<1x5000xi32, #tpu.memory_space<vmem>> -> memref<5000xi32, #tpu.memory_space<vmem>>
      %dma_start3A_458 = arith.constant 0 : i32
      %dma_start3A_459 = tpu.memref_slice %arg13[%dma_start3A_458] : memref<100096xf32, #tpu.memory_space<vmem_shared>> -> memref<100096xf32, #tpu.memory_space<vmem_shared>>
      tpu.enqueue_indirect_dma source(%dma_start3A_454 : memref<5000xf32, #tpu.memory_space<vmem>>) target(%dma_start3A_459 : memref<100096xf32, #tpu.memory_space<vmem_shared>>) offsets(%dma_start3A_457 : memref<5000xi32, #tpu.memory_space<vmem>>) semaphore(%arg29 : memref<!tpu.dma_semaphore, #tpu.memory_space<semaphore_mem>>) {add = true}
    }
    %scan3A_37 = arith.constant 20 : i32
    %dma_wait3A = arith.constant 1 : i32
    %dma_wait3A_38 = arith.constant 1 : i32
    %dma_wait3A_39 = arith.constant 0 : i32
    %dma_wait3A_40 = tpu.memref_slice %arg16[%dma_wait3A, %dma_wait3A_39] : memref<2x5000xf32, #tpu.memory_space<vmem>> -> memref<1x5000xf32, #tpu.memory_space<vmem>>
    %dma_wait3A_41 = tpu.memref_squeeze %dma_wait3A_40 : memref<1x5000xf32, #tpu.memory_space<vmem>> -> memref<5000xf32, #tpu.memory_space<vmem>>
    %dma_wait3A_42 = arith.constant 0 : i32
    %dma_wait3A_43 = tpu.memref_slice %arg15[%dma_wait3A_38, %dma_wait3A_42] : memref<2x5000xi32, #tpu.memory_space<vmem>> -> memref<1x5000xi32, #tpu.memory_space<vmem>>
    %dma_wait3A_44 = tpu.memref_squeeze %dma_wait3A_43 : memref<1x5000xi32, #tpu.memory_space<vmem>> -> memref<5000xi32, #tpu.memory_space<vmem>>
    %dma_wait3A_45 = arith.constant 0 : i32
    %dma_wait3A_46 = tpu.memref_slice %arg12[%dma_wait3A_45] : memref<100096xf32, #tpu.memory_space<vmem_shared>> -> memref<100096xf32, #tpu.memory_space<vmem_shared>>
    tpu.wait_indirect_dma semaphore(%arg29 : memref<!tpu.dma_semaphore, #tpu.memory_space<semaphore_mem>>) src(%dma_wait3A_41 : memref<5000xf32, #tpu.memory_space<vmem>>) dst(%dma_wait3A_46 : memref<100096xf32, #tpu.memory_space<vmem_shared>>)
    %dma_wait3A_47 = arith.constant 1 : i32
    %dma_wait3A_48 = arith.constant 1 : i32
    %dma_wait3A_49 = arith.constant 0 : i32
    %dma_wait3A_50 = tpu.memref_slice %arg17[%dma_wait3A_47, %dma_wait3A_49] : memref<2x5000xf32, #tpu.memory_space<vmem>> -> memref<1x5000xf32, #tpu.memory_space<vmem>>
    %dma_wait3A_51 = tpu.memref_squeeze %dma_wait3A_50 : memref<1x5000xf32, #tpu.memory_space<vmem>> -> memref<5000xf32, #tpu.memory_space<vmem>>
    %dma_wait3A_52 = arith.constant 0 : i32
    %dma_wait3A_53 = tpu.memref_slice %arg15[%dma_wait3A_48, %dma_wait3A_52] : memref<2x5000xi32, #tpu.memory_space<vmem>> -> memref<1x5000xi32, #tpu.memory_space<vmem>>
    %dma_wait3A_54 = tpu.memref_squeeze %dma_wait3A_53 : memref<1x5000xi32, #tpu.memory_space<vmem>> -> memref<5000xi32, #tpu.memory_space<vmem>>
    %dma_wait3A_55 = arith.constant 0 : i32
    %dma_wait3A_56 = tpu.memref_slice %arg13[%dma_wait3A_55] : memref<100096xf32, #tpu.memory_space<vmem_shared>> -> memref<100096xf32, #tpu.memory_space<vmem_shared>>
    tpu.wait_indirect_dma semaphore(%arg29 : memref<!tpu.dma_semaphore, #tpu.memory_space<semaphore_mem>>) src(%dma_wait3A_51 : memref<5000xf32, #tpu.memory_space<vmem>>) dst(%dma_wait3A_56 : memref<100096xf32, #tpu.memory_space<vmem_shared>>)
    %barrier3A_57 = arith.constant 0 : index
    tpu.barrier barrier_id(%barrier3A_57)
    "tpu.region"() ({
      %run_scoped3A_240 = tpu.sem_alloc : memref<!tpu.dma_semaphore, #tpu.memory_space<semaphore_mem>>
      %dma_start3A_241 = tpu.memref_slice %arg12[%mul3A_0] : memref<100096xf32, #tpu.memory_space<vmem_shared>> -> memref<6256xf32, #tpu.memory_space<vmem_shared>>
      %dma_start3A_242 = tpu.memref_slice %arg12[%mul3A_0] : memref<100096xf32, #tpu.memory_space<vmem_shared>> -> memref<6256xf32, #tpu.memory_space<vmem_shared>>
      tpu.enqueue_dma source(%dma_start3A_242 : memref<6256xf32, #tpu.memory_space<vmem_shared>>) target(%arg18 : memref<6256xf32, #tpu.memory_space<vmem>>) target_semaphore(%run_scoped3A_240 : memref<!tpu.dma_semaphore, #tpu.memory_space<semaphore_mem>>)
      %dma_wait3A_243 = tpu.memref_slice %arg12[%mul3A_0] : memref<100096xf32, #tpu.memory_space<vmem_shared>> -> memref<6256xf32, #tpu.memory_space<vmem_shared>>
      %dma_wait3A_244 = tpu.memref_slice %arg12[%mul3A_0] : memref<100096xf32, #tpu.memory_space<vmem_shared>> -> memref<6256xf32, #tpu.memory_space<vmem_shared>>
      tpu.wait_dma2 semaphore(%run_scoped3A_240 : memref<!tpu.dma_semaphore, #tpu.memory_space<semaphore_mem>>) src(%dma_wait3A_244 : memref<6256xf32, #tpu.memory_space<vmem_shared>>) dst(%arg18 : memref<6256xf32, #tpu.memory_space<vmem>>)
      tpu.yield
    }) : () -> ()
    "tpu.region"() ({
      %run_scoped3A_240 = tpu.sem_alloc : memref<!tpu.dma_semaphore, #tpu.memory_space<semaphore_mem>>
      %dma_start3A_241 = tpu.memref_slice %arg13[%mul3A_0] : memref<100096xf32, #tpu.memory_space<vmem_shared>> -> memref<6256xf32, #tpu.memory_space<vmem_shared>>
      %dma_start3A_242 = tpu.memref_slice %arg13[%mul3A_0] : memref<100096xf32, #tpu.memory_space<vmem_shared>> -> memref<6256xf32, #tpu.memory_space<vmem_shared>>
      tpu.enqueue_dma source(%dma_start3A_242 : memref<6256xf32, #tpu.memory_space<vmem_shared>>) target(%arg19 : memref<6256xf32, #tpu.memory_space<vmem>>) target_semaphore(%run_scoped3A_240 : memref<!tpu.dma_semaphore, #tpu.memory_space<semaphore_mem>>)
      %dma_wait3A_243 = tpu.memref_slice %arg13[%mul3A_0] : memref<100096xf32, #tpu.memory_space<vmem_shared>> -> memref<6256xf32, #tpu.memory_space<vmem_shared>>
      %dma_wait3A_244 = tpu.memref_slice %arg13[%mul3A_0] : memref<100096xf32, #tpu.memory_space<vmem_shared>> -> memref<6256xf32, #tpu.memory_space<vmem_shared>>
      tpu.wait_dma2 semaphore(%run_scoped3A_240 : memref<!tpu.dma_semaphore, #tpu.memory_space<semaphore_mem>>) src(%dma_wait3A_244 : memref<6256xf32, #tpu.memory_space<vmem_shared>>) dst(%arg19 : memref<6256xf32, #tpu.memory_space<vmem>>)
      tpu.yield
    }) : () -> ()
    %get3A = arith.constant 0 : i32
    %get3A_58 = arith.constant 0 : i32
    %get3A_59 = tpu.memref_slice %arg25[%get3A, %get3A_58] : memref<3x48xf32, #tpu.memory_space<vmem>> -> memref<1x48xf32, #tpu.memory_space<vmem>>
    %get3A_60 = tpu.memref_squeeze %get3A_59 : memref<1x48xf32, #tpu.memory_space<vmem>> -> memref<48xf32, #tpu.memory_space<vmem>>
    %get3A_61 = arith.constant 0 : index
    %get3A_62 = tpu.vector_load %get3A_60[%get3A_61] {strides = array<i32>} : memref<48xf32, #tpu.memory_space<vmem>>, vector<16xf32>,
    %get3A_63 = arith.constant 0 : i32
    %get3A_64 = arith.constant 0 : i32
    %get3A_65 = tpu.memref_slice %arg25[%get3A_63, %get3A_64] : memref<3x48xf32, #tpu.memory_space<vmem>> -> memref<1x48xf32, #tpu.memory_space<vmem>>
    %get3A_66 = tpu.memref_squeeze %get3A_65 : memref<1x48xf32, #tpu.memory_space<vmem>> -> memref<48xf32, #tpu.memory_space<vmem>>
    %get3A_67 = arith.constant 16 : index
    %get3A_68 = tpu.vector_load %get3A_66[%get3A_67] {strides = array<i32>} : memref<48xf32, #tpu.memory_space<vmem>>, vector<16xf32>,
    %get3A_69 = arith.constant 0 : i32
    %get3A_70 = arith.constant 0 : i32
    %get3A_71 = tpu.memref_slice %arg25[%get3A_69, %get3A_70] : memref<3x48xf32, #tpu.memory_space<vmem>> -> memref<1x48xf32, #tpu.memory_space<vmem>>
    %get3A_72 = tpu.memref_squeeze %get3A_71 : memref<1x48xf32, #tpu.memory_space<vmem>> -> memref<48xf32, #tpu.memory_space<vmem>>
    %get3A_73 = arith.constant 32 : index
    %get3A_74 = tpu.vector_load %get3A_72[%get3A_73] {strides = array<i32>} : memref<48xf32, #tpu.memory_space<vmem>>, vector<16xf32>,
    %scan3A_75 = arith.constant 0 : i32
    %scan3A_76 = arith.constant 391 : i32
    %scan3A_77 = arith.addi %scan3A_75, %scan3A_76 : i32
    %scan3A_78 = arith.constant 1 : i32
    scf.for %scan3A_240 = %scan3A_75 to %scan3A_77 step %scan3A_78  : i32 {
      %mul3A_241 = arith.constant 16 : i32
      %mul3A_242 = arith.muli %scan3A_240, %mul3A_241 : i32
      %get3A_243 = arith.index_cast %mul3A_242 : i32 to index
      %get3A_244 = tpu.vector_load %arg20[%get3A_243] {strides = array<i32>} : memref<6256xf32, #tpu.memory_space<vmem>>, vector<16xf32>,
      %max3A = arith.constant 1.000000e+00 : f32
      %max3A_245 = vector.broadcast %max3A : f32 to vector<16xf32>
      %max3A_246 = arith.maximumf %get3A_244, %max3A_245 : vector<16xf32>
      %get3A_247 = arith.index_cast %mul3A_242 : i32 to index
      %get3A_248 = tpu.vector_load %arg18[%get3A_247] {strides = array<i32>} : memref<6256xf32, #tpu.memory_space<vmem>>, vector<16xf32>,
      %mul3A_249 = arith.mulf %get3A_62, %get3A_248 : vector<16xf32>
      %mul3A_250 = arith.mulf %get3A_68, %get3A_244 : vector<16xf32>
      %get3A_251 = arith.index_cast %mul3A_242 : i32 to index
      %get3A_252 = tpu.vector_load %arg21[%get3A_251] {strides = array<i32>} : memref<6256xf32, #tpu.memory_space<vmem>>, vector<16xf32>,
      %mul3A_253 = arith.mulf %mul3A_250, %get3A_252 : vector<16xf32>
      %add3A_254 = arith.addf %mul3A_249, %mul3A_253 : vector<16xf32>
      %div3A = arith.divf %add3A_254, %max3A_246 : vector<16xf32>
      %add3A_255 = arith.addf %div3A, %get3A_74 : vector<16xf32>
      %ge3A = arith.constant 0.000000e+00 : f32
      %ge3A_256 = vector.broadcast %ge3A : f32 to vector<16xf32>
      %ge3A_257 = arith.cmpf oge, %add3A_255, %ge3A_256 : vector<16xf32>
      %mul3A_258 = arith.constant 1.000000e-01 : f32
      %mul3A_259 = vector.broadcast %mul3A_258 : f32 to vector<16xf32>
      %mul3A_260 = arith.mulf %mul3A_259, %add3A_255 : vector<16xf32>
      %select_n3A_261 = arith.select %ge3A_257, %add3A_255, %mul3A_260 : vector<16xi1>, vector<16xf32>
      %swap3A_262 = arith.index_cast %mul3A_242 : i32 to index
      %swap3A_263 = tpu.vector_load %arg21[%swap3A_262] {strides = array<i32>} : memref<6256xf32, #tpu.memory_space<vmem>>, vector<16xf32>,
      tpu.vector_store %arg21[%swap3A_262], %select_n3A_261 {strides = array<i32>} : memref<6256xf32, #tpu.memory_space<vmem>>, vector<16xf32>,
      %get3A_264 = arith.index_cast %mul3A_242 : i32 to index
      %get3A_265 = tpu.vector_load %arg19[%get3A_264] {strides = array<i32>} : memref<6256xf32, #tpu.memory_space<vmem>>, vector<16xf32>,
      %mul3A_266 = arith.mulf %get3A_62, %get3A_265 : vector<16xf32>
      %mul3A_267 = arith.mulf %get3A_68, %get3A_244 : vector<16xf32>
      %get3A_268 = arith.index_cast %mul3A_242 : i32 to index
      %get3A_269 = tpu.vector_load %arg22[%get3A_268] {strides = array<i32>} : memref<6256xf32, #tpu.memory_space<vmem>>, vector<16xf32>,
      %mul3A_270 = arith.mulf %mul3A_267, %get3A_269 : vector<16xf32>
      %add3A_271 = arith.addf %mul3A_266, %mul3A_270 : vector<16xf32>
      %div3A_272 = arith.divf %add3A_271, %max3A_246 : vector<16xf32>
      %add3A_273 = arith.addf %div3A_272, %get3A_74 : vector<16xf32>
      %ge3A_274 = arith.constant 0.000000e+00 : f32
      %ge3A_275 = vector.broadcast %ge3A_274 : f32 to vector<16xf32>
      %ge3A_276 = arith.cmpf oge, %add3A_273, %ge3A_275 : vector<16xf32>
      %mul3A_277 = arith.constant 1.000000e-01 : f32
      %mul3A_278 = vector.broadcast %mul3A_277 : f32 to vector<16xf32>
      %mul3A_279 = arith.mulf %mul3A_278, %add3A_273 : vector<16xf32>
      %select_n3A_280 = arith.select %ge3A_276, %add3A_273, %mul3A_279 : vector<16xi1>, vector<16xf32>
      %swap3A_281 = arith.index_cast %mul3A_242 : i32 to index
      %swap3A_282 = tpu.vector_load %arg22[%swap3A_281] {strides = array<i32>} : memref<6256xf32, #tpu.memory_space<vmem>>, vector<16xf32>,
      tpu.vector_store %arg22[%swap3A_281], %select_n3A_280 {strides = array<i32>} : memref<6256xf32, #tpu.memory_space<vmem>>, vector<16xf32>,
    }
    %scan3A_79 = arith.constant 391 : i32
    "tpu.region"() ({
      %run_scoped3A_240 = tpu.sem_alloc : memref<!tpu.dma_semaphore, #tpu.memory_space<semaphore_mem>>
      %dma_start3A_241 = tpu.memref_slice %arg12[%mul3A_0] : memref<100096xf32, #tpu.memory_space<vmem_shared>> -> memref<6256xf32, #tpu.memory_space<vmem_shared>>
      %dma_start3A_242 = tpu.memref_slice %arg12[%mul3A_0] : memref<100096xf32, #tpu.memory_space<vmem_shared>> -> memref<6256xf32, #tpu.memory_space<vmem_shared>>
      tpu.enqueue_dma source(%arg23 : memref<6256xf32, #tpu.memory_space<vmem>>) target(%dma_start3A_242 : memref<6256xf32, #tpu.memory_space<vmem_shared>>) target_semaphore(%run_scoped3A_240 : memref<!tpu.dma_semaphore, #tpu.memory_space<semaphore_mem>>)
      %dma_wait3A_243 = tpu.memref_slice %arg12[%mul3A_0] : memref<100096xf32, #tpu.memory_space<vmem_shared>> -> memref<6256xf32, #tpu.memory_space<vmem_shared>>
      %dma_wait3A_244 = tpu.memref_slice %arg12[%mul3A_0] : memref<100096xf32, #tpu.memory_space<vmem_shared>> -> memref<6256xf32, #tpu.memory_space<vmem_shared>>
      tpu.wait_dma2 semaphore(%run_scoped3A_240 : memref<!tpu.dma_semaphore, #tpu.memory_space<semaphore_mem>>) src(%arg23 : memref<6256xf32, #tpu.memory_space<vmem>>) dst(%dma_wait3A_244 : memref<6256xf32, #tpu.memory_space<vmem_shared>>)
      tpu.yield
    }) : () -> ()
    "tpu.region"() ({
      %run_scoped3A_240 = tpu.sem_alloc : memref<!tpu.dma_semaphore, #tpu.memory_space<semaphore_mem>>
      %dma_start3A_241 = tpu.memref_slice %arg13[%mul3A_0] : memref<100096xf32, #tpu.memory_space<vmem_shared>> -> memref<6256xf32, #tpu.memory_space<vmem_shared>>
      %dma_start3A_242 = tpu.memref_slice %arg13[%mul3A_0] : memref<100096xf32, #tpu.memory_space<vmem_shared>> -> memref<6256xf32, #tpu.memory_space<vmem_shared>>
      tpu.enqueue_dma source(%arg23 : memref<6256xf32, #tpu.memory_space<vmem>>) target(%dma_start3A_242 : memref<6256xf32, #tpu.memory_space<vmem_shared>>) target_semaphore(%run_scoped3A_240 : memref<!tpu.dma_semaphore, #tpu.memory_space<semaphore_mem>>)
      %dma_wait3A_243 = tpu.memref_slice %arg13[%mul3A_0] : memref<100096xf32, #tpu.memory_space<vmem_shared>> -> memref<6256xf32, #tpu.memory_space<vmem_shared>>
      %dma_wait3A_244 = tpu.memref_slice %arg13[%mul3A_0] : memref<100096xf32, #tpu.memory_space<vmem_shared>> -> memref<6256xf32, #tpu.memory_space<vmem_shared>>
      tpu.wait_dma2 semaphore(%run_scoped3A_240 : memref<!tpu.dma_semaphore, #tpu.memory_space<semaphore_mem>>) src(%arg23 : memref<6256xf32, #tpu.memory_space<vmem>>) dst(%dma_wait3A_244 : memref<6256xf32, #tpu.memory_space<vmem_shared>>)
      tpu.yield
    }) : () -> ()
    "tpu.region"() ({
      %run_scoped3A_240 = tpu.sem_alloc : memref<!tpu.dma_semaphore, #tpu.memory_space<semaphore_mem>>
      %dma_start3A_241 = tpu.memref_slice %arg10[%mul3A_0] : memref<100096xf32, #tpu.memory_space<vmem_shared>> -> memref<6256xf32, #tpu.memory_space<vmem_shared>>
      %dma_start3A_242 = tpu.memref_slice %arg10[%mul3A_0] : memref<100096xf32, #tpu.memory_space<vmem_shared>> -> memref<6256xf32, #tpu.memory_space<vmem_shared>>
      tpu.enqueue_dma source(%arg21 : memref<6256xf32, #tpu.memory_space<vmem>>) target(%dma_start3A_242 : memref<6256xf32, #tpu.memory_space<vmem_shared>>) target_semaphore(%run_scoped3A_240 : memref<!tpu.dma_semaphore, #tpu.memory_space<semaphore_mem>>)
      %dma_wait3A_243 = tpu.memref_slice %arg10[%mul3A_0] : memref<100096xf32, #tpu.memory_space<vmem_shared>> -> memref<6256xf32, #tpu.memory_space<vmem_shared>>
      %dma_wait3A_244 = tpu.memref_slice %arg10[%mul3A_0] : memref<100096xf32, #tpu.memory_space<vmem_shared>> -> memref<6256xf32, #tpu.memory_space<vmem_shared>>
      tpu.wait_dma2 semaphore(%run_scoped3A_240 : memref<!tpu.dma_semaphore, #tpu.memory_space<semaphore_mem>>) src(%arg21 : memref<6256xf32, #tpu.memory_space<vmem>>) dst(%dma_wait3A_244 : memref<6256xf32, #tpu.memory_space<vmem_shared>>)
      tpu.yield
    }) : () -> ()
    "tpu.region"() ({
      %run_scoped3A_240 = tpu.sem_alloc : memref<!tpu.dma_semaphore, #tpu.memory_space<semaphore_mem>>
      %dma_start3A_241 = tpu.memref_slice %arg11[%mul3A_0] : memref<100096xf32, #tpu.memory_space<vmem_shared>> -> memref<6256xf32, #tpu.memory_space<vmem_shared>>
      %dma_start3A_242 = tpu.memref_slice %arg11[%mul3A_0] : memref<100096xf32, #tpu.memory_space<vmem_shared>> -> memref<6256xf32, #tpu.memory_space<vmem_shared>>
      tpu.enqueue_dma source(%arg22 : memref<6256xf32, #tpu.memory_space<vmem>>) target(%dma_start3A_242 : memref<6256xf32, #tpu.memory_space<vmem_shared>>) target_semaphore(%run_scoped3A_240 : memref<!tpu.dma_semaphore, #tpu.memory_space<semaphore_mem>>)
      %dma_wait3A_243 = tpu.memref_slice %arg11[%mul3A_0] : memref<100096xf32, #tpu.memory_space<vmem_shared>> -> memref<6256xf32, #tpu.memory_space<vmem_shared>>
      %dma_wait3A_244 = tpu.memref_slice %arg11[%mul3A_0] : memref<100096xf32, #tpu.memory_space<vmem_shared>> -> memref<6256xf32, #tpu.memory_space<vmem_shared>>
      tpu.wait_dma2 semaphore(%run_scoped3A_240 : memref<!tpu.dma_semaphore, #tpu.memory_space<semaphore_mem>>) src(%arg22 : memref<6256xf32, #tpu.memory_space<vmem>>) dst(%dma_wait3A_244 : memref<6256xf32, #tpu.memory_space<vmem_shared>>)
      tpu.yield
    }) : () -> ()
    %barrier3A_80 = arith.constant 0 : index
    tpu.barrier barrier_id(%barrier3A_80)
    %add3A_81 = arith.constant 0 : i32
    %add3A_82 = arith.addi %mul3A_2, %add3A_81 : i32
    %dma_start3A_83 = arith.constant 0 : i32
    %dma_start3A_84 = arith.constant 0 : i32
    %dma_start3A_85 = tpu.memref_slice %arg14[%dma_start3A_83, %dma_start3A_84] : memref<2x5000xi32, #tpu.memory_space<vmem>> -> memref<1x5000xi32, #tpu.memory_space<vmem>>
    %dma_start3A_86 = tpu.memref_squeeze %dma_start3A_85 : memref<1x5000xi32, #tpu.memory_space<vmem>> -> memref<5000xi32, #tpu.memory_space<vmem>>
    %dma_start3A_87 = tpu.memref_slice %arg3[%add3A_82] : memref<3200000xi32, #tpu.memory_space<hbm>> -> memref<5000xi32, #tpu.memory_space<hbm>>
    %dma_start3A_88 = arith.constant 0 : i32
    %dma_start3A_89 = tpu.memref_slice %arg14[%dma_start3A_83, %dma_start3A_88] : memref<2x5000xi32, #tpu.memory_space<vmem>> -> memref<1x5000xi32, #tpu.memory_space<vmem>>
    %dma_start3A_90 = tpu.memref_squeeze %dma_start3A_89 : memref<1x5000xi32, #tpu.memory_space<vmem>> -> memref<5000xi32, #tpu.memory_space<vmem>>
    %dma_start3A_91 = tpu.memref_slice %arg3[%add3A_82] : memref<3200000xi32, #tpu.memory_space<hbm>> -> memref<5000xi32, #tpu.memory_space<hbm>>
    tpu.enqueue_dma source(%dma_start3A_91 : memref<5000xi32, #tpu.memory_space<hbm>>) target(%dma_start3A_90 : memref<5000xi32, #tpu.memory_space<vmem>>) target_semaphore(%arg27 : memref<!tpu.dma_semaphore, #tpu.memory_space<semaphore_mem>>)
    %dma_start3A_92 = arith.constant 0 : i32
    %dma_start3A_93 = arith.constant 0 : i32
    %dma_start3A_94 = tpu.memref_slice %arg15[%dma_start3A_92, %dma_start3A_93] : memref<2x5000xi32, #tpu.memory_space<vmem>> -> memref<1x5000xi32, #tpu.memory_space<vmem>>
    %dma_start3A_95 = tpu.memref_squeeze %dma_start3A_94 : memref<1x5000xi32, #tpu.memory_space<vmem>> -> memref<5000xi32, #tpu.memory_space<vmem>>
    %dma_start3A_96 = tpu.memref_slice %arg4[%add3A_82] : memref<3200000xi32, #tpu.memory_space<hbm>> -> memref<5000xi32, #tpu.memory_space<hbm>>
    %dma_start3A_97 = arith.constant 0 : i32
    %dma_start3A_98 = tpu.memref_slice %arg15[%dma_start3A_92, %dma_start3A_97] : memref<2x5000xi32, #tpu.memory_space<vmem>> -> memref<1x5000xi32, #tpu.memory_space<vmem>>
    %dma_start3A_99 = tpu.memref_squeeze %dma_start3A_98 : memref<1x5000xi32, #tpu.memory_space<vmem>> -> memref<5000xi32, #tpu.memory_space<vmem>>
    %dma_start3A_100 = tpu.memref_slice %arg4[%add3A_82] : memref<3200000xi32, #tpu.memory_space<hbm>> -> memref<5000xi32, #tpu.memory_space<hbm>>
    tpu.enqueue_dma source(%dma_start3A_100 : memref<5000xi32, #tpu.memory_space<hbm>>) target(%dma_start3A_99 : memref<5000xi32, #tpu.memory_space<vmem>>) target_semaphore(%arg27 : memref<!tpu.dma_semaphore, #tpu.memory_space<semaphore_mem>>)
    %scan3A_101 = arith.constant 0 : i32
    %scan3A_102 = arith.constant 0 : i32
    %scan3A_103 = arith.constant 20 : i32
    %scan3A_104 = arith.addi %scan3A_102, %scan3A_103 : i32
    %scan3A_105 = arith.constant 1 : i32
    scf.for %scan3A_240 = %scan3A_102 to %scan3A_104 step %scan3A_105  : i32 {
      %mul3A_241 = arith.constant 2 : i32
      %mul3A_242 = arith.muli %mul3A_241, %scan3A_240 : i32
      %add3A_243 = arith.constant 0 : i32
      %add3A_244 = arith.addi %mul3A_242, %add3A_243 : i32
      %mul3A_245 = arith.constant 5000 : i32
      %mul3A_246 = arith.muli %add3A_244, %mul3A_245 : i32
      %add3A_247 = arith.addi %mul3A_2, %mul3A_246 : i32
      %dma_wait3A_248 = arith.constant 0 : i32
      %dma_wait3A_249 = arith.constant 0 : i32
      %dma_wait3A_250 = tpu.memref_slice %arg14[%dma_wait3A_248, %dma_wait3A_249] : memref<2x5000xi32, #tpu.memory_space<vmem>> -> memref<1x5000xi32, #tpu.memory_space<vmem>>
      %dma_wait3A_251 = tpu.memref_squeeze %dma_wait3A_250 : memref<1x5000xi32, #tpu.memory_space<vmem>> -> memref<5000xi32, #tpu.memory_space<vmem>>
      %dma_wait3A_252 = tpu.memref_slice %arg3[%add3A_247] : memref<3200000xi32, #tpu.memory_space<hbm>> -> memref<5000xi32, #tpu.memory_space<hbm>>
      %dma_wait3A_253 = arith.constant 0 : i32
      %dma_wait3A_254 = tpu.memref_slice %arg14[%dma_wait3A_248, %dma_wait3A_253] : memref<2x5000xi32, #tpu.memory_space<vmem>> -> memref<1x5000xi32, #tpu.memory_space<vmem>>
      %dma_wait3A_255 = tpu.memref_squeeze %dma_wait3A_254 : memref<1x5000xi32, #tpu.memory_space<vmem>> -> memref<5000xi32, #tpu.memory_space<vmem>>
      %dma_wait3A_256 = tpu.memref_slice %arg3[%add3A_247] : memref<3200000xi32, #tpu.memory_space<hbm>> -> memref<5000xi32, #tpu.memory_space<hbm>>
      tpu.wait_dma2 semaphore(%arg27 : memref<!tpu.dma_semaphore, #tpu.memory_space<semaphore_mem>>) src(%dma_wait3A_256 : memref<5000xi32, #tpu.memory_space<hbm>>) dst(%dma_wait3A_255 : memref<5000xi32, #tpu.memory_space<vmem>>)
      %dma_wait3A_257 = arith.constant 0 : i32
      %dma_wait3A_258 = arith.constant 0 : i32
      %dma_wait3A_259 = tpu.memref_slice %arg15[%dma_wait3A_257, %dma_wait3A_258] : memref<2x5000xi32, #tpu.memory_space<vmem>> -> memref<1x5000xi32, #tpu.memory_space<vmem>>
      %dma_wait3A_260 = tpu.memref_squeeze %dma_wait3A_259 : memref<1x5000xi32, #tpu.memory_space<vmem>> -> memref<5000xi32, #tpu.memory_space<vmem>>
      %dma_wait3A_261 = tpu.memref_slice %arg4[%add3A_247] : memref<3200000xi32, #tpu.memory_space<hbm>> -> memref<5000xi32, #tpu.memory_space<hbm>>
      %dma_wait3A_262 = arith.constant 0 : i32
      %dma_wait3A_263 = tpu.memref_slice %arg15[%dma_wait3A_257, %dma_wait3A_262] : memref<2x5000xi32, #tpu.memory_space<vmem>> -> memref<1x5000xi32, #tpu.memory_space<vmem>>
      %dma_wait3A_264 = tpu.memref_squeeze %dma_wait3A_263 : memref<1x5000xi32, #tpu.memory_space<vmem>> -> memref<5000xi32, #tpu.memory_space<vmem>>
      %dma_wait3A_265 = tpu.memref_slice %arg4[%add3A_247] : memref<3200000xi32, #tpu.memory_space<hbm>> -> memref<5000xi32, #tpu.memory_space<hbm>>
      tpu.wait_dma2 semaphore(%arg27 : memref<!tpu.dma_semaphore, #tpu.memory_space<semaphore_mem>>) src(%dma_wait3A_265 : memref<5000xi32, #tpu.memory_space<hbm>>) dst(%dma_wait3A_264 : memref<5000xi32, #tpu.memory_space<vmem>>)
      %dma_start3A_266 = arith.constant 0 : i32
      %dma_start3A_267 = arith.constant 0 : i32
      %dma_start3A_268 = arith.constant 0 : i32
      %dma_start3A_269 = tpu.memref_slice %arg16[%dma_start3A_267, %dma_start3A_268] : memref<2x5000xf32, #tpu.memory_space<vmem>> -> memref<1x5000xf32, #tpu.memory_space<vmem>>
      %dma_start3A_270 = tpu.memref_squeeze %dma_start3A_269 : memref<1x5000xf32, #tpu.memory_space<vmem>> -> memref<5000xf32, #tpu.memory_space<vmem>>
      %dma_start3A_271 = arith.constant 0 : i32
      %dma_start3A_272 = tpu.memref_slice %arg14[%dma_start3A_266, %dma_start3A_271] : memref<2x5000xi32, #tpu.memory_space<vmem>> -> memref<1x5000xi32, #tpu.memory_space<vmem>>
      %dma_start3A_273 = tpu.memref_squeeze %dma_start3A_272 : memref<1x5000xi32, #tpu.memory_space<vmem>> -> memref<5000xi32, #tpu.memory_space<vmem>>
      %dma_start3A_274 = arith.constant 0 : i32
      %dma_start3A_275 = tpu.memref_slice %arg10[%dma_start3A_274] : memref<100096xf32, #tpu.memory_space<vmem_shared>> -> memref<100096xf32, #tpu.memory_space<vmem_shared>>
      tpu.enqueue_indirect_dma source(%dma_start3A_275 : memref<100096xf32, #tpu.memory_space<vmem_shared>>) target(%dma_start3A_270 : memref<5000xf32, #tpu.memory_space<vmem>>) offsets(%dma_start3A_273 : memref<5000xi32, #tpu.memory_space<vmem>>) semaphore(%arg28 : memref<!tpu.dma_semaphore, #tpu.memory_space<semaphore_mem>>)
      %dma_start3A_276 = arith.constant 0 : i32
      %dma_start3A_277 = arith.constant 0 : i32
      %dma_start3A_278 = arith.constant 0 : i32
      %dma_start3A_279 = tpu.memref_slice %arg17[%dma_start3A_277, %dma_start3A_278] : memref<2x5000xf32, #tpu.memory_space<vmem>> -> memref<1x5000xf32, #tpu.memory_space<vmem>>
      %dma_start3A_280 = tpu.memref_squeeze %dma_start3A_279 : memref<1x5000xf32, #tpu.memory_space<vmem>> -> memref<5000xf32, #tpu.memory_space<vmem>>
      %dma_start3A_281 = arith.constant 0 : i32
      %dma_start3A_282 = tpu.memref_slice %arg14[%dma_start3A_276, %dma_start3A_281] : memref<2x5000xi32, #tpu.memory_space<vmem>> -> memref<1x5000xi32, #tpu.memory_space<vmem>>
      %dma_start3A_283 = tpu.memref_squeeze %dma_start3A_282 : memref<1x5000xi32, #tpu.memory_space<vmem>> -> memref<5000xi32, #tpu.memory_space<vmem>>
      %dma_start3A_284 = arith.constant 0 : i32
      %dma_start3A_285 = tpu.memref_slice %arg11[%dma_start3A_284] : memref<100096xf32, #tpu.memory_space<vmem_shared>> -> memref<100096xf32, #tpu.memory_space<vmem_shared>>
      tpu.enqueue_indirect_dma source(%dma_start3A_285 : memref<100096xf32, #tpu.memory_space<vmem_shared>>) target(%dma_start3A_280 : memref<5000xf32, #tpu.memory_space<vmem>>) offsets(%dma_start3A_283 : memref<5000xi32, #tpu.memory_space<vmem>>) semaphore(%arg28 : memref<!tpu.dma_semaphore, #tpu.memory_space<semaphore_mem>>)
      %gt3A = arith.constant 0 : i32
      %gt3A_286 = arith.cmpi sgt, %scan3A_240, %gt3A : i32
      %convert_element_type3A = arith.extui %gt3A_286 : i1 to i32
      %cond3A = arith.constant 0 : i32
      %cond3A_287 = arith.cmpi ne, %convert_element_type3A, %cond3A : i32
      scf.if %cond3A_287 {
        %dma_wait3A_460 = arith.constant 1 : i32
        %dma_wait3A_461 = arith.constant 1 : i32
        %dma_wait3A_462 = arith.constant 0 : i32
        %dma_wait3A_463 = tpu.memref_slice %arg16[%dma_wait3A_460, %dma_wait3A_462] : memref<2x5000xf32, #tpu.memory_space<vmem>> -> memref<1x5000xf32, #tpu.memory_space<vmem>>
        %dma_wait3A_464 = tpu.memref_squeeze %dma_wait3A_463 : memref<1x5000xf32, #tpu.memory_space<vmem>> -> memref<5000xf32, #tpu.memory_space<vmem>>
        %dma_wait3A_465 = arith.constant 0 : i32
        %dma_wait3A_466 = tpu.memref_slice %arg15[%dma_wait3A_461, %dma_wait3A_465] : memref<2x5000xi32, #tpu.memory_space<vmem>> -> memref<1x5000xi32, #tpu.memory_space<vmem>>
        %dma_wait3A_467 = tpu.memref_squeeze %dma_wait3A_466 : memref<1x5000xi32, #tpu.memory_space<vmem>> -> memref<5000xi32, #tpu.memory_space<vmem>>
        %dma_wait3A_468 = arith.constant 0 : i32
        %dma_wait3A_469 = tpu.memref_slice %arg12[%dma_wait3A_468] : memref<100096xf32, #tpu.memory_space<vmem_shared>> -> memref<100096xf32, #tpu.memory_space<vmem_shared>>
        tpu.wait_indirect_dma semaphore(%arg29 : memref<!tpu.dma_semaphore, #tpu.memory_space<semaphore_mem>>) src(%dma_wait3A_464 : memref<5000xf32, #tpu.memory_space<vmem>>) dst(%dma_wait3A_469 : memref<100096xf32, #tpu.memory_space<vmem_shared>>)
        %dma_wait3A_470 = arith.constant 1 : i32
        %dma_wait3A_471 = arith.constant 1 : i32
        %dma_wait3A_472 = arith.constant 0 : i32
        %dma_wait3A_473 = tpu.memref_slice %arg17[%dma_wait3A_470, %dma_wait3A_472] : memref<2x5000xf32, #tpu.memory_space<vmem>> -> memref<1x5000xf32, #tpu.memory_space<vmem>>
        %dma_wait3A_474 = tpu.memref_squeeze %dma_wait3A_473 : memref<1x5000xf32, #tpu.memory_space<vmem>> -> memref<5000xf32, #tpu.memory_space<vmem>>
        %dma_wait3A_475 = arith.constant 0 : i32
        %dma_wait3A_476 = tpu.memref_slice %arg15[%dma_wait3A_471, %dma_wait3A_475] : memref<2x5000xi32, #tpu.memory_space<vmem>> -> memref<1x5000xi32, #tpu.memory_space<vmem>>
        %dma_wait3A_477 = tpu.memref_squeeze %dma_wait3A_476 : memref<1x5000xi32, #tpu.memory_space<vmem>> -> memref<5000xi32, #tpu.memory_space<vmem>>
        %dma_wait3A_478 = arith.constant 0 : i32
        %dma_wait3A_479 = tpu.memref_slice %arg13[%dma_wait3A_478] : memref<100096xf32, #tpu.memory_space<vmem_shared>> -> memref<100096xf32, #tpu.memory_space<vmem_shared>>
        tpu.wait_indirect_dma semaphore(%arg29 : memref<!tpu.dma_semaphore, #tpu.memory_space<semaphore_mem>>) src(%dma_wait3A_474 : memref<5000xf32, #tpu.memory_space<vmem>>) dst(%dma_wait3A_479 : memref<100096xf32, #tpu.memory_space<vmem_shared>>)
      } else {
      }
      %add3A_288 = arith.constant 1 : i32
      %add3A_289 = arith.addi %add3A_244, %add3A_288 : i32
      %mul3A_290 = arith.constant 5000 : i32
      %mul3A_291 = arith.muli %add3A_289, %mul3A_290 : i32
      %add3A_292 = arith.addi %mul3A_2, %mul3A_291 : i32
      %dma_start3A_293 = arith.constant 1 : i32
      %dma_start3A_294 = arith.constant 0 : i32
      %dma_start3A_295 = tpu.memref_slice %arg14[%dma_start3A_293, %dma_start3A_294] : memref<2x5000xi32, #tpu.memory_space<vmem>> -> memref<1x5000xi32, #tpu.memory_space<vmem>>
      %dma_start3A_296 = tpu.memref_squeeze %dma_start3A_295 : memref<1x5000xi32, #tpu.memory_space<vmem>> -> memref<5000xi32, #tpu.memory_space<vmem>>
      %dma_start3A_297 = tpu.memref_slice %arg3[%add3A_292] : memref<3200000xi32, #tpu.memory_space<hbm>> -> memref<5000xi32, #tpu.memory_space<hbm>>
      %dma_start3A_298 = arith.constant 0 : i32
      %dma_start3A_299 = tpu.memref_slice %arg14[%dma_start3A_293, %dma_start3A_298] : memref<2x5000xi32, #tpu.memory_space<vmem>> -> memref<1x5000xi32, #tpu.memory_space<vmem>>
      %dma_start3A_300 = tpu.memref_squeeze %dma_start3A_299 : memref<1x5000xi32, #tpu.memory_space<vmem>> -> memref<5000xi32, #tpu.memory_space<vmem>>
      %dma_start3A_301 = tpu.memref_slice %arg3[%add3A_292] : memref<3200000xi32, #tpu.memory_space<hbm>> -> memref<5000xi32, #tpu.memory_space<hbm>>
      tpu.enqueue_dma source(%dma_start3A_301 : memref<5000xi32, #tpu.memory_space<hbm>>) target(%dma_start3A_300 : memref<5000xi32, #tpu.memory_space<vmem>>) target_semaphore(%arg27 : memref<!tpu.dma_semaphore, #tpu.memory_space<semaphore_mem>>)
      %dma_start3A_302 = arith.constant 1 : i32
      %dma_start3A_303 = arith.constant 0 : i32
      %dma_start3A_304 = tpu.memref_slice %arg15[%dma_start3A_302, %dma_start3A_303] : memref<2x5000xi32, #tpu.memory_space<vmem>> -> memref<1x5000xi32, #tpu.memory_space<vmem>>
      %dma_start3A_305 = tpu.memref_squeeze %dma_start3A_304 : memref<1x5000xi32, #tpu.memory_space<vmem>> -> memref<5000xi32, #tpu.memory_space<vmem>>
      %dma_start3A_306 = tpu.memref_slice %arg4[%add3A_292] : memref<3200000xi32, #tpu.memory_space<hbm>> -> memref<5000xi32, #tpu.memory_space<hbm>>
      %dma_start3A_307 = arith.constant 0 : i32
      %dma_start3A_308 = tpu.memref_slice %arg15[%dma_start3A_302, %dma_start3A_307] : memref<2x5000xi32, #tpu.memory_space<vmem>> -> memref<1x5000xi32, #tpu.memory_space<vmem>>
      %dma_start3A_309 = tpu.memref_squeeze %dma_start3A_308 : memref<1x5000xi32, #tpu.memory_space<vmem>> -> memref<5000xi32, #tpu.memory_space<vmem>>
      %dma_start3A_310 = tpu.memref_slice %arg4[%add3A_292] : memref<3200000xi32, #tpu.memory_space<hbm>> -> memref<5000xi32, #tpu.memory_space<hbm>>
      tpu.enqueue_dma source(%dma_start3A_310 : memref<5000xi32, #tpu.memory_space<hbm>>) target(%dma_start3A_309 : memref<5000xi32, #tpu.memory_space<vmem>>) target_semaphore(%arg27 : memref<!tpu.dma_semaphore, #tpu.memory_space<semaphore_mem>>)
      %dma_wait3A_311 = arith.constant 0 : i32
      %dma_wait3A_312 = arith.constant 0 : i32
      %dma_wait3A_313 = arith.constant 0 : i32
      %dma_wait3A_314 = tpu.memref_slice %arg16[%dma_wait3A_312, %dma_wait3A_313] : memref<2x5000xf32, #tpu.memory_space<vmem>> -> memref<1x5000xf32, #tpu.memory_space<vmem>>
      %dma_wait3A_315 = tpu.memref_squeeze %dma_wait3A_314 : memref<1x5000xf32, #tpu.memory_space<vmem>> -> memref<5000xf32, #tpu.memory_space<vmem>>
      %dma_wait3A_316 = arith.constant 0 : i32
      %dma_wait3A_317 = tpu.memref_slice %arg14[%dma_wait3A_311, %dma_wait3A_316] : memref<2x5000xi32, #tpu.memory_space<vmem>> -> memref<1x5000xi32, #tpu.memory_space<vmem>>
      %dma_wait3A_318 = tpu.memref_squeeze %dma_wait3A_317 : memref<1x5000xi32, #tpu.memory_space<vmem>> -> memref<5000xi32, #tpu.memory_space<vmem>>
      %dma_wait3A_319 = arith.constant 0 : i32
      %dma_wait3A_320 = tpu.memref_slice %arg10[%dma_wait3A_319] : memref<100096xf32, #tpu.memory_space<vmem_shared>> -> memref<100096xf32, #tpu.memory_space<vmem_shared>>
      tpu.wait_indirect_dma semaphore(%arg28 : memref<!tpu.dma_semaphore, #tpu.memory_space<semaphore_mem>>) src(%dma_wait3A_320 : memref<100096xf32, #tpu.memory_space<vmem_shared>>) dst(%dma_wait3A_315 : memref<5000xf32, #tpu.memory_space<vmem>>)
      %dma_wait3A_321 = arith.constant 0 : i32
      %dma_wait3A_322 = arith.constant 0 : i32
      %dma_wait3A_323 = arith.constant 0 : i32
      %dma_wait3A_324 = tpu.memref_slice %arg17[%dma_wait3A_322, %dma_wait3A_323] : memref<2x5000xf32, #tpu.memory_space<vmem>> -> memref<1x5000xf32, #tpu.memory_space<vmem>>
      %dma_wait3A_325 = tpu.memref_squeeze %dma_wait3A_324 : memref<1x5000xf32, #tpu.memory_space<vmem>> -> memref<5000xf32, #tpu.memory_space<vmem>>
      %dma_wait3A_326 = arith.constant 0 : i32
      %dma_wait3A_327 = tpu.memref_slice %arg14[%dma_wait3A_321, %dma_wait3A_326] : memref<2x5000xi32, #tpu.memory_space<vmem>> -> memref<1x5000xi32, #tpu.memory_space<vmem>>
      %dma_wait3A_328 = tpu.memref_squeeze %dma_wait3A_327 : memref<1x5000xi32, #tpu.memory_space<vmem>> -> memref<5000xi32, #tpu.memory_space<vmem>>
      %dma_wait3A_329 = arith.constant 0 : i32
      %dma_wait3A_330 = tpu.memref_slice %arg11[%dma_wait3A_329] : memref<100096xf32, #tpu.memory_space<vmem_shared>> -> memref<100096xf32, #tpu.memory_space<vmem_shared>>
      tpu.wait_indirect_dma semaphore(%arg28 : memref<!tpu.dma_semaphore, #tpu.memory_space<semaphore_mem>>) src(%dma_wait3A_330 : memref<100096xf32, #tpu.memory_space<vmem_shared>>) dst(%dma_wait3A_325 : memref<5000xf32, #tpu.memory_space<vmem>>)
      %dma_start3A_331 = arith.constant 0 : i32
      %dma_start3A_332 = arith.constant 0 : i32
      %dma_start3A_333 = arith.constant 0 : i32
      %dma_start3A_334 = tpu.memref_slice %arg16[%dma_start3A_331, %dma_start3A_333] : memref<2x5000xf32, #tpu.memory_space<vmem>> -> memref<1x5000xf32, #tpu.memory_space<vmem>>
      %dma_start3A_335 = tpu.memref_squeeze %dma_start3A_334 : memref<1x5000xf32, #tpu.memory_space<vmem>> -> memref<5000xf32, #tpu.memory_space<vmem>>
      %dma_start3A_336 = arith.constant 0 : i32
      %dma_start3A_337 = tpu.memref_slice %arg15[%dma_start3A_332, %dma_start3A_336] : memref<2x5000xi32, #tpu.memory_space<vmem>> -> memref<1x5000xi32, #tpu.memory_space<vmem>>
      %dma_start3A_338 = tpu.memref_squeeze %dma_start3A_337 : memref<1x5000xi32, #tpu.memory_space<vmem>> -> memref<5000xi32, #tpu.memory_space<vmem>>
      %dma_start3A_339 = arith.constant 0 : i32
      %dma_start3A_340 = tpu.memref_slice %arg12[%dma_start3A_339] : memref<100096xf32, #tpu.memory_space<vmem_shared>> -> memref<100096xf32, #tpu.memory_space<vmem_shared>>
      tpu.enqueue_indirect_dma source(%dma_start3A_335 : memref<5000xf32, #tpu.memory_space<vmem>>) target(%dma_start3A_340 : memref<100096xf32, #tpu.memory_space<vmem_shared>>) offsets(%dma_start3A_338 : memref<5000xi32, #tpu.memory_space<vmem>>) semaphore(%arg29 : memref<!tpu.dma_semaphore, #tpu.memory_space<semaphore_mem>>) {add = true}
      %dma_start3A_341 = arith.constant 0 : i32
      %dma_start3A_342 = arith.constant 0 : i32
      %dma_start3A_343 = arith.constant 0 : i32
      %dma_start3A_344 = tpu.memref_slice %arg17[%dma_start3A_341, %dma_start3A_343] : memref<2x5000xf32, #tpu.memory_space<vmem>> -> memref<1x5000xf32, #tpu.memory_space<vmem>>
      %dma_start3A_345 = tpu.memref_squeeze %dma_start3A_344 : memref<1x5000xf32, #tpu.memory_space<vmem>> -> memref<5000xf32, #tpu.memory_space<vmem>>
      %dma_start3A_346 = arith.constant 0 : i32
      %dma_start3A_347 = tpu.memref_slice %arg15[%dma_start3A_342, %dma_start3A_346] : memref<2x5000xi32, #tpu.memory_space<vmem>> -> memref<1x5000xi32, #tpu.memory_space<vmem>>
      %dma_start3A_348 = tpu.memref_squeeze %dma_start3A_347 : memref<1x5000xi32, #tpu.memory_space<vmem>> -> memref<5000xi32, #tpu.memory_space<vmem>>
      %dma_start3A_349 = arith.constant 0 : i32
      %dma_start3A_350 = tpu.memref_slice %arg13[%dma_start3A_349] : memref<100096xf32, #tpu.memory_space<vmem_shared>> -> memref<100096xf32, #tpu.memory_space<vmem_shared>>
      tpu.enqueue_indirect_dma source(%dma_start3A_345 : memref<5000xf32, #tpu.memory_space<vmem>>) target(%dma_start3A_350 : memref<100096xf32, #tpu.memory_space<vmem_shared>>) offsets(%dma_start3A_348 : memref<5000xi32, #tpu.memory_space<vmem>>) semaphore(%arg29 : memref<!tpu.dma_semaphore, #tpu.memory_space<semaphore_mem>>) {add = true}
      %mul3A_351 = arith.constant 2 : i32
      %mul3A_352 = arith.muli %mul3A_351, %scan3A_240 : i32
      %add3A_353 = arith.constant 1 : i32
      %add3A_354 = arith.addi %mul3A_352, %add3A_353 : i32
      %mul3A_355 = arith.constant 5000 : i32
      %mul3A_356 = arith.muli %add3A_354, %mul3A_355 : i32
      %add3A_357 = arith.addi %mul3A_2, %mul3A_356 : i32
      %dma_wait3A_358 = arith.constant 1 : i32
      %dma_wait3A_359 = arith.constant 0 : i32
      %dma_wait3A_360 = tpu.memref_slice %arg14[%dma_wait3A_358, %dma_wait3A_359] : memref<2x5000xi32, #tpu.memory_space<vmem>> -> memref<1x5000xi32, #tpu.memory_space<vmem>>
      %dma_wait3A_361 = tpu.memref_squeeze %dma_wait3A_360 : memref<1x5000xi32, #tpu.memory_space<vmem>> -> memref<5000xi32, #tpu.memory_space<vmem>>
      %dma_wait3A_362 = tpu.memref_slice %arg3[%add3A_357] : memref<3200000xi32, #tpu.memory_space<hbm>> -> memref<5000xi32, #tpu.memory_space<hbm>>
      %dma_wait3A_363 = arith.constant 0 : i32
      %dma_wait3A_364 = tpu.memref_slice %arg14[%dma_wait3A_358, %dma_wait3A_363] : memref<2x5000xi32, #tpu.memory_space<vmem>> -> memref<1x5000xi32, #tpu.memory_space<vmem>>
      %dma_wait3A_365 = tpu.memref_squeeze %dma_wait3A_364 : memref<1x5000xi32, #tpu.memory_space<vmem>> -> memref<5000xi32, #tpu.memory_space<vmem>>
      %dma_wait3A_366 = tpu.memref_slice %arg3[%add3A_357] : memref<3200000xi32, #tpu.memory_space<hbm>> -> memref<5000xi32, #tpu.memory_space<hbm>>
      tpu.wait_dma2 semaphore(%arg27 : memref<!tpu.dma_semaphore, #tpu.memory_space<semaphore_mem>>) src(%dma_wait3A_366 : memref<5000xi32, #tpu.memory_space<hbm>>) dst(%dma_wait3A_365 : memref<5000xi32, #tpu.memory_space<vmem>>)
      %dma_wait3A_367 = arith.constant 1 : i32
      %dma_wait3A_368 = arith.constant 0 : i32
      %dma_wait3A_369 = tpu.memref_slice %arg15[%dma_wait3A_367, %dma_wait3A_368] : memref<2x5000xi32, #tpu.memory_space<vmem>> -> memref<1x5000xi32, #tpu.memory_space<vmem>>
      %dma_wait3A_370 = tpu.memref_squeeze %dma_wait3A_369 : memref<1x5000xi32, #tpu.memory_space<vmem>> -> memref<5000xi32, #tpu.memory_space<vmem>>
      %dma_wait3A_371 = tpu.memref_slice %arg4[%add3A_357] : memref<3200000xi32, #tpu.memory_space<hbm>> -> memref<5000xi32, #tpu.memory_space<hbm>>
      %dma_wait3A_372 = arith.constant 0 : i32
      %dma_wait3A_373 = tpu.memref_slice %arg15[%dma_wait3A_367, %dma_wait3A_372] : memref<2x5000xi32, #tpu.memory_space<vmem>> -> memref<1x5000xi32, #tpu.memory_space<vmem>>
      %dma_wait3A_374 = tpu.memref_squeeze %dma_wait3A_373 : memref<1x5000xi32, #tpu.memory_space<vmem>> -> memref<5000xi32, #tpu.memory_space<vmem>>
      %dma_wait3A_375 = tpu.memref_slice %arg4[%add3A_357] : memref<3200000xi32, #tpu.memory_space<hbm>> -> memref<5000xi32, #tpu.memory_space<hbm>>
      tpu.wait_dma2 semaphore(%arg27 : memref<!tpu.dma_semaphore, #tpu.memory_space<semaphore_mem>>) src(%dma_wait3A_375 : memref<5000xi32, #tpu.memory_space<hbm>>) dst(%dma_wait3A_374 : memref<5000xi32, #tpu.memory_space<vmem>>)
      %dma_start3A_376 = arith.constant 1 : i32
      %dma_start3A_377 = arith.constant 1 : i32
      %dma_start3A_378 = arith.constant 0 : i32
      %dma_start3A_379 = tpu.memref_slice %arg16[%dma_start3A_377, %dma_start3A_378] : memref<2x5000xf32, #tpu.memory_space<vmem>> -> memref<1x5000xf32, #tpu.memory_space<vmem>>
      %dma_start3A_380 = tpu.memref_squeeze %dma_start3A_379 : memref<1x5000xf32, #tpu.memory_space<vmem>> -> memref<5000xf32, #tpu.memory_space<vmem>>
      %dma_start3A_381 = arith.constant 0 : i32
      %dma_start3A_382 = tpu.memref_slice %arg14[%dma_start3A_376, %dma_start3A_381] : memref<2x5000xi32, #tpu.memory_space<vmem>> -> memref<1x5000xi32, #tpu.memory_space<vmem>>
      %dma_start3A_383 = tpu.memref_squeeze %dma_start3A_382 : memref<1x5000xi32, #tpu.memory_space<vmem>> -> memref<5000xi32, #tpu.memory_space<vmem>>
      %dma_start3A_384 = arith.constant 0 : i32
      %dma_start3A_385 = tpu.memref_slice %arg10[%dma_start3A_384] : memref<100096xf32, #tpu.memory_space<vmem_shared>> -> memref<100096xf32, #tpu.memory_space<vmem_shared>>
      tpu.enqueue_indirect_dma source(%dma_start3A_385 : memref<100096xf32, #tpu.memory_space<vmem_shared>>) target(%dma_start3A_380 : memref<5000xf32, #tpu.memory_space<vmem>>) offsets(%dma_start3A_383 : memref<5000xi32, #tpu.memory_space<vmem>>) semaphore(%arg28 : memref<!tpu.dma_semaphore, #tpu.memory_space<semaphore_mem>>)
      %dma_start3A_386 = arith.constant 1 : i32
      %dma_start3A_387 = arith.constant 1 : i32
      %dma_start3A_388 = arith.constant 0 : i32
      %dma_start3A_389 = tpu.memref_slice %arg17[%dma_start3A_387, %dma_start3A_388] : memref<2x5000xf32, #tpu.memory_space<vmem>> -> memref<1x5000xf32, #tpu.memory_space<vmem>>
      %dma_start3A_390 = tpu.memref_squeeze %dma_start3A_389 : memref<1x5000xf32, #tpu.memory_space<vmem>> -> memref<5000xf32, #tpu.memory_space<vmem>>
      %dma_start3A_391 = arith.constant 0 : i32
      %dma_start3A_392 = tpu.memref_slice %arg14[%dma_start3A_386, %dma_start3A_391] : memref<2x5000xi32, #tpu.memory_space<vmem>> -> memref<1x5000xi32, #tpu.memory_space<vmem>>
      %dma_start3A_393 = tpu.memref_squeeze %dma_start3A_392 : memref<1x5000xi32, #tpu.memory_space<vmem>> -> memref<5000xi32, #tpu.memory_space<vmem>>
      %dma_start3A_394 = arith.constant 0 : i32
      %dma_start3A_395 = tpu.memref_slice %arg11[%dma_start3A_394] : memref<100096xf32, #tpu.memory_space<vmem_shared>> -> memref<100096xf32, #tpu.memory_space<vmem_shared>>
      tpu.enqueue_indirect_dma source(%dma_start3A_395 : memref<100096xf32, #tpu.memory_space<vmem_shared>>) target(%dma_start3A_390 : memref<5000xf32, #tpu.memory_space<vmem>>) offsets(%dma_start3A_393 : memref<5000xi32, #tpu.memory_space<vmem>>) semaphore(%arg28 : memref<!tpu.dma_semaphore, #tpu.memory_space<semaphore_mem>>)
      %dma_wait3A_396 = arith.constant 0 : i32
      %dma_wait3A_397 = arith.constant 0 : i32
      %dma_wait3A_398 = arith.constant 0 : i32
      %dma_wait3A_399 = tpu.memref_slice %arg16[%dma_wait3A_396, %dma_wait3A_398] : memref<2x5000xf32, #tpu.memory_space<vmem>> -> memref<1x5000xf32, #tpu.memory_space<vmem>>
      %dma_wait3A_400 = tpu.memref_squeeze %dma_wait3A_399 : memref<1x5000xf32, #tpu.memory_space<vmem>> -> memref<5000xf32, #tpu.memory_space<vmem>>
      %dma_wait3A_401 = arith.constant 0 : i32
      %dma_wait3A_402 = tpu.memref_slice %arg15[%dma_wait3A_397, %dma_wait3A_401] : memref<2x5000xi32, #tpu.memory_space<vmem>> -> memref<1x5000xi32, #tpu.memory_space<vmem>>
      %dma_wait3A_403 = tpu.memref_squeeze %dma_wait3A_402 : memref<1x5000xi32, #tpu.memory_space<vmem>> -> memref<5000xi32, #tpu.memory_space<vmem>>
      %dma_wait3A_404 = arith.constant 0 : i32
      %dma_wait3A_405 = tpu.memref_slice %arg12[%dma_wait3A_404] : memref<100096xf32, #tpu.memory_space<vmem_shared>> -> memref<100096xf32, #tpu.memory_space<vmem_shared>>
      tpu.wait_indirect_dma semaphore(%arg29 : memref<!tpu.dma_semaphore, #tpu.memory_space<semaphore_mem>>) src(%dma_wait3A_400 : memref<5000xf32, #tpu.memory_space<vmem>>) dst(%dma_wait3A_405 : memref<100096xf32, #tpu.memory_space<vmem_shared>>)
      %dma_wait3A_406 = arith.constant 0 : i32
      %dma_wait3A_407 = arith.constant 0 : i32
      %dma_wait3A_408 = arith.constant 0 : i32
      %dma_wait3A_409 = tpu.memref_slice %arg17[%dma_wait3A_406, %dma_wait3A_408] : memref<2x5000xf32, #tpu.memory_space<vmem>> -> memref<1x5000xf32, #tpu.memory_space<vmem>>
      %dma_wait3A_410 = tpu.memref_squeeze %dma_wait3A_409 : memref<1x5000xf32, #tpu.memory_space<vmem>> -> memref<5000xf32, #tpu.memory_space<vmem>>
      %dma_wait3A_411 = arith.constant 0 : i32
      %dma_wait3A_412 = tpu.memref_slice %arg15[%dma_wait3A_407, %dma_wait3A_411] : memref<2x5000xi32, #tpu.memory_space<vmem>> -> memref<1x5000xi32, #tpu.memory_space<vmem>>
      %dma_wait3A_413 = tpu.memref_squeeze %dma_wait3A_412 : memref<1x5000xi32, #tpu.memory_space<vmem>> -> memref<5000xi32, #tpu.memory_space<vmem>>
      %dma_wait3A_414 = arith.constant 0 : i32
      %dma_wait3A_415 = tpu.memref_slice %arg13[%dma_wait3A_414] : memref<100096xf32, #tpu.memory_space<vmem_shared>> -> memref<100096xf32, #tpu.memory_space<vmem_shared>>
      tpu.wait_indirect_dma semaphore(%arg29 : memref<!tpu.dma_semaphore, #tpu.memory_space<semaphore_mem>>) src(%dma_wait3A_410 : memref<5000xf32, #tpu.memory_space<vmem>>) dst(%dma_wait3A_415 : memref<100096xf32, #tpu.memory_space<vmem_shared>>)
      %lt3A = arith.constant 19 : i32
      %lt3A_416 = arith.cmpi slt, %scan3A_240, %lt3A : i32
      %convert_element_type3A_417 = arith.extui %lt3A_416 : i1 to i32
      %cond3A_418 = arith.constant 0 : i32
      %cond3A_419 = arith.cmpi ne, %convert_element_type3A_417, %cond3A_418 : i32
      scf.if %cond3A_419 {
        %add3A_460 = arith.constant 1 : i32
        %add3A_461 = arith.addi %add3A_354, %add3A_460 : i32
        %mul3A_462 = arith.constant 5000 : i32
        %mul3A_463 = arith.muli %add3A_461, %mul3A_462 : i32
        %add3A_464 = arith.addi %mul3A_2, %mul3A_463 : i32
        %dma_start3A_465 = arith.constant 0 : i32
        %dma_start3A_466 = arith.constant 0 : i32
        %dma_start3A_467 = tpu.memref_slice %arg14[%dma_start3A_465, %dma_start3A_466] : memref<2x5000xi32, #tpu.memory_space<vmem>> -> memref<1x5000xi32, #tpu.memory_space<vmem>>
        %dma_start3A_468 = tpu.memref_squeeze %dma_start3A_467 : memref<1x5000xi32, #tpu.memory_space<vmem>> -> memref<5000xi32, #tpu.memory_space<vmem>>
        %dma_start3A_469 = tpu.memref_slice %arg3[%add3A_464] : memref<3200000xi32, #tpu.memory_space<hbm>> -> memref<5000xi32, #tpu.memory_space<hbm>>
        %dma_start3A_470 = arith.constant 0 : i32
        %dma_start3A_471 = tpu.memref_slice %arg14[%dma_start3A_465, %dma_start3A_470] : memref<2x5000xi32, #tpu.memory_space<vmem>> -> memref<1x5000xi32, #tpu.memory_space<vmem>>
        %dma_start3A_472 = tpu.memref_squeeze %dma_start3A_471 : memref<1x5000xi32, #tpu.memory_space<vmem>> -> memref<5000xi32, #tpu.memory_space<vmem>>
        %dma_start3A_473 = tpu.memref_slice %arg3[%add3A_464] : memref<3200000xi32, #tpu.memory_space<hbm>> -> memref<5000xi32, #tpu.memory_space<hbm>>
        tpu.enqueue_dma source(%dma_start3A_473 : memref<5000xi32, #tpu.memory_space<hbm>>) target(%dma_start3A_472 : memref<5000xi32, #tpu.memory_space<vmem>>) target_semaphore(%arg27 : memref<!tpu.dma_semaphore, #tpu.memory_space<semaphore_mem>>)
        %dma_start3A_474 = arith.constant 0 : i32
        %dma_start3A_475 = arith.constant 0 : i32
        %dma_start3A_476 = tpu.memref_slice %arg15[%dma_start3A_474, %dma_start3A_475] : memref<2x5000xi32, #tpu.memory_space<vmem>> -> memref<1x5000xi32, #tpu.memory_space<vmem>>
        %dma_start3A_477 = tpu.memref_squeeze %dma_start3A_476 : memref<1x5000xi32, #tpu.memory_space<vmem>> -> memref<5000xi32, #tpu.memory_space<vmem>>
        %dma_start3A_478 = tpu.memref_slice %arg4[%add3A_464] : memref<3200000xi32, #tpu.memory_space<hbm>> -> memref<5000xi32, #tpu.memory_space<hbm>>
        %dma_start3A_479 = arith.constant 0 : i32
        %dma_start3A_480 = tpu.memref_slice %arg15[%dma_start3A_474, %dma_start3A_479] : memref<2x5000xi32, #tpu.memory_space<vmem>> -> memref<1x5000xi32, #tpu.memory_space<vmem>>
        %dma_start3A_481 = tpu.memref_squeeze %dma_start3A_480 : memref<1x5000xi32, #tpu.memory_space<vmem>> -> memref<5000xi32, #tpu.memory_space<vmem>>
        %dma_start3A_482 = tpu.memref_slice %arg4[%add3A_464] : memref<3200000xi32, #tpu.memory_space<hbm>> -> memref<5000xi32, #tpu.memory_space<hbm>>
        tpu.enqueue_dma source(%dma_start3A_482 : memref<5000xi32, #tpu.memory_space<hbm>>) target(%dma_start3A_481 : memref<5000xi32, #tpu.memory_space<vmem>>) target_semaphore(%arg27 : memref<!tpu.dma_semaphore, #tpu.memory_space<semaphore_mem>>)
      } else {
      }
      %dma_wait3A_420 = arith.constant 1 : i32
      %dma_wait3A_421 = arith.constant 1 : i32
      %dma_wait3A_422 = arith.constant 0 : i32
      %dma_wait3A_423 = tpu.memref_slice %arg16[%dma_wait3A_421, %dma_wait3A_422] : memref<2x5000xf32, #tpu.memory_space<vmem>> -> memref<1x5000xf32, #tpu.memory_space<vmem>>
      %dma_wait3A_424 = tpu.memref_squeeze %dma_wait3A_423 : memref<1x5000xf32, #tpu.memory_space<vmem>> -> memref<5000xf32, #tpu.memory_space<vmem>>
      %dma_wait3A_425 = arith.constant 0 : i32
      %dma_wait3A_426 = tpu.memref_slice %arg14[%dma_wait3A_420, %dma_wait3A_425] : memref<2x5000xi32, #tpu.memory_space<vmem>> -> memref<1x5000xi32, #tpu.memory_space<vmem>>
      %dma_wait3A_427 = tpu.memref_squeeze %dma_wait3A_426 : memref<1x5000xi32, #tpu.memory_space<vmem>> -> memref<5000xi32, #tpu.memory_space<vmem>>
      %dma_wait3A_428 = arith.constant 0 : i32
      %dma_wait3A_429 = tpu.memref_slice %arg10[%dma_wait3A_428] : memref<100096xf32, #tpu.memory_space<vmem_shared>> -> memref<100096xf32, #tpu.memory_space<vmem_shared>>
      tpu.wait_indirect_dma semaphore(%arg28 : memref<!tpu.dma_semaphore, #tpu.memory_space<semaphore_mem>>) src(%dma_wait3A_429 : memref<100096xf32, #tpu.memory_space<vmem_shared>>) dst(%dma_wait3A_424 : memref<5000xf32, #tpu.memory_space<vmem>>)
      %dma_wait3A_430 = arith.constant 1 : i32
      %dma_wait3A_431 = arith.constant 1 : i32
      %dma_wait3A_432 = arith.constant 0 : i32
      %dma_wait3A_433 = tpu.memref_slice %arg17[%dma_wait3A_431, %dma_wait3A_432] : memref<2x5000xf32, #tpu.memory_space<vmem>> -> memref<1x5000xf32, #tpu.memory_space<vmem>>
      %dma_wait3A_434 = tpu.memref_squeeze %dma_wait3A_433 : memref<1x5000xf32, #tpu.memory_space<vmem>> -> memref<5000xf32, #tpu.memory_space<vmem>>
      %dma_wait3A_435 = arith.constant 0 : i32
      %dma_wait3A_436 = tpu.memref_slice %arg14[%dma_wait3A_430, %dma_wait3A_435] : memref<2x5000xi32, #tpu.memory_space<vmem>> -> memref<1x5000xi32, #tpu.memory_space<vmem>>
      %dma_wait3A_437 = tpu.memref_squeeze %dma_wait3A_436 : memref<1x5000xi32, #tpu.memory_space<vmem>> -> memref<5000xi32, #tpu.memory_space<vmem>>
      %dma_wait3A_438 = arith.constant 0 : i32
      %dma_wait3A_439 = tpu.memref_slice %arg11[%dma_wait3A_438] : memref<100096xf32, #tpu.memory_space<vmem_shared>> -> memref<100096xf32, #tpu.memory_space<vmem_shared>>
      tpu.wait_indirect_dma semaphore(%arg28 : memref<!tpu.dma_semaphore, #tpu.memory_space<semaphore_mem>>) src(%dma_wait3A_439 : memref<100096xf32, #tpu.memory_space<vmem_shared>>) dst(%dma_wait3A_434 : memref<5000xf32, #tpu.memory_space<vmem>>)
      %dma_start3A_440 = arith.constant 1 : i32
      %dma_start3A_441 = arith.constant 1 : i32
      %dma_start3A_442 = arith.constant 0 : i32
      %dma_start3A_443 = tpu.memref_slice %arg16[%dma_start3A_440, %dma_start3A_442] : memref<2x5000xf32, #tpu.memory_space<vmem>> -> memref<1x5000xf32, #tpu.memory_space<vmem>>
      %dma_start3A_444 = tpu.memref_squeeze %dma_start3A_443 : memref<1x5000xf32, #tpu.memory_space<vmem>> -> memref<5000xf32, #tpu.memory_space<vmem>>
      %dma_start3A_445 = arith.constant 0 : i32
      %dma_start3A_446 = tpu.memref_slice %arg15[%dma_start3A_441, %dma_start3A_445] : memref<2x5000xi32, #tpu.memory_space<vmem>> -> memref<1x5000xi32, #tpu.memory_space<vmem>>
      %dma_start3A_447 = tpu.memref_squeeze %dma_start3A_446 : memref<1x5000xi32, #tpu.memory_space<vmem>> -> memref<5000xi32, #tpu.memory_space<vmem>>
      %dma_start3A_448 = arith.constant 0 : i32
      %dma_start3A_449 = tpu.memref_slice %arg12[%dma_start3A_448] : memref<100096xf32, #tpu.memory_space<vmem_shared>> -> memref<100096xf32, #tpu.memory_space<vmem_shared>>
      tpu.enqueue_indirect_dma source(%dma_start3A_444 : memref<5000xf32, #tpu.memory_space<vmem>>) target(%dma_start3A_449 : memref<100096xf32, #tpu.memory_space<vmem_shared>>) offsets(%dma_start3A_447 : memref<5000xi32, #tpu.memory_space<vmem>>) semaphore(%arg29 : memref<!tpu.dma_semaphore, #tpu.memory_space<semaphore_mem>>) {add = true}
      %dma_start3A_450 = arith.constant 1 : i32
      %dma_start3A_451 = arith.constant 1 : i32
      %dma_start3A_452 = arith.constant 0 : i32
      %dma_start3A_453 = tpu.memref_slice %arg17[%dma_start3A_450, %dma_start3A_452] : memref<2x5000xf32, #tpu.memory_space<vmem>> -> memref<1x5000xf32, #tpu.memory_space<vmem>>
      %dma_start3A_454 = tpu.memref_squeeze %dma_start3A_453 : memref<1x5000xf32, #tpu.memory_space<vmem>> -> memref<5000xf32, #tpu.memory_space<vmem>>
      %dma_start3A_455 = arith.constant 0 : i32
      %dma_start3A_456 = tpu.memref_slice %arg15[%dma_start3A_451, %dma_start3A_455] : memref<2x5000xi32, #tpu.memory_space<vmem>> -> memref<1x5000xi32, #tpu.memory_space<vmem>>
      %dma_start3A_457 = tpu.memref_squeeze %dma_start3A_456 : memref<1x5000xi32, #tpu.memory_space<vmem>> -> memref<5000xi32, #tpu.memory_space<vmem>>
      %dma_start3A_458 = arith.constant 0 : i32
      %dma_start3A_459 = tpu.memref_slice %arg13[%dma_start3A_458] : memref<100096xf32, #tpu.memory_space<vmem_shared>> -> memref<100096xf32, #tpu.memory_space<vmem_shared>>
      tpu.enqueue_indirect_dma source(%dma_start3A_454 : memref<5000xf32, #tpu.memory_space<vmem>>) target(%dma_start3A_459 : memref<100096xf32, #tpu.memory_space<vmem_shared>>) offsets(%dma_start3A_457 : memref<5000xi32, #tpu.memory_space<vmem>>) semaphore(%arg29 : memref<!tpu.dma_semaphore, #tpu.memory_space<semaphore_mem>>) {add = true}
    }
    %scan3A_106 = arith.constant 20 : i32
    %dma_wait3A_107 = arith.constant 1 : i32
    %dma_wait3A_108 = arith.constant 1 : i32
    %dma_wait3A_109 = arith.constant 0 : i32
    %dma_wait3A_110 = tpu.memref_slice %arg16[%dma_wait3A_107, %dma_wait3A_109] : memref<2x5000xf32, #tpu.memory_space<vmem>> -> memref<1x5000xf32, #tpu.memory_space<vmem>>
    %dma_wait3A_111 = tpu.memref_squeeze %dma_wait3A_110 : memref<1x5000xf32, #tpu.memory_space<vmem>> -> memref<5000xf32, #tpu.memory_space<vmem>>
    %dma_wait3A_112 = arith.constant 0 : i32
    %dma_wait3A_113 = tpu.memref_slice %arg15[%dma_wait3A_108, %dma_wait3A_112] : memref<2x5000xi32, #tpu.memory_space<vmem>> -> memref<1x5000xi32, #tpu.memory_space<vmem>>
    %dma_wait3A_114 = tpu.memref_squeeze %dma_wait3A_113 : memref<1x5000xi32, #tpu.memory_space<vmem>> -> memref<5000xi32, #tpu.memory_space<vmem>>
    %dma_wait3A_115 = arith.constant 0 : i32
    %dma_wait3A_116 = tpu.memref_slice %arg12[%dma_wait3A_115] : memref<100096xf32, #tpu.memory_space<vmem_shared>> -> memref<100096xf32, #tpu.memory_space<vmem_shared>>
    tpu.wait_indirect_dma semaphore(%arg29 : memref<!tpu.dma_semaphore, #tpu.memory_space<semaphore_mem>>) src(%dma_wait3A_111 : memref<5000xf32, #tpu.memory_space<vmem>>) dst(%dma_wait3A_116 : memref<100096xf32, #tpu.memory_space<vmem_shared>>)
    %dma_wait3A_117 = arith.constant 1 : i32
    %dma_wait3A_118 = arith.constant 1 : i32
    %dma_wait3A_119 = arith.constant 0 : i32
    %dma_wait3A_120 = tpu.memref_slice %arg17[%dma_wait3A_117, %dma_wait3A_119] : memref<2x5000xf32, #tpu.memory_space<vmem>> -> memref<1x5000xf32, #tpu.memory_space<vmem>>
    %dma_wait3A_121 = tpu.memref_squeeze %dma_wait3A_120 : memref<1x5000xf32, #tpu.memory_space<vmem>> -> memref<5000xf32, #tpu.memory_space<vmem>>
    %dma_wait3A_122 = arith.constant 0 : i32
    %dma_wait3A_123 = tpu.memref_slice %arg15[%dma_wait3A_118, %dma_wait3A_122] : memref<2x5000xi32, #tpu.memory_space<vmem>> -> memref<1x5000xi32, #tpu.memory_space<vmem>>
    %dma_wait3A_124 = tpu.memref_squeeze %dma_wait3A_123 : memref<1x5000xi32, #tpu.memory_space<vmem>> -> memref<5000xi32, #tpu.memory_space<vmem>>
    %dma_wait3A_125 = arith.constant 0 : i32
    %dma_wait3A_126 = tpu.memref_slice %arg13[%dma_wait3A_125] : memref<100096xf32, #tpu.memory_space<vmem_shared>> -> memref<100096xf32, #tpu.memory_space<vmem_shared>>
    tpu.wait_indirect_dma semaphore(%arg29 : memref<!tpu.dma_semaphore, #tpu.memory_space<semaphore_mem>>) src(%dma_wait3A_121 : memref<5000xf32, #tpu.memory_space<vmem>>) dst(%dma_wait3A_126 : memref<100096xf32, #tpu.memory_space<vmem_shared>>)
    %barrier3A_127 = arith.constant 0 : index
    tpu.barrier barrier_id(%barrier3A_127)
    "tpu.region"() ({
      %run_scoped3A_240 = tpu.sem_alloc : memref<!tpu.dma_semaphore, #tpu.memory_space<semaphore_mem>>
      %dma_start3A_241 = tpu.memref_slice %arg12[%mul3A_0] : memref<100096xf32, #tpu.memory_space<vmem_shared>> -> memref<6256xf32, #tpu.memory_space<vmem_shared>>
      %dma_start3A_242 = tpu.memref_slice %arg12[%mul3A_0] : memref<100096xf32, #tpu.memory_space<vmem_shared>> -> memref<6256xf32, #tpu.memory_space<vmem_shared>>
      tpu.enqueue_dma source(%dma_start3A_242 : memref<6256xf32, #tpu.memory_space<vmem_shared>>) target(%arg18 : memref<6256xf32, #tpu.memory_space<vmem>>) target_semaphore(%run_scoped3A_240 : memref<!tpu.dma_semaphore, #tpu.memory_space<semaphore_mem>>)
      %dma_wait3A_243 = tpu.memref_slice %arg12[%mul3A_0] : memref<100096xf32, #tpu.memory_space<vmem_shared>> -> memref<6256xf32, #tpu.memory_space<vmem_shared>>
      %dma_wait3A_244 = tpu.memref_slice %arg12[%mul3A_0] : memref<100096xf32, #tpu.memory_space<vmem_shared>> -> memref<6256xf32, #tpu.memory_space<vmem_shared>>
      tpu.wait_dma2 semaphore(%run_scoped3A_240 : memref<!tpu.dma_semaphore, #tpu.memory_space<semaphore_mem>>) src(%dma_wait3A_244 : memref<6256xf32, #tpu.memory_space<vmem_shared>>) dst(%arg18 : memref<6256xf32, #tpu.memory_space<vmem>>)
      tpu.yield
    }) : () -> ()
    "tpu.region"() ({
      %run_scoped3A_240 = tpu.sem_alloc : memref<!tpu.dma_semaphore, #tpu.memory_space<semaphore_mem>>
      %dma_start3A_241 = tpu.memref_slice %arg13[%mul3A_0] : memref<100096xf32, #tpu.memory_space<vmem_shared>> -> memref<6256xf32, #tpu.memory_space<vmem_shared>>
      %dma_start3A_242 = tpu.memref_slice %arg13[%mul3A_0] : memref<100096xf32, #tpu.memory_space<vmem_shared>> -> memref<6256xf32, #tpu.memory_space<vmem_shared>>
      tpu.enqueue_dma source(%dma_start3A_242 : memref<6256xf32, #tpu.memory_space<vmem_shared>>) target(%arg19 : memref<6256xf32, #tpu.memory_space<vmem>>) target_semaphore(%run_scoped3A_240 : memref<!tpu.dma_semaphore, #tpu.memory_space<semaphore_mem>>)
      %dma_wait3A_243 = tpu.memref_slice %arg13[%mul3A_0] : memref<100096xf32, #tpu.memory_space<vmem_shared>> -> memref<6256xf32, #tpu.memory_space<vmem_shared>>
      %dma_wait3A_244 = tpu.memref_slice %arg13[%mul3A_0] : memref<100096xf32, #tpu.memory_space<vmem_shared>> -> memref<6256xf32, #tpu.memory_space<vmem_shared>>
      tpu.wait_dma2 semaphore(%run_scoped3A_240 : memref<!tpu.dma_semaphore, #tpu.memory_space<semaphore_mem>>) src(%dma_wait3A_244 : memref<6256xf32, #tpu.memory_space<vmem_shared>>) dst(%arg19 : memref<6256xf32, #tpu.memory_space<vmem>>)
      tpu.yield
    }) : () -> ()
    %get3A_128 = arith.constant 1 : i32
    %get3A_129 = arith.constant 0 : i32
    %get3A_130 = tpu.memref_slice %arg25[%get3A_128, %get3A_129] : memref<3x48xf32, #tpu.memory_space<vmem>> -> memref<1x48xf32, #tpu.memory_space<vmem>>
    %get3A_131 = tpu.memref_squeeze %get3A_130 : memref<1x48xf32, #tpu.memory_space<vmem>> -> memref<48xf32, #tpu.memory_space<vmem>>
    %get3A_132 = arith.constant 0 : index
    %get3A_133 = tpu.vector_load %get3A_131[%get3A_132] {strides = array<i32>} : memref<48xf32, #tpu.memory_space<vmem>>, vector<16xf32>,
    %get3A_134 = arith.constant 1 : i32
    %get3A_135 = arith.constant 0 : i32
    %get3A_136 = tpu.memref_slice %arg25[%get3A_134, %get3A_135] : memref<3x48xf32, #tpu.memory_space<vmem>> -> memref<1x48xf32, #tpu.memory_space<vmem>>
    %get3A_137 = tpu.memref_squeeze %get3A_136 : memref<1x48xf32, #tpu.memory_space<vmem>> -> memref<48xf32, #tpu.memory_space<vmem>>
    %get3A_138 = arith.constant 16 : index
    %get3A_139 = tpu.vector_load %get3A_137[%get3A_138] {strides = array<i32>} : memref<48xf32, #tpu.memory_space<vmem>>, vector<16xf32>,
    %get3A_140 = arith.constant 1 : i32
    %get3A_141 = arith.constant 0 : i32
    %get3A_142 = tpu.memref_slice %arg25[%get3A_140, %get3A_141] : memref<3x48xf32, #tpu.memory_space<vmem>> -> memref<1x48xf32, #tpu.memory_space<vmem>>
    %get3A_143 = tpu.memref_squeeze %get3A_142 : memref<1x48xf32, #tpu.memory_space<vmem>> -> memref<48xf32, #tpu.memory_space<vmem>>
    %get3A_144 = arith.constant 32 : index
    %get3A_145 = tpu.vector_load %get3A_143[%get3A_144] {strides = array<i32>} : memref<48xf32, #tpu.memory_space<vmem>>, vector<16xf32>,
    %scan3A_146 = arith.constant 0 : i32
    %scan3A_147 = arith.constant 391 : i32
    %scan3A_148 = arith.addi %scan3A_146, %scan3A_147 : i32
    %scan3A_149 = arith.constant 1 : i32
    scf.for %scan3A_240 = %scan3A_146 to %scan3A_148 step %scan3A_149  : i32 {
      %mul3A_241 = arith.constant 16 : i32
      %mul3A_242 = arith.muli %scan3A_240, %mul3A_241 : i32
      %get3A_243 = arith.index_cast %mul3A_242 : i32 to index
      %get3A_244 = tpu.vector_load %arg20[%get3A_243] {strides = array<i32>} : memref<6256xf32, #tpu.memory_space<vmem>>, vector<16xf32>,
      %max3A = arith.constant 1.000000e+00 : f32
      %max3A_245 = vector.broadcast %max3A : f32 to vector<16xf32>
      %max3A_246 = arith.maximumf %get3A_244, %max3A_245 : vector<16xf32>
      %get3A_247 = arith.index_cast %mul3A_242 : i32 to index
      %get3A_248 = tpu.vector_load %arg18[%get3A_247] {strides = array<i32>} : memref<6256xf32, #tpu.memory_space<vmem>>, vector<16xf32>,
      %mul3A_249 = arith.mulf %get3A_133, %get3A_248 : vector<16xf32>
      %mul3A_250 = arith.mulf %get3A_139, %get3A_244 : vector<16xf32>
      %get3A_251 = arith.index_cast %mul3A_242 : i32 to index
      %get3A_252 = tpu.vector_load %arg21[%get3A_251] {strides = array<i32>} : memref<6256xf32, #tpu.memory_space<vmem>>, vector<16xf32>,
      %mul3A_253 = arith.mulf %mul3A_250, %get3A_252 : vector<16xf32>
      %add3A_254 = arith.addf %mul3A_249, %mul3A_253 : vector<16xf32>
      %div3A = arith.divf %add3A_254, %max3A_246 : vector<16xf32>
      %add3A_255 = arith.addf %div3A, %get3A_145 : vector<16xf32>
      %ge3A = arith.constant 0.000000e+00 : f32
      %ge3A_256 = vector.broadcast %ge3A : f32 to vector<16xf32>
      %ge3A_257 = arith.cmpf oge, %add3A_255, %ge3A_256 : vector<16xf32>
      %mul3A_258 = arith.constant 1.000000e-01 : f32
      %mul3A_259 = vector.broadcast %mul3A_258 : f32 to vector<16xf32>
      %mul3A_260 = arith.mulf %mul3A_259, %add3A_255 : vector<16xf32>
      %select_n3A_261 = arith.select %ge3A_257, %add3A_255, %mul3A_260 : vector<16xi1>, vector<16xf32>
      %swap3A_262 = arith.index_cast %mul3A_242 : i32 to index
      %swap3A_263 = tpu.vector_load %arg21[%swap3A_262] {strides = array<i32>} : memref<6256xf32, #tpu.memory_space<vmem>>, vector<16xf32>,
      tpu.vector_store %arg21[%swap3A_262], %select_n3A_261 {strides = array<i32>} : memref<6256xf32, #tpu.memory_space<vmem>>, vector<16xf32>,
      %get3A_264 = arith.index_cast %mul3A_242 : i32 to index
      %get3A_265 = tpu.vector_load %arg19[%get3A_264] {strides = array<i32>} : memref<6256xf32, #tpu.memory_space<vmem>>, vector<16xf32>,
      %mul3A_266 = arith.mulf %get3A_133, %get3A_265 : vector<16xf32>
      %mul3A_267 = arith.mulf %get3A_139, %get3A_244 : vector<16xf32>
      %get3A_268 = arith.index_cast %mul3A_242 : i32 to index
      %get3A_269 = tpu.vector_load %arg22[%get3A_268] {strides = array<i32>} : memref<6256xf32, #tpu.memory_space<vmem>>, vector<16xf32>,
      %mul3A_270 = arith.mulf %mul3A_267, %get3A_269 : vector<16xf32>
      %add3A_271 = arith.addf %mul3A_266, %mul3A_270 : vector<16xf32>
      %div3A_272 = arith.divf %add3A_271, %max3A_246 : vector<16xf32>
      %add3A_273 = arith.addf %div3A_272, %get3A_145 : vector<16xf32>
      %ge3A_274 = arith.constant 0.000000e+00 : f32
      %ge3A_275 = vector.broadcast %ge3A_274 : f32 to vector<16xf32>
      %ge3A_276 = arith.cmpf oge, %add3A_273, %ge3A_275 : vector<16xf32>
      %mul3A_277 = arith.constant 1.000000e-01 : f32
      %mul3A_278 = vector.broadcast %mul3A_277 : f32 to vector<16xf32>
      %mul3A_279 = arith.mulf %mul3A_278, %add3A_273 : vector<16xf32>
      %select_n3A_280 = arith.select %ge3A_276, %add3A_273, %mul3A_279 : vector<16xi1>, vector<16xf32>
      %swap3A_281 = arith.index_cast %mul3A_242 : i32 to index
      %swap3A_282 = tpu.vector_load %arg22[%swap3A_281] {strides = array<i32>} : memref<6256xf32, #tpu.memory_space<vmem>>, vector<16xf32>,
      tpu.vector_store %arg22[%swap3A_281], %select_n3A_280 {strides = array<i32>} : memref<6256xf32, #tpu.memory_space<vmem>>, vector<16xf32>,
    }
    %scan3A_150 = arith.constant 391 : i32
    "tpu.region"() ({
      %run_scoped3A_240 = tpu.sem_alloc : memref<!tpu.dma_semaphore, #tpu.memory_space<semaphore_mem>>
      %dma_start3A_241 = tpu.memref_slice %arg12[%mul3A_0] : memref<100096xf32, #tpu.memory_space<vmem_shared>> -> memref<6256xf32, #tpu.memory_space<vmem_shared>>
      %dma_start3A_242 = tpu.memref_slice %arg12[%mul3A_0] : memref<100096xf32, #tpu.memory_space<vmem_shared>> -> memref<6256xf32, #tpu.memory_space<vmem_shared>>
      tpu.enqueue_dma source(%arg23 : memref<6256xf32, #tpu.memory_space<vmem>>) target(%dma_start3A_242 : memref<6256xf32, #tpu.memory_space<vmem_shared>>) target_semaphore(%run_scoped3A_240 : memref<!tpu.dma_semaphore, #tpu.memory_space<semaphore_mem>>)
      %dma_wait3A_243 = tpu.memref_slice %arg12[%mul3A_0] : memref<100096xf32, #tpu.memory_space<vmem_shared>> -> memref<6256xf32, #tpu.memory_space<vmem_shared>>
      %dma_wait3A_244 = tpu.memref_slice %arg12[%mul3A_0] : memref<100096xf32, #tpu.memory_space<vmem_shared>> -> memref<6256xf32, #tpu.memory_space<vmem_shared>>
      tpu.wait_dma2 semaphore(%run_scoped3A_240 : memref<!tpu.dma_semaphore, #tpu.memory_space<semaphore_mem>>) src(%arg23 : memref<6256xf32, #tpu.memory_space<vmem>>) dst(%dma_wait3A_244 : memref<6256xf32, #tpu.memory_space<vmem_shared>>)
      tpu.yield
    }) : () -> ()
    "tpu.region"() ({
      %run_scoped3A_240 = tpu.sem_alloc : memref<!tpu.dma_semaphore, #tpu.memory_space<semaphore_mem>>
      %dma_start3A_241 = tpu.memref_slice %arg13[%mul3A_0] : memref<100096xf32, #tpu.memory_space<vmem_shared>> -> memref<6256xf32, #tpu.memory_space<vmem_shared>>
      %dma_start3A_242 = tpu.memref_slice %arg13[%mul3A_0] : memref<100096xf32, #tpu.memory_space<vmem_shared>> -> memref<6256xf32, #tpu.memory_space<vmem_shared>>
      tpu.enqueue_dma source(%arg23 : memref<6256xf32, #tpu.memory_space<vmem>>) target(%dma_start3A_242 : memref<6256xf32, #tpu.memory_space<vmem_shared>>) target_semaphore(%run_scoped3A_240 : memref<!tpu.dma_semaphore, #tpu.memory_space<semaphore_mem>>)
      %dma_wait3A_243 = tpu.memref_slice %arg13[%mul3A_0] : memref<100096xf32, #tpu.memory_space<vmem_shared>> -> memref<6256xf32, #tpu.memory_space<vmem_shared>>
      %dma_wait3A_244 = tpu.memref_slice %arg13[%mul3A_0] : memref<100096xf32, #tpu.memory_space<vmem_shared>> -> memref<6256xf32, #tpu.memory_space<vmem_shared>>
      tpu.wait_dma2 semaphore(%run_scoped3A_240 : memref<!tpu.dma_semaphore, #tpu.memory_space<semaphore_mem>>) src(%arg23 : memref<6256xf32, #tpu.memory_space<vmem>>) dst(%dma_wait3A_244 : memref<6256xf32, #tpu.memory_space<vmem_shared>>)
      tpu.yield
    }) : () -> ()
    "tpu.region"() ({
      %run_scoped3A_240 = tpu.sem_alloc : memref<!tpu.dma_semaphore, #tpu.memory_space<semaphore_mem>>
      %dma_start3A_241 = tpu.memref_slice %arg10[%mul3A_0] : memref<100096xf32, #tpu.memory_space<vmem_shared>> -> memref<6256xf32, #tpu.memory_space<vmem_shared>>
      %dma_start3A_242 = tpu.memref_slice %arg10[%mul3A_0] : memref<100096xf32, #tpu.memory_space<vmem_shared>> -> memref<6256xf32, #tpu.memory_space<vmem_shared>>
      tpu.enqueue_dma source(%arg21 : memref<6256xf32, #tpu.memory_space<vmem>>) target(%dma_start3A_242 : memref<6256xf32, #tpu.memory_space<vmem_shared>>) target_semaphore(%run_scoped3A_240 : memref<!tpu.dma_semaphore, #tpu.memory_space<semaphore_mem>>)
      %dma_wait3A_243 = tpu.memref_slice %arg10[%mul3A_0] : memref<100096xf32, #tpu.memory_space<vmem_shared>> -> memref<6256xf32, #tpu.memory_space<vmem_shared>>
      %dma_wait3A_244 = tpu.memref_slice %arg10[%mul3A_0] : memref<100096xf32, #tpu.memory_space<vmem_shared>> -> memref<6256xf32, #tpu.memory_space<vmem_shared>>
      tpu.wait_dma2 semaphore(%run_scoped3A_240 : memref<!tpu.dma_semaphore, #tpu.memory_space<semaphore_mem>>) src(%arg21 : memref<6256xf32, #tpu.memory_space<vmem>>) dst(%dma_wait3A_244 : memref<6256xf32, #tpu.memory_space<vmem_shared>>)
      tpu.yield
    }) : () -> ()
    "tpu.region"() ({
      %run_scoped3A_240 = tpu.sem_alloc : memref<!tpu.dma_semaphore, #tpu.memory_space<semaphore_mem>>
      %dma_start3A_241 = tpu.memref_slice %arg11[%mul3A_0] : memref<100096xf32, #tpu.memory_space<vmem_shared>> -> memref<6256xf32, #tpu.memory_space<vmem_shared>>
      %dma_start3A_242 = tpu.memref_slice %arg11[%mul3A_0] : memref<100096xf32, #tpu.memory_space<vmem_shared>> -> memref<6256xf32, #tpu.memory_space<vmem_shared>>
      tpu.enqueue_dma source(%arg22 : memref<6256xf32, #tpu.memory_space<vmem>>) target(%dma_start3A_242 : memref<6256xf32, #tpu.memory_space<vmem_shared>>) target_semaphore(%run_scoped3A_240 : memref<!tpu.dma_semaphore, #tpu.memory_space<semaphore_mem>>)
      %dma_wait3A_243 = tpu.memref_slice %arg11[%mul3A_0] : memref<100096xf32, #tpu.memory_space<vmem_shared>> -> memref<6256xf32, #tpu.memory_space<vmem_shared>>
      %dma_wait3A_244 = tpu.memref_slice %arg11[%mul3A_0] : memref<100096xf32, #tpu.memory_space<vmem_shared>> -> memref<6256xf32, #tpu.memory_space<vmem_shared>>
      tpu.wait_dma2 semaphore(%run_scoped3A_240 : memref<!tpu.dma_semaphore, #tpu.memory_space<semaphore_mem>>) src(%arg22 : memref<6256xf32, #tpu.memory_space<vmem>>) dst(%dma_wait3A_244 : memref<6256xf32, #tpu.memory_space<vmem_shared>>)
      tpu.yield
    }) : () -> ()
    %barrier3A_151 = arith.constant 0 : index
    tpu.barrier barrier_id(%barrier3A_151)
    %add3A_152 = arith.constant 0 : i32
    %add3A_153 = arith.addi %mul3A_2, %add3A_152 : i32
    %dma_start3A_154 = arith.constant 0 : i32
    %dma_start3A_155 = arith.constant 0 : i32
    %dma_start3A_156 = tpu.memref_slice %arg14[%dma_start3A_154, %dma_start3A_155] : memref<2x5000xi32, #tpu.memory_space<vmem>> -> memref<1x5000xi32, #tpu.memory_space<vmem>>
    %dma_start3A_157 = tpu.memref_squeeze %dma_start3A_156 : memref<1x5000xi32, #tpu.memory_space<vmem>> -> memref<5000xi32, #tpu.memory_space<vmem>>
    %dma_start3A_158 = tpu.memref_slice %arg3[%add3A_153] : memref<3200000xi32, #tpu.memory_space<hbm>> -> memref<5000xi32, #tpu.memory_space<hbm>>
    %dma_start3A_159 = arith.constant 0 : i32
    %dma_start3A_160 = tpu.memref_slice %arg14[%dma_start3A_154, %dma_start3A_159] : memref<2x5000xi32, #tpu.memory_space<vmem>> -> memref<1x5000xi32, #tpu.memory_space<vmem>>
    %dma_start3A_161 = tpu.memref_squeeze %dma_start3A_160 : memref<1x5000xi32, #tpu.memory_space<vmem>> -> memref<5000xi32, #tpu.memory_space<vmem>>
    %dma_start3A_162 = tpu.memref_slice %arg3[%add3A_153] : memref<3200000xi32, #tpu.memory_space<hbm>> -> memref<5000xi32, #tpu.memory_space<hbm>>
    tpu.enqueue_dma source(%dma_start3A_162 : memref<5000xi32, #tpu.memory_space<hbm>>) target(%dma_start3A_161 : memref<5000xi32, #tpu.memory_space<vmem>>) target_semaphore(%arg27 : memref<!tpu.dma_semaphore, #tpu.memory_space<semaphore_mem>>)
    %dma_start3A_163 = arith.constant 0 : i32
    %dma_start3A_164 = arith.constant 0 : i32
    %dma_start3A_165 = tpu.memref_slice %arg15[%dma_start3A_163, %dma_start3A_164] : memref<2x5000xi32, #tpu.memory_space<vmem>> -> memref<1x5000xi32, #tpu.memory_space<vmem>>
    %dma_start3A_166 = tpu.memref_squeeze %dma_start3A_165 : memref<1x5000xi32, #tpu.memory_space<vmem>> -> memref<5000xi32, #tpu.memory_space<vmem>>
    %dma_start3A_167 = tpu.memref_slice %arg4[%add3A_153] : memref<3200000xi32, #tpu.memory_space<hbm>> -> memref<5000xi32, #tpu.memory_space<hbm>>
    %dma_start3A_168 = arith.constant 0 : i32
    %dma_start3A_169 = tpu.memref_slice %arg15[%dma_start3A_163, %dma_start3A_168] : memref<2x5000xi32, #tpu.memory_space<vmem>> -> memref<1x5000xi32, #tpu.memory_space<vmem>>
    %dma_start3A_170 = tpu.memref_squeeze %dma_start3A_169 : memref<1x5000xi32, #tpu.memory_space<vmem>> -> memref<5000xi32, #tpu.memory_space<vmem>>
    %dma_start3A_171 = tpu.memref_slice %arg4[%add3A_153] : memref<3200000xi32, #tpu.memory_space<hbm>> -> memref<5000xi32, #tpu.memory_space<hbm>>
    tpu.enqueue_dma source(%dma_start3A_171 : memref<5000xi32, #tpu.memory_space<hbm>>) target(%dma_start3A_170 : memref<5000xi32, #tpu.memory_space<vmem>>) target_semaphore(%arg27 : memref<!tpu.dma_semaphore, #tpu.memory_space<semaphore_mem>>)
    %scan3A_172 = arith.constant 0 : i32
    %scan3A_173 = arith.constant 0 : i32
    %scan3A_174 = arith.constant 20 : i32
    %scan3A_175 = arith.addi %scan3A_173, %scan3A_174 : i32
    %scan3A_176 = arith.constant 1 : i32
    scf.for %scan3A_240 = %scan3A_173 to %scan3A_175 step %scan3A_176  : i32 {
      %mul3A_241 = arith.constant 2 : i32
      %mul3A_242 = arith.muli %mul3A_241, %scan3A_240 : i32
      %add3A_243 = arith.constant 0 : i32
      %add3A_244 = arith.addi %mul3A_242, %add3A_243 : i32
      %mul3A_245 = arith.constant 5000 : i32
      %mul3A_246 = arith.muli %add3A_244, %mul3A_245 : i32
      %add3A_247 = arith.addi %mul3A_2, %mul3A_246 : i32
      %dma_wait3A_248 = arith.constant 0 : i32
      %dma_wait3A_249 = arith.constant 0 : i32
      %dma_wait3A_250 = tpu.memref_slice %arg14[%dma_wait3A_248, %dma_wait3A_249] : memref<2x5000xi32, #tpu.memory_space<vmem>> -> memref<1x5000xi32, #tpu.memory_space<vmem>>
      %dma_wait3A_251 = tpu.memref_squeeze %dma_wait3A_250 : memref<1x5000xi32, #tpu.memory_space<vmem>> -> memref<5000xi32, #tpu.memory_space<vmem>>
      %dma_wait3A_252 = tpu.memref_slice %arg3[%add3A_247] : memref<3200000xi32, #tpu.memory_space<hbm>> -> memref<5000xi32, #tpu.memory_space<hbm>>
      %dma_wait3A_253 = arith.constant 0 : i32
      %dma_wait3A_254 = tpu.memref_slice %arg14[%dma_wait3A_248, %dma_wait3A_253] : memref<2x5000xi32, #tpu.memory_space<vmem>> -> memref<1x5000xi32, #tpu.memory_space<vmem>>
      %dma_wait3A_255 = tpu.memref_squeeze %dma_wait3A_254 : memref<1x5000xi32, #tpu.memory_space<vmem>> -> memref<5000xi32, #tpu.memory_space<vmem>>
      %dma_wait3A_256 = tpu.memref_slice %arg3[%add3A_247] : memref<3200000xi32, #tpu.memory_space<hbm>> -> memref<5000xi32, #tpu.memory_space<hbm>>
      tpu.wait_dma2 semaphore(%arg27 : memref<!tpu.dma_semaphore, #tpu.memory_space<semaphore_mem>>) src(%dma_wait3A_256 : memref<5000xi32, #tpu.memory_space<hbm>>) dst(%dma_wait3A_255 : memref<5000xi32, #tpu.memory_space<vmem>>)
      %dma_wait3A_257 = arith.constant 0 : i32
      %dma_wait3A_258 = arith.constant 0 : i32
      %dma_wait3A_259 = tpu.memref_slice %arg15[%dma_wait3A_257, %dma_wait3A_258] : memref<2x5000xi32, #tpu.memory_space<vmem>> -> memref<1x5000xi32, #tpu.memory_space<vmem>>
      %dma_wait3A_260 = tpu.memref_squeeze %dma_wait3A_259 : memref<1x5000xi32, #tpu.memory_space<vmem>> -> memref<5000xi32, #tpu.memory_space<vmem>>
      %dma_wait3A_261 = tpu.memref_slice %arg4[%add3A_247] : memref<3200000xi32, #tpu.memory_space<hbm>> -> memref<5000xi32, #tpu.memory_space<hbm>>
      %dma_wait3A_262 = arith.constant 0 : i32
      %dma_wait3A_263 = tpu.memref_slice %arg15[%dma_wait3A_257, %dma_wait3A_262] : memref<2x5000xi32, #tpu.memory_space<vmem>> -> memref<1x5000xi32, #tpu.memory_space<vmem>>
      %dma_wait3A_264 = tpu.memref_squeeze %dma_wait3A_263 : memref<1x5000xi32, #tpu.memory_space<vmem>> -> memref<5000xi32, #tpu.memory_space<vmem>>
      %dma_wait3A_265 = tpu.memref_slice %arg4[%add3A_247] : memref<3200000xi32, #tpu.memory_space<hbm>> -> memref<5000xi32, #tpu.memory_space<hbm>>
      tpu.wait_dma2 semaphore(%arg27 : memref<!tpu.dma_semaphore, #tpu.memory_space<semaphore_mem>>) src(%dma_wait3A_265 : memref<5000xi32, #tpu.memory_space<hbm>>) dst(%dma_wait3A_264 : memref<5000xi32, #tpu.memory_space<vmem>>)
      %dma_start3A_266 = arith.constant 0 : i32
      %dma_start3A_267 = arith.constant 0 : i32
      %dma_start3A_268 = arith.constant 0 : i32
      %dma_start3A_269 = tpu.memref_slice %arg16[%dma_start3A_267, %dma_start3A_268] : memref<2x5000xf32, #tpu.memory_space<vmem>> -> memref<1x5000xf32, #tpu.memory_space<vmem>>
      %dma_start3A_270 = tpu.memref_squeeze %dma_start3A_269 : memref<1x5000xf32, #tpu.memory_space<vmem>> -> memref<5000xf32, #tpu.memory_space<vmem>>
      %dma_start3A_271 = arith.constant 0 : i32
      %dma_start3A_272 = tpu.memref_slice %arg14[%dma_start3A_266, %dma_start3A_271] : memref<2x5000xi32, #tpu.memory_space<vmem>> -> memref<1x5000xi32, #tpu.memory_space<vmem>>
      %dma_start3A_273 = tpu.memref_squeeze %dma_start3A_272 : memref<1x5000xi32, #tpu.memory_space<vmem>> -> memref<5000xi32, #tpu.memory_space<vmem>>
      %dma_start3A_274 = arith.constant 0 : i32
      %dma_start3A_275 = tpu.memref_slice %arg10[%dma_start3A_274] : memref<100096xf32, #tpu.memory_space<vmem_shared>> -> memref<100096xf32, #tpu.memory_space<vmem_shared>>
      tpu.enqueue_indirect_dma source(%dma_start3A_275 : memref<100096xf32, #tpu.memory_space<vmem_shared>>) target(%dma_start3A_270 : memref<5000xf32, #tpu.memory_space<vmem>>) offsets(%dma_start3A_273 : memref<5000xi32, #tpu.memory_space<vmem>>) semaphore(%arg28 : memref<!tpu.dma_semaphore, #tpu.memory_space<semaphore_mem>>)
      %dma_start3A_276 = arith.constant 0 : i32
      %dma_start3A_277 = arith.constant 0 : i32
      %dma_start3A_278 = arith.constant 0 : i32
      %dma_start3A_279 = tpu.memref_slice %arg17[%dma_start3A_277, %dma_start3A_278] : memref<2x5000xf32, #tpu.memory_space<vmem>> -> memref<1x5000xf32, #tpu.memory_space<vmem>>
      %dma_start3A_280 = tpu.memref_squeeze %dma_start3A_279 : memref<1x5000xf32, #tpu.memory_space<vmem>> -> memref<5000xf32, #tpu.memory_space<vmem>>
      %dma_start3A_281 = arith.constant 0 : i32
      %dma_start3A_282 = tpu.memref_slice %arg14[%dma_start3A_276, %dma_start3A_281] : memref<2x5000xi32, #tpu.memory_space<vmem>> -> memref<1x5000xi32, #tpu.memory_space<vmem>>
      %dma_start3A_283 = tpu.memref_squeeze %dma_start3A_282 : memref<1x5000xi32, #tpu.memory_space<vmem>> -> memref<5000xi32, #tpu.memory_space<vmem>>
      %dma_start3A_284 = arith.constant 0 : i32
      %dma_start3A_285 = tpu.memref_slice %arg11[%dma_start3A_284] : memref<100096xf32, #tpu.memory_space<vmem_shared>> -> memref<100096xf32, #tpu.memory_space<vmem_shared>>
      tpu.enqueue_indirect_dma source(%dma_start3A_285 : memref<100096xf32, #tpu.memory_space<vmem_shared>>) target(%dma_start3A_280 : memref<5000xf32, #tpu.memory_space<vmem>>) offsets(%dma_start3A_283 : memref<5000xi32, #tpu.memory_space<vmem>>) semaphore(%arg28 : memref<!tpu.dma_semaphore, #tpu.memory_space<semaphore_mem>>)
      %gt3A = arith.constant 0 : i32
      %gt3A_286 = arith.cmpi sgt, %scan3A_240, %gt3A : i32
      %convert_element_type3A = arith.extui %gt3A_286 : i1 to i32
      %cond3A = arith.constant 0 : i32
      %cond3A_287 = arith.cmpi ne, %convert_element_type3A, %cond3A : i32
      scf.if %cond3A_287 {
        %dma_wait3A_460 = arith.constant 1 : i32
        %dma_wait3A_461 = arith.constant 1 : i32
        %dma_wait3A_462 = arith.constant 0 : i32
        %dma_wait3A_463 = tpu.memref_slice %arg16[%dma_wait3A_460, %dma_wait3A_462] : memref<2x5000xf32, #tpu.memory_space<vmem>> -> memref<1x5000xf32, #tpu.memory_space<vmem>>
        %dma_wait3A_464 = tpu.memref_squeeze %dma_wait3A_463 : memref<1x5000xf32, #tpu.memory_space<vmem>> -> memref<5000xf32, #tpu.memory_space<vmem>>
        %dma_wait3A_465 = arith.constant 0 : i32
        %dma_wait3A_466 = tpu.memref_slice %arg15[%dma_wait3A_461, %dma_wait3A_465] : memref<2x5000xi32, #tpu.memory_space<vmem>> -> memref<1x5000xi32, #tpu.memory_space<vmem>>
        %dma_wait3A_467 = tpu.memref_squeeze %dma_wait3A_466 : memref<1x5000xi32, #tpu.memory_space<vmem>> -> memref<5000xi32, #tpu.memory_space<vmem>>
        %dma_wait3A_468 = arith.constant 0 : i32
        %dma_wait3A_469 = tpu.memref_slice %arg12[%dma_wait3A_468] : memref<100096xf32, #tpu.memory_space<vmem_shared>> -> memref<100096xf32, #tpu.memory_space<vmem_shared>>
        tpu.wait_indirect_dma semaphore(%arg29 : memref<!tpu.dma_semaphore, #tpu.memory_space<semaphore_mem>>) src(%dma_wait3A_464 : memref<5000xf32, #tpu.memory_space<vmem>>) dst(%dma_wait3A_469 : memref<100096xf32, #tpu.memory_space<vmem_shared>>)
        %dma_wait3A_470 = arith.constant 1 : i32
        %dma_wait3A_471 = arith.constant 1 : i32
        %dma_wait3A_472 = arith.constant 0 : i32
        %dma_wait3A_473 = tpu.memref_slice %arg17[%dma_wait3A_470, %dma_wait3A_472] : memref<2x5000xf32, #tpu.memory_space<vmem>> -> memref<1x5000xf32, #tpu.memory_space<vmem>>
        %dma_wait3A_474 = tpu.memref_squeeze %dma_wait3A_473 : memref<1x5000xf32, #tpu.memory_space<vmem>> -> memref<5000xf32, #tpu.memory_space<vmem>>
        %dma_wait3A_475 = arith.constant 0 : i32
        %dma_wait3A_476 = tpu.memref_slice %arg15[%dma_wait3A_471, %dma_wait3A_475] : memref<2x5000xi32, #tpu.memory_space<vmem>> -> memref<1x5000xi32, #tpu.memory_space<vmem>>
        %dma_wait3A_477 = tpu.memref_squeeze %dma_wait3A_476 : memref<1x5000xi32, #tpu.memory_space<vmem>> -> memref<5000xi32, #tpu.memory_space<vmem>>
        %dma_wait3A_478 = arith.constant 0 : i32
        %dma_wait3A_479 = tpu.memref_slice %arg13[%dma_wait3A_478] : memref<100096xf32, #tpu.memory_space<vmem_shared>> -> memref<100096xf32, #tpu.memory_space<vmem_shared>>
        tpu.wait_indirect_dma semaphore(%arg29 : memref<!tpu.dma_semaphore, #tpu.memory_space<semaphore_mem>>) src(%dma_wait3A_474 : memref<5000xf32, #tpu.memory_space<vmem>>) dst(%dma_wait3A_479 : memref<100096xf32, #tpu.memory_space<vmem_shared>>)
      } else {
      }
      %add3A_288 = arith.constant 1 : i32
      %add3A_289 = arith.addi %add3A_244, %add3A_288 : i32
      %mul3A_290 = arith.constant 5000 : i32
      %mul3A_291 = arith.muli %add3A_289, %mul3A_290 : i32
      %add3A_292 = arith.addi %mul3A_2, %mul3A_291 : i32
      %dma_start3A_293 = arith.constant 1 : i32
      %dma_start3A_294 = arith.constant 0 : i32
      %dma_start3A_295 = tpu.memref_slice %arg14[%dma_start3A_293, %dma_start3A_294] : memref<2x5000xi32, #tpu.memory_space<vmem>> -> memref<1x5000xi32, #tpu.memory_space<vmem>>
      %dma_start3A_296 = tpu.memref_squeeze %dma_start3A_295 : memref<1x5000xi32, #tpu.memory_space<vmem>> -> memref<5000xi32, #tpu.memory_space<vmem>>
      %dma_start3A_297 = tpu.memref_slice %arg3[%add3A_292] : memref<3200000xi32, #tpu.memory_space<hbm>> -> memref<5000xi32, #tpu.memory_space<hbm>>
      %dma_start3A_298 = arith.constant 0 : i32
      %dma_start3A_299 = tpu.memref_slice %arg14[%dma_start3A_293, %dma_start3A_298] : memref<2x5000xi32, #tpu.memory_space<vmem>> -> memref<1x5000xi32, #tpu.memory_space<vmem>>
      %dma_start3A_300 = tpu.memref_squeeze %dma_start3A_299 : memref<1x5000xi32, #tpu.memory_space<vmem>> -> memref<5000xi32, #tpu.memory_space<vmem>>
      %dma_start3A_301 = tpu.memref_slice %arg3[%add3A_292] : memref<3200000xi32, #tpu.memory_space<hbm>> -> memref<5000xi32, #tpu.memory_space<hbm>>
      tpu.enqueue_dma source(%dma_start3A_301 : memref<5000xi32, #tpu.memory_space<hbm>>) target(%dma_start3A_300 : memref<5000xi32, #tpu.memory_space<vmem>>) target_semaphore(%arg27 : memref<!tpu.dma_semaphore, #tpu.memory_space<semaphore_mem>>)
      %dma_start3A_302 = arith.constant 1 : i32
      %dma_start3A_303 = arith.constant 0 : i32
      %dma_start3A_304 = tpu.memref_slice %arg15[%dma_start3A_302, %dma_start3A_303] : memref<2x5000xi32, #tpu.memory_space<vmem>> -> memref<1x5000xi32, #tpu.memory_space<vmem>>
      %dma_start3A_305 = tpu.memref_squeeze %dma_start3A_304 : memref<1x5000xi32, #tpu.memory_space<vmem>> -> memref<5000xi32, #tpu.memory_space<vmem>>
      %dma_start3A_306 = tpu.memref_slice %arg4[%add3A_292] : memref<3200000xi32, #tpu.memory_space<hbm>> -> memref<5000xi32, #tpu.memory_space<hbm>>
      %dma_start3A_307 = arith.constant 0 : i32
      %dma_start3A_308 = tpu.memref_slice %arg15[%dma_start3A_302, %dma_start3A_307] : memref<2x5000xi32, #tpu.memory_space<vmem>> -> memref<1x5000xi32, #tpu.memory_space<vmem>>
      %dma_start3A_309 = tpu.memref_squeeze %dma_start3A_308 : memref<1x5000xi32, #tpu.memory_space<vmem>> -> memref<5000xi32, #tpu.memory_space<vmem>>
      %dma_start3A_310 = tpu.memref_slice %arg4[%add3A_292] : memref<3200000xi32, #tpu.memory_space<hbm>> -> memref<5000xi32, #tpu.memory_space<hbm>>
      tpu.enqueue_dma source(%dma_start3A_310 : memref<5000xi32, #tpu.memory_space<hbm>>) target(%dma_start3A_309 : memref<5000xi32, #tpu.memory_space<vmem>>) target_semaphore(%arg27 : memref<!tpu.dma_semaphore, #tpu.memory_space<semaphore_mem>>)
      %dma_wait3A_311 = arith.constant 0 : i32
      %dma_wait3A_312 = arith.constant 0 : i32
      %dma_wait3A_313 = arith.constant 0 : i32
      %dma_wait3A_314 = tpu.memref_slice %arg16[%dma_wait3A_312, %dma_wait3A_313] : memref<2x5000xf32, #tpu.memory_space<vmem>> -> memref<1x5000xf32, #tpu.memory_space<vmem>>
      %dma_wait3A_315 = tpu.memref_squeeze %dma_wait3A_314 : memref<1x5000xf32, #tpu.memory_space<vmem>> -> memref<5000xf32, #tpu.memory_space<vmem>>
      %dma_wait3A_316 = arith.constant 0 : i32
      %dma_wait3A_317 = tpu.memref_slice %arg14[%dma_wait3A_311, %dma_wait3A_316] : memref<2x5000xi32, #tpu.memory_space<vmem>> -> memref<1x5000xi32, #tpu.memory_space<vmem>>
      %dma_wait3A_318 = tpu.memref_squeeze %dma_wait3A_317 : memref<1x5000xi32, #tpu.memory_space<vmem>> -> memref<5000xi32, #tpu.memory_space<vmem>>
      %dma_wait3A_319 = arith.constant 0 : i32
      %dma_wait3A_320 = tpu.memref_slice %arg10[%dma_wait3A_319] : memref<100096xf32, #tpu.memory_space<vmem_shared>> -> memref<100096xf32, #tpu.memory_space<vmem_shared>>
      tpu.wait_indirect_dma semaphore(%arg28 : memref<!tpu.dma_semaphore, #tpu.memory_space<semaphore_mem>>) src(%dma_wait3A_320 : memref<100096xf32, #tpu.memory_space<vmem_shared>>) dst(%dma_wait3A_315 : memref<5000xf32, #tpu.memory_space<vmem>>)
      %dma_wait3A_321 = arith.constant 0 : i32
      %dma_wait3A_322 = arith.constant 0 : i32
      %dma_wait3A_323 = arith.constant 0 : i32
      %dma_wait3A_324 = tpu.memref_slice %arg17[%dma_wait3A_322, %dma_wait3A_323] : memref<2x5000xf32, #tpu.memory_space<vmem>> -> memref<1x5000xf32, #tpu.memory_space<vmem>>
      %dma_wait3A_325 = tpu.memref_squeeze %dma_wait3A_324 : memref<1x5000xf32, #tpu.memory_space<vmem>> -> memref<5000xf32, #tpu.memory_space<vmem>>
      %dma_wait3A_326 = arith.constant 0 : i32
      %dma_wait3A_327 = tpu.memref_slice %arg14[%dma_wait3A_321, %dma_wait3A_326] : memref<2x5000xi32, #tpu.memory_space<vmem>> -> memref<1x5000xi32, #tpu.memory_space<vmem>>
      %dma_wait3A_328 = tpu.memref_squeeze %dma_wait3A_327 : memref<1x5000xi32, #tpu.memory_space<vmem>> -> memref<5000xi32, #tpu.memory_space<vmem>>
      %dma_wait3A_329 = arith.constant 0 : i32
      %dma_wait3A_330 = tpu.memref_slice %arg11[%dma_wait3A_329] : memref<100096xf32, #tpu.memory_space<vmem_shared>> -> memref<100096xf32, #tpu.memory_space<vmem_shared>>
      tpu.wait_indirect_dma semaphore(%arg28 : memref<!tpu.dma_semaphore, #tpu.memory_space<semaphore_mem>>) src(%dma_wait3A_330 : memref<100096xf32, #tpu.memory_space<vmem_shared>>) dst(%dma_wait3A_325 : memref<5000xf32, #tpu.memory_space<vmem>>)
      %dma_start3A_331 = arith.constant 0 : i32
      %dma_start3A_332 = arith.constant 0 : i32
      %dma_start3A_333 = arith.constant 0 : i32
      %dma_start3A_334 = tpu.memref_slice %arg16[%dma_start3A_331, %dma_start3A_333] : memref<2x5000xf32, #tpu.memory_space<vmem>> -> memref<1x5000xf32, #tpu.memory_space<vmem>>
      %dma_start3A_335 = tpu.memref_squeeze %dma_start3A_334 : memref<1x5000xf32, #tpu.memory_space<vmem>> -> memref<5000xf32, #tpu.memory_space<vmem>>
      %dma_start3A_336 = arith.constant 0 : i32
      %dma_start3A_337 = tpu.memref_slice %arg15[%dma_start3A_332, %dma_start3A_336] : memref<2x5000xi32, #tpu.memory_space<vmem>> -> memref<1x5000xi32, #tpu.memory_space<vmem>>
      %dma_start3A_338 = tpu.memref_squeeze %dma_start3A_337 : memref<1x5000xi32, #tpu.memory_space<vmem>> -> memref<5000xi32, #tpu.memory_space<vmem>>
      %dma_start3A_339 = arith.constant 0 : i32
      %dma_start3A_340 = tpu.memref_slice %arg12[%dma_start3A_339] : memref<100096xf32, #tpu.memory_space<vmem_shared>> -> memref<100096xf32, #tpu.memory_space<vmem_shared>>
      tpu.enqueue_indirect_dma source(%dma_start3A_335 : memref<5000xf32, #tpu.memory_space<vmem>>) target(%dma_start3A_340 : memref<100096xf32, #tpu.memory_space<vmem_shared>>) offsets(%dma_start3A_338 : memref<5000xi32, #tpu.memory_space<vmem>>) semaphore(%arg29 : memref<!tpu.dma_semaphore, #tpu.memory_space<semaphore_mem>>) {add = true}
      %dma_start3A_341 = arith.constant 0 : i32
      %dma_start3A_342 = arith.constant 0 : i32
      %dma_start3A_343 = arith.constant 0 : i32
      %dma_start3A_344 = tpu.memref_slice %arg17[%dma_start3A_341, %dma_start3A_343] : memref<2x5000xf32, #tpu.memory_space<vmem>> -> memref<1x5000xf32, #tpu.memory_space<vmem>>
      %dma_start3A_345 = tpu.memref_squeeze %dma_start3A_344 : memref<1x5000xf32, #tpu.memory_space<vmem>> -> memref<5000xf32, #tpu.memory_space<vmem>>
      %dma_start3A_346 = arith.constant 0 : i32
      %dma_start3A_347 = tpu.memref_slice %arg15[%dma_start3A_342, %dma_start3A_346] : memref<2x5000xi32, #tpu.memory_space<vmem>> -> memref<1x5000xi32, #tpu.memory_space<vmem>>
      %dma_start3A_348 = tpu.memref_squeeze %dma_start3A_347 : memref<1x5000xi32, #tpu.memory_space<vmem>> -> memref<5000xi32, #tpu.memory_space<vmem>>
      %dma_start3A_349 = arith.constant 0 : i32
      %dma_start3A_350 = tpu.memref_slice %arg13[%dma_start3A_349] : memref<100096xf32, #tpu.memory_space<vmem_shared>> -> memref<100096xf32, #tpu.memory_space<vmem_shared>>
      tpu.enqueue_indirect_dma source(%dma_start3A_345 : memref<5000xf32, #tpu.memory_space<vmem>>) target(%dma_start3A_350 : memref<100096xf32, #tpu.memory_space<vmem_shared>>) offsets(%dma_start3A_348 : memref<5000xi32, #tpu.memory_space<vmem>>) semaphore(%arg29 : memref<!tpu.dma_semaphore, #tpu.memory_space<semaphore_mem>>) {add = true}
      %mul3A_351 = arith.constant 2 : i32
      %mul3A_352 = arith.muli %mul3A_351, %scan3A_240 : i32
      %add3A_353 = arith.constant 1 : i32
      %add3A_354 = arith.addi %mul3A_352, %add3A_353 : i32
      %mul3A_355 = arith.constant 5000 : i32
      %mul3A_356 = arith.muli %add3A_354, %mul3A_355 : i32
      %add3A_357 = arith.addi %mul3A_2, %mul3A_356 : i32
      %dma_wait3A_358 = arith.constant 1 : i32
      %dma_wait3A_359 = arith.constant 0 : i32
      %dma_wait3A_360 = tpu.memref_slice %arg14[%dma_wait3A_358, %dma_wait3A_359] : memref<2x5000xi32, #tpu.memory_space<vmem>> -> memref<1x5000xi32, #tpu.memory_space<vmem>>
      %dma_wait3A_361 = tpu.memref_squeeze %dma_wait3A_360 : memref<1x5000xi32, #tpu.memory_space<vmem>> -> memref<5000xi32, #tpu.memory_space<vmem>>
      %dma_wait3A_362 = tpu.memref_slice %arg3[%add3A_357] : memref<3200000xi32, #tpu.memory_space<hbm>> -> memref<5000xi32, #tpu.memory_space<hbm>>
      %dma_wait3A_363 = arith.constant 0 : i32
      %dma_wait3A_364 = tpu.memref_slice %arg14[%dma_wait3A_358, %dma_wait3A_363] : memref<2x5000xi32, #tpu.memory_space<vmem>> -> memref<1x5000xi32, #tpu.memory_space<vmem>>
      %dma_wait3A_365 = tpu.memref_squeeze %dma_wait3A_364 : memref<1x5000xi32, #tpu.memory_space<vmem>> -> memref<5000xi32, #tpu.memory_space<vmem>>
      %dma_wait3A_366 = tpu.memref_slice %arg3[%add3A_357] : memref<3200000xi32, #tpu.memory_space<hbm>> -> memref<5000xi32, #tpu.memory_space<hbm>>
      tpu.wait_dma2 semaphore(%arg27 : memref<!tpu.dma_semaphore, #tpu.memory_space<semaphore_mem>>) src(%dma_wait3A_366 : memref<5000xi32, #tpu.memory_space<hbm>>) dst(%dma_wait3A_365 : memref<5000xi32, #tpu.memory_space<vmem>>)
      %dma_wait3A_367 = arith.constant 1 : i32
      %dma_wait3A_368 = arith.constant 0 : i32
      %dma_wait3A_369 = tpu.memref_slice %arg15[%dma_wait3A_367, %dma_wait3A_368] : memref<2x5000xi32, #tpu.memory_space<vmem>> -> memref<1x5000xi32, #tpu.memory_space<vmem>>
      %dma_wait3A_370 = tpu.memref_squeeze %dma_wait3A_369 : memref<1x5000xi32, #tpu.memory_space<vmem>> -> memref<5000xi32, #tpu.memory_space<vmem>>
      %dma_wait3A_371 = tpu.memref_slice %arg4[%add3A_357] : memref<3200000xi32, #tpu.memory_space<hbm>> -> memref<5000xi32, #tpu.memory_space<hbm>>
      %dma_wait3A_372 = arith.constant 0 : i32
      %dma_wait3A_373 = tpu.memref_slice %arg15[%dma_wait3A_367, %dma_wait3A_372] : memref<2x5000xi32, #tpu.memory_space<vmem>> -> memref<1x5000xi32, #tpu.memory_space<vmem>>
      %dma_wait3A_374 = tpu.memref_squeeze %dma_wait3A_373 : memref<1x5000xi32, #tpu.memory_space<vmem>> -> memref<5000xi32, #tpu.memory_space<vmem>>
      %dma_wait3A_375 = tpu.memref_slice %arg4[%add3A_357] : memref<3200000xi32, #tpu.memory_space<hbm>> -> memref<5000xi32, #tpu.memory_space<hbm>>
      tpu.wait_dma2 semaphore(%arg27 : memref<!tpu.dma_semaphore, #tpu.memory_space<semaphore_mem>>) src(%dma_wait3A_375 : memref<5000xi32, #tpu.memory_space<hbm>>) dst(%dma_wait3A_374 : memref<5000xi32, #tpu.memory_space<vmem>>)
      %dma_start3A_376 = arith.constant 1 : i32
      %dma_start3A_377 = arith.constant 1 : i32
      %dma_start3A_378 = arith.constant 0 : i32
      %dma_start3A_379 = tpu.memref_slice %arg16[%dma_start3A_377, %dma_start3A_378] : memref<2x5000xf32, #tpu.memory_space<vmem>> -> memref<1x5000xf32, #tpu.memory_space<vmem>>
      %dma_start3A_380 = tpu.memref_squeeze %dma_start3A_379 : memref<1x5000xf32, #tpu.memory_space<vmem>> -> memref<5000xf32, #tpu.memory_space<vmem>>
      %dma_start3A_381 = arith.constant 0 : i32
      %dma_start3A_382 = tpu.memref_slice %arg14[%dma_start3A_376, %dma_start3A_381] : memref<2x5000xi32, #tpu.memory_space<vmem>> -> memref<1x5000xi32, #tpu.memory_space<vmem>>
      %dma_start3A_383 = tpu.memref_squeeze %dma_start3A_382 : memref<1x5000xi32, #tpu.memory_space<vmem>> -> memref<5000xi32, #tpu.memory_space<vmem>>
      %dma_start3A_384 = arith.constant 0 : i32
      %dma_start3A_385 = tpu.memref_slice %arg10[%dma_start3A_384] : memref<100096xf32, #tpu.memory_space<vmem_shared>> -> memref<100096xf32, #tpu.memory_space<vmem_shared>>
      tpu.enqueue_indirect_dma source(%dma_start3A_385 : memref<100096xf32, #tpu.memory_space<vmem_shared>>) target(%dma_start3A_380 : memref<5000xf32, #tpu.memory_space<vmem>>) offsets(%dma_start3A_383 : memref<5000xi32, #tpu.memory_space<vmem>>) semaphore(%arg28 : memref<!tpu.dma_semaphore, #tpu.memory_space<semaphore_mem>>)
      %dma_start3A_386 = arith.constant 1 : i32
      %dma_start3A_387 = arith.constant 1 : i32
      %dma_start3A_388 = arith.constant 0 : i32
      %dma_start3A_389 = tpu.memref_slice %arg17[%dma_start3A_387, %dma_start3A_388] : memref<2x5000xf32, #tpu.memory_space<vmem>> -> memref<1x5000xf32, #tpu.memory_space<vmem>>
      %dma_start3A_390 = tpu.memref_squeeze %dma_start3A_389 : memref<1x5000xf32, #tpu.memory_space<vmem>> -> memref<5000xf32, #tpu.memory_space<vmem>>
      %dma_start3A_391 = arith.constant 0 : i32
      %dma_start3A_392 = tpu.memref_slice %arg14[%dma_start3A_386, %dma_start3A_391] : memref<2x5000xi32, #tpu.memory_space<vmem>> -> memref<1x5000xi32, #tpu.memory_space<vmem>>
      %dma_start3A_393 = tpu.memref_squeeze %dma_start3A_392 : memref<1x5000xi32, #tpu.memory_space<vmem>> -> memref<5000xi32, #tpu.memory_space<vmem>>
      %dma_start3A_394 = arith.constant 0 : i32
      %dma_start3A_395 = tpu.memref_slice %arg11[%dma_start3A_394] : memref<100096xf32, #tpu.memory_space<vmem_shared>> -> memref<100096xf32, #tpu.memory_space<vmem_shared>>
      tpu.enqueue_indirect_dma source(%dma_start3A_395 : memref<100096xf32, #tpu.memory_space<vmem_shared>>) target(%dma_start3A_390 : memref<5000xf32, #tpu.memory_space<vmem>>) offsets(%dma_start3A_393 : memref<5000xi32, #tpu.memory_space<vmem>>) semaphore(%arg28 : memref<!tpu.dma_semaphore, #tpu.memory_space<semaphore_mem>>)
      %dma_wait3A_396 = arith.constant 0 : i32
      %dma_wait3A_397 = arith.constant 0 : i32
      %dma_wait3A_398 = arith.constant 0 : i32
      %dma_wait3A_399 = tpu.memref_slice %arg16[%dma_wait3A_396, %dma_wait3A_398] : memref<2x5000xf32, #tpu.memory_space<vmem>> -> memref<1x5000xf32, #tpu.memory_space<vmem>>
      %dma_wait3A_400 = tpu.memref_squeeze %dma_wait3A_399 : memref<1x5000xf32, #tpu.memory_space<vmem>> -> memref<5000xf32, #tpu.memory_space<vmem>>
      %dma_wait3A_401 = arith.constant 0 : i32
      %dma_wait3A_402 = tpu.memref_slice %arg15[%dma_wait3A_397, %dma_wait3A_401] : memref<2x5000xi32, #tpu.memory_space<vmem>> -> memref<1x5000xi32, #tpu.memory_space<vmem>>
      %dma_wait3A_403 = tpu.memref_squeeze %dma_wait3A_402 : memref<1x5000xi32, #tpu.memory_space<vmem>> -> memref<5000xi32, #tpu.memory_space<vmem>>
      %dma_wait3A_404 = arith.constant 0 : i32
      %dma_wait3A_405 = tpu.memref_slice %arg12[%dma_wait3A_404] : memref<100096xf32, #tpu.memory_space<vmem_shared>> -> memref<100096xf32, #tpu.memory_space<vmem_shared>>
      tpu.wait_indirect_dma semaphore(%arg29 : memref<!tpu.dma_semaphore, #tpu.memory_space<semaphore_mem>>) src(%dma_wait3A_400 : memref<5000xf32, #tpu.memory_space<vmem>>) dst(%dma_wait3A_405 : memref<100096xf32, #tpu.memory_space<vmem_shared>>)
      %dma_wait3A_406 = arith.constant 0 : i32
      %dma_wait3A_407 = arith.constant 0 : i32
      %dma_wait3A_408 = arith.constant 0 : i32
      %dma_wait3A_409 = tpu.memref_slice %arg17[%dma_wait3A_406, %dma_wait3A_408] : memref<2x5000xf32, #tpu.memory_space<vmem>> -> memref<1x5000xf32, #tpu.memory_space<vmem>>
      %dma_wait3A_410 = tpu.memref_squeeze %dma_wait3A_409 : memref<1x5000xf32, #tpu.memory_space<vmem>> -> memref<5000xf32, #tpu.memory_space<vmem>>
      %dma_wait3A_411 = arith.constant 0 : i32
      %dma_wait3A_412 = tpu.memref_slice %arg15[%dma_wait3A_407, %dma_wait3A_411] : memref<2x5000xi32, #tpu.memory_space<vmem>> -> memref<1x5000xi32, #tpu.memory_space<vmem>>
      %dma_wait3A_413 = tpu.memref_squeeze %dma_wait3A_412 : memref<1x5000xi32, #tpu.memory_space<vmem>> -> memref<5000xi32, #tpu.memory_space<vmem>>
      %dma_wait3A_414 = arith.constant 0 : i32
      %dma_wait3A_415 = tpu.memref_slice %arg13[%dma_wait3A_414] : memref<100096xf32, #tpu.memory_space<vmem_shared>> -> memref<100096xf32, #tpu.memory_space<vmem_shared>>
      tpu.wait_indirect_dma semaphore(%arg29 : memref<!tpu.dma_semaphore, #tpu.memory_space<semaphore_mem>>) src(%dma_wait3A_410 : memref<5000xf32, #tpu.memory_space<vmem>>) dst(%dma_wait3A_415 : memref<100096xf32, #tpu.memory_space<vmem_shared>>)
      %lt3A = arith.constant 19 : i32
      %lt3A_416 = arith.cmpi slt, %scan3A_240, %lt3A : i32
      %convert_element_type3A_417 = arith.extui %lt3A_416 : i1 to i32
      %cond3A_418 = arith.constant 0 : i32
      %cond3A_419 = arith.cmpi ne, %convert_element_type3A_417, %cond3A_418 : i32
      scf.if %cond3A_419 {
        %add3A_460 = arith.constant 1 : i32
        %add3A_461 = arith.addi %add3A_354, %add3A_460 : i32
        %mul3A_462 = arith.constant 5000 : i32
        %mul3A_463 = arith.muli %add3A_461, %mul3A_462 : i32
        %add3A_464 = arith.addi %mul3A_2, %mul3A_463 : i32
        %dma_start3A_465 = arith.constant 0 : i32
        %dma_start3A_466 = arith.constant 0 : i32
        %dma_start3A_467 = tpu.memref_slice %arg14[%dma_start3A_465, %dma_start3A_466] : memref<2x5000xi32, #tpu.memory_space<vmem>> -> memref<1x5000xi32, #tpu.memory_space<vmem>>
        %dma_start3A_468 = tpu.memref_squeeze %dma_start3A_467 : memref<1x5000xi32, #tpu.memory_space<vmem>> -> memref<5000xi32, #tpu.memory_space<vmem>>
        %dma_start3A_469 = tpu.memref_slice %arg3[%add3A_464] : memref<3200000xi32, #tpu.memory_space<hbm>> -> memref<5000xi32, #tpu.memory_space<hbm>>
        %dma_start3A_470 = arith.constant 0 : i32
        %dma_start3A_471 = tpu.memref_slice %arg14[%dma_start3A_465, %dma_start3A_470] : memref<2x5000xi32, #tpu.memory_space<vmem>> -> memref<1x5000xi32, #tpu.memory_space<vmem>>
        %dma_start3A_472 = tpu.memref_squeeze %dma_start3A_471 : memref<1x5000xi32, #tpu.memory_space<vmem>> -> memref<5000xi32, #tpu.memory_space<vmem>>
        %dma_start3A_473 = tpu.memref_slice %arg3[%add3A_464] : memref<3200000xi32, #tpu.memory_space<hbm>> -> memref<5000xi32, #tpu.memory_space<hbm>>
        tpu.enqueue_dma source(%dma_start3A_473 : memref<5000xi32, #tpu.memory_space<hbm>>) target(%dma_start3A_472 : memref<5000xi32, #tpu.memory_space<vmem>>) target_semaphore(%arg27 : memref<!tpu.dma_semaphore, #tpu.memory_space<semaphore_mem>>)
        %dma_start3A_474 = arith.constant 0 : i32
        %dma_start3A_475 = arith.constant 0 : i32
        %dma_start3A_476 = tpu.memref_slice %arg15[%dma_start3A_474, %dma_start3A_475] : memref<2x5000xi32, #tpu.memory_space<vmem>> -> memref<1x5000xi32, #tpu.memory_space<vmem>>
        %dma_start3A_477 = tpu.memref_squeeze %dma_start3A_476 : memref<1x5000xi32, #tpu.memory_space<vmem>> -> memref<5000xi32, #tpu.memory_space<vmem>>
        %dma_start3A_478 = tpu.memref_slice %arg4[%add3A_464] : memref<3200000xi32, #tpu.memory_space<hbm>> -> memref<5000xi32, #tpu.memory_space<hbm>>
        %dma_start3A_479 = arith.constant 0 : i32
        %dma_start3A_480 = tpu.memref_slice %arg15[%dma_start3A_474, %dma_start3A_479] : memref<2x5000xi32, #tpu.memory_space<vmem>> -> memref<1x5000xi32, #tpu.memory_space<vmem>>
        %dma_start3A_481 = tpu.memref_squeeze %dma_start3A_480 : memref<1x5000xi32, #tpu.memory_space<vmem>> -> memref<5000xi32, #tpu.memory_space<vmem>>
        %dma_start3A_482 = tpu.memref_slice %arg4[%add3A_464] : memref<3200000xi32, #tpu.memory_space<hbm>> -> memref<5000xi32, #tpu.memory_space<hbm>>
        tpu.enqueue_dma source(%dma_start3A_482 : memref<5000xi32, #tpu.memory_space<hbm>>) target(%dma_start3A_481 : memref<5000xi32, #tpu.memory_space<vmem>>) target_semaphore(%arg27 : memref<!tpu.dma_semaphore, #tpu.memory_space<semaphore_mem>>)
      } else {
      }
      %dma_wait3A_420 = arith.constant 1 : i32
      %dma_wait3A_421 = arith.constant 1 : i32
      %dma_wait3A_422 = arith.constant 0 : i32
      %dma_wait3A_423 = tpu.memref_slice %arg16[%dma_wait3A_421, %dma_wait3A_422] : memref<2x5000xf32, #tpu.memory_space<vmem>> -> memref<1x5000xf32, #tpu.memory_space<vmem>>
      %dma_wait3A_424 = tpu.memref_squeeze %dma_wait3A_423 : memref<1x5000xf32, #tpu.memory_space<vmem>> -> memref<5000xf32, #tpu.memory_space<vmem>>
      %dma_wait3A_425 = arith.constant 0 : i32
      %dma_wait3A_426 = tpu.memref_slice %arg14[%dma_wait3A_420, %dma_wait3A_425] : memref<2x5000xi32, #tpu.memory_space<vmem>> -> memref<1x5000xi32, #tpu.memory_space<vmem>>
      %dma_wait3A_427 = tpu.memref_squeeze %dma_wait3A_426 : memref<1x5000xi32, #tpu.memory_space<vmem>> -> memref<5000xi32, #tpu.memory_space<vmem>>
      %dma_wait3A_428 = arith.constant 0 : i32
      %dma_wait3A_429 = tpu.memref_slice %arg10[%dma_wait3A_428] : memref<100096xf32, #tpu.memory_space<vmem_shared>> -> memref<100096xf32, #tpu.memory_space<vmem_shared>>
      tpu.wait_indirect_dma semaphore(%arg28 : memref<!tpu.dma_semaphore, #tpu.memory_space<semaphore_mem>>) src(%dma_wait3A_429 : memref<100096xf32, #tpu.memory_space<vmem_shared>>) dst(%dma_wait3A_424 : memref<5000xf32, #tpu.memory_space<vmem>>)
      %dma_wait3A_430 = arith.constant 1 : i32
      %dma_wait3A_431 = arith.constant 1 : i32
      %dma_wait3A_432 = arith.constant 0 : i32
      %dma_wait3A_433 = tpu.memref_slice %arg17[%dma_wait3A_431, %dma_wait3A_432] : memref<2x5000xf32, #tpu.memory_space<vmem>> -> memref<1x5000xf32, #tpu.memory_space<vmem>>
      %dma_wait3A_434 = tpu.memref_squeeze %dma_wait3A_433 : memref<1x5000xf32, #tpu.memory_space<vmem>> -> memref<5000xf32, #tpu.memory_space<vmem>>
      %dma_wait3A_435 = arith.constant 0 : i32
      %dma_wait3A_436 = tpu.memref_slice %arg14[%dma_wait3A_430, %dma_wait3A_435] : memref<2x5000xi32, #tpu.memory_space<vmem>> -> memref<1x5000xi32, #tpu.memory_space<vmem>>
      %dma_wait3A_437 = tpu.memref_squeeze %dma_wait3A_436 : memref<1x5000xi32, #tpu.memory_space<vmem>> -> memref<5000xi32, #tpu.memory_space<vmem>>
      %dma_wait3A_438 = arith.constant 0 : i32
      %dma_wait3A_439 = tpu.memref_slice %arg11[%dma_wait3A_438] : memref<100096xf32, #tpu.memory_space<vmem_shared>> -> memref<100096xf32, #tpu.memory_space<vmem_shared>>
      tpu.wait_indirect_dma semaphore(%arg28 : memref<!tpu.dma_semaphore, #tpu.memory_space<semaphore_mem>>) src(%dma_wait3A_439 : memref<100096xf32, #tpu.memory_space<vmem_shared>>) dst(%dma_wait3A_434 : memref<5000xf32, #tpu.memory_space<vmem>>)
      %dma_start3A_440 = arith.constant 1 : i32
      %dma_start3A_441 = arith.constant 1 : i32
      %dma_start3A_442 = arith.constant 0 : i32
      %dma_start3A_443 = tpu.memref_slice %arg16[%dma_start3A_440, %dma_start3A_442] : memref<2x5000xf32, #tpu.memory_space<vmem>> -> memref<1x5000xf32, #tpu.memory_space<vmem>>
      %dma_start3A_444 = tpu.memref_squeeze %dma_start3A_443 : memref<1x5000xf32, #tpu.memory_space<vmem>> -> memref<5000xf32, #tpu.memory_space<vmem>>
      %dma_start3A_445 = arith.constant 0 : i32
      %dma_start3A_446 = tpu.memref_slice %arg15[%dma_start3A_441, %dma_start3A_445] : memref<2x5000xi32, #tpu.memory_space<vmem>> -> memref<1x5000xi32, #tpu.memory_space<vmem>>
      %dma_start3A_447 = tpu.memref_squeeze %dma_start3A_446 : memref<1x5000xi32, #tpu.memory_space<vmem>> -> memref<5000xi32, #tpu.memory_space<vmem>>
      %dma_start3A_448 = arith.constant 0 : i32
      %dma_start3A_449 = tpu.memref_slice %arg12[%dma_start3A_448] : memref<100096xf32, #tpu.memory_space<vmem_shared>> -> memref<100096xf32, #tpu.memory_space<vmem_shared>>
      tpu.enqueue_indirect_dma source(%dma_start3A_444 : memref<5000xf32, #tpu.memory_space<vmem>>) target(%dma_start3A_449 : memref<100096xf32, #tpu.memory_space<vmem_shared>>) offsets(%dma_start3A_447 : memref<5000xi32, #tpu.memory_space<vmem>>) semaphore(%arg29 : memref<!tpu.dma_semaphore, #tpu.memory_space<semaphore_mem>>) {add = true}
      %dma_start3A_450 = arith.constant 1 : i32
      %dma_start3A_451 = arith.constant 1 : i32
      %dma_start3A_452 = arith.constant 0 : i32
      %dma_start3A_453 = tpu.memref_slice %arg17[%dma_start3A_450, %dma_start3A_452] : memref<2x5000xf32, #tpu.memory_space<vmem>> -> memref<1x5000xf32, #tpu.memory_space<vmem>>
      %dma_start3A_454 = tpu.memref_squeeze %dma_start3A_453 : memref<1x5000xf32, #tpu.memory_space<vmem>> -> memref<5000xf32, #tpu.memory_space<vmem>>
      %dma_start3A_455 = arith.constant 0 : i32
      %dma_start3A_456 = tpu.memref_slice %arg15[%dma_start3A_451, %dma_start3A_455] : memref<2x5000xi32, #tpu.memory_space<vmem>> -> memref<1x5000xi32, #tpu.memory_space<vmem>>
      %dma_start3A_457 = tpu.memref_squeeze %dma_start3A_456 : memref<1x5000xi32, #tpu.memory_space<vmem>> -> memref<5000xi32, #tpu.memory_space<vmem>>
      %dma_start3A_458 = arith.constant 0 : i32
      %dma_start3A_459 = tpu.memref_slice %arg13[%dma_start3A_458] : memref<100096xf32, #tpu.memory_space<vmem_shared>> -> memref<100096xf32, #tpu.memory_space<vmem_shared>>
      tpu.enqueue_indirect_dma source(%dma_start3A_454 : memref<5000xf32, #tpu.memory_space<vmem>>) target(%dma_start3A_459 : memref<100096xf32, #tpu.memory_space<vmem_shared>>) offsets(%dma_start3A_457 : memref<5000xi32, #tpu.memory_space<vmem>>) semaphore(%arg29 : memref<!tpu.dma_semaphore, #tpu.memory_space<semaphore_mem>>) {add = true}
    }
    %scan3A_177 = arith.constant 20 : i32
    %dma_wait3A_178 = arith.constant 1 : i32
    %dma_wait3A_179 = arith.constant 1 : i32
    %dma_wait3A_180 = arith.constant 0 : i32
    %dma_wait3A_181 = tpu.memref_slice %arg16[%dma_wait3A_178, %dma_wait3A_180] : memref<2x5000xf32, #tpu.memory_space<vmem>> -> memref<1x5000xf32, #tpu.memory_space<vmem>>
    %dma_wait3A_182 = tpu.memref_squeeze %dma_wait3A_181 : memref<1x5000xf32, #tpu.memory_space<vmem>> -> memref<5000xf32, #tpu.memory_space<vmem>>
    %dma_wait3A_183 = arith.constant 0 : i32
    %dma_wait3A_184 = tpu.memref_slice %arg15[%dma_wait3A_179, %dma_wait3A_183] : memref<2x5000xi32, #tpu.memory_space<vmem>> -> memref<1x5000xi32, #tpu.memory_space<vmem>>
    %dma_wait3A_185 = tpu.memref_squeeze %dma_wait3A_184 : memref<1x5000xi32, #tpu.memory_space<vmem>> -> memref<5000xi32, #tpu.memory_space<vmem>>
    %dma_wait3A_186 = arith.constant 0 : i32
    %dma_wait3A_187 = tpu.memref_slice %arg12[%dma_wait3A_186] : memref<100096xf32, #tpu.memory_space<vmem_shared>> -> memref<100096xf32, #tpu.memory_space<vmem_shared>>
    tpu.wait_indirect_dma semaphore(%arg29 : memref<!tpu.dma_semaphore, #tpu.memory_space<semaphore_mem>>) src(%dma_wait3A_182 : memref<5000xf32, #tpu.memory_space<vmem>>) dst(%dma_wait3A_187 : memref<100096xf32, #tpu.memory_space<vmem_shared>>)
    %dma_wait3A_188 = arith.constant 1 : i32
    %dma_wait3A_189 = arith.constant 1 : i32
    %dma_wait3A_190 = arith.constant 0 : i32
    %dma_wait3A_191 = tpu.memref_slice %arg17[%dma_wait3A_188, %dma_wait3A_190] : memref<2x5000xf32, #tpu.memory_space<vmem>> -> memref<1x5000xf32, #tpu.memory_space<vmem>>
    %dma_wait3A_192 = tpu.memref_squeeze %dma_wait3A_191 : memref<1x5000xf32, #tpu.memory_space<vmem>> -> memref<5000xf32, #tpu.memory_space<vmem>>
    %dma_wait3A_193 = arith.constant 0 : i32
    %dma_wait3A_194 = tpu.memref_slice %arg15[%dma_wait3A_189, %dma_wait3A_193] : memref<2x5000xi32, #tpu.memory_space<vmem>> -> memref<1x5000xi32, #tpu.memory_space<vmem>>
    %dma_wait3A_195 = tpu.memref_squeeze %dma_wait3A_194 : memref<1x5000xi32, #tpu.memory_space<vmem>> -> memref<5000xi32, #tpu.memory_space<vmem>>
    %dma_wait3A_196 = arith.constant 0 : i32
    %dma_wait3A_197 = tpu.memref_slice %arg13[%dma_wait3A_196] : memref<100096xf32, #tpu.memory_space<vmem_shared>> -> memref<100096xf32, #tpu.memory_space<vmem_shared>>
    tpu.wait_indirect_dma semaphore(%arg29 : memref<!tpu.dma_semaphore, #tpu.memory_space<semaphore_mem>>) src(%dma_wait3A_192 : memref<5000xf32, #tpu.memory_space<vmem>>) dst(%dma_wait3A_197 : memref<100096xf32, #tpu.memory_space<vmem_shared>>)
    %barrier3A_198 = arith.constant 0 : index
    tpu.barrier barrier_id(%barrier3A_198)
    "tpu.region"() ({
      %run_scoped3A_240 = tpu.sem_alloc : memref<!tpu.dma_semaphore, #tpu.memory_space<semaphore_mem>>
      %dma_start3A_241 = tpu.memref_slice %arg12[%mul3A_0] : memref<100096xf32, #tpu.memory_space<vmem_shared>> -> memref<6256xf32, #tpu.memory_space<vmem_shared>>
      %dma_start3A_242 = tpu.memref_slice %arg12[%mul3A_0] : memref<100096xf32, #tpu.memory_space<vmem_shared>> -> memref<6256xf32, #tpu.memory_space<vmem_shared>>
      tpu.enqueue_dma source(%dma_start3A_242 : memref<6256xf32, #tpu.memory_space<vmem_shared>>) target(%arg18 : memref<6256xf32, #tpu.memory_space<vmem>>) target_semaphore(%run_scoped3A_240 : memref<!tpu.dma_semaphore, #tpu.memory_space<semaphore_mem>>)
      %dma_wait3A_243 = tpu.memref_slice %arg12[%mul3A_0] : memref<100096xf32, #tpu.memory_space<vmem_shared>> -> memref<6256xf32, #tpu.memory_space<vmem_shared>>
      %dma_wait3A_244 = tpu.memref_slice %arg12[%mul3A_0] : memref<100096xf32, #tpu.memory_space<vmem_shared>> -> memref<6256xf32, #tpu.memory_space<vmem_shared>>
      tpu.wait_dma2 semaphore(%run_scoped3A_240 : memref<!tpu.dma_semaphore, #tpu.memory_space<semaphore_mem>>) src(%dma_wait3A_244 : memref<6256xf32, #tpu.memory_space<vmem_shared>>) dst(%arg18 : memref<6256xf32, #tpu.memory_space<vmem>>)
      tpu.yield
    }) : () -> ()
    "tpu.region"() ({
      %run_scoped3A_240 = tpu.sem_alloc : memref<!tpu.dma_semaphore, #tpu.memory_space<semaphore_mem>>
      %dma_start3A_241 = tpu.memref_slice %arg13[%mul3A_0] : memref<100096xf32, #tpu.memory_space<vmem_shared>> -> memref<6256xf32, #tpu.memory_space<vmem_shared>>
      %dma_start3A_242 = tpu.memref_slice %arg13[%mul3A_0] : memref<100096xf32, #tpu.memory_space<vmem_shared>> -> memref<6256xf32, #tpu.memory_space<vmem_shared>>
      tpu.enqueue_dma source(%dma_start3A_242 : memref<6256xf32, #tpu.memory_space<vmem_shared>>) target(%arg19 : memref<6256xf32, #tpu.memory_space<vmem>>) target_semaphore(%run_scoped3A_240 : memref<!tpu.dma_semaphore, #tpu.memory_space<semaphore_mem>>)
      %dma_wait3A_243 = tpu.memref_slice %arg13[%mul3A_0] : memref<100096xf32, #tpu.memory_space<vmem_shared>> -> memref<6256xf32, #tpu.memory_space<vmem_shared>>
      %dma_wait3A_244 = tpu.memref_slice %arg13[%mul3A_0] : memref<100096xf32, #tpu.memory_space<vmem_shared>> -> memref<6256xf32, #tpu.memory_space<vmem_shared>>
      tpu.wait_dma2 semaphore(%run_scoped3A_240 : memref<!tpu.dma_semaphore, #tpu.memory_space<semaphore_mem>>) src(%dma_wait3A_244 : memref<6256xf32, #tpu.memory_space<vmem_shared>>) dst(%arg19 : memref<6256xf32, #tpu.memory_space<vmem>>)
      tpu.yield
    }) : () -> ()
    %get3A_199 = arith.constant 2 : i32
    %get3A_200 = arith.constant 0 : i32
    %get3A_201 = tpu.memref_slice %arg25[%get3A_199, %get3A_200] : memref<3x48xf32, #tpu.memory_space<vmem>> -> memref<1x48xf32, #tpu.memory_space<vmem>>
    %get3A_202 = tpu.memref_squeeze %get3A_201 : memref<1x48xf32, #tpu.memory_space<vmem>> -> memref<48xf32, #tpu.memory_space<vmem>>
    %get3A_203 = arith.constant 0 : index
    %get3A_204 = tpu.vector_load %get3A_202[%get3A_203] {strides = array<i32>} : memref<48xf32, #tpu.memory_space<vmem>>, vector<16xf32>,
    %get3A_205 = arith.constant 2 : i32
    %get3A_206 = arith.constant 0 : i32
    %get3A_207 = tpu.memref_slice %arg25[%get3A_205, %get3A_206] : memref<3x48xf32, #tpu.memory_space<vmem>> -> memref<1x48xf32, #tpu.memory_space<vmem>>
    %get3A_208 = tpu.memref_squeeze %get3A_207 : memref<1x48xf32, #tpu.memory_space<vmem>> -> memref<48xf32, #tpu.memory_space<vmem>>
    %get3A_209 = arith.constant 16 : index
    %get3A_210 = tpu.vector_load %get3A_208[%get3A_209] {strides = array<i32>} : memref<48xf32, #tpu.memory_space<vmem>>, vector<16xf32>,
    %get3A_211 = arith.constant 2 : i32
    %get3A_212 = arith.constant 0 : i32
    %get3A_213 = tpu.memref_slice %arg25[%get3A_211, %get3A_212] : memref<3x48xf32, #tpu.memory_space<vmem>> -> memref<1x48xf32, #tpu.memory_space<vmem>>
    %get3A_214 = tpu.memref_squeeze %get3A_213 : memref<1x48xf32, #tpu.memory_space<vmem>> -> memref<48xf32, #tpu.memory_space<vmem>>
    %get3A_215 = arith.constant 32 : index
    %get3A_216 = tpu.vector_load %get3A_214[%get3A_215] {strides = array<i32>} : memref<48xf32, #tpu.memory_space<vmem>>, vector<16xf32>,
    %scan3A_217 = arith.constant 0 : i32
    %scan3A_218 = arith.constant 391 : i32
    %scan3A_219 = arith.addi %scan3A_217, %scan3A_218 : i32
    %scan3A_220 = arith.constant 1 : i32
    %scan3A_221:2 = scf.for %scan3A_240 = %scan3A_217 to %scan3A_219 step %scan3A_220 iter_args(%scan3A_241 = %broadcast_in_dim3A_11, %scan3A_242 = %broadcast_in_dim3A_13) -> (vector<16xf32>, vector<16xf32>)  : i32 {
      %mul3A_243 = arith.constant 16 : i32
      %mul3A_244 = arith.muli %scan3A_240, %mul3A_243 : i32
      %get3A_245 = arith.index_cast %mul3A_244 : i32 to index
      %get3A_246 = tpu.vector_load %arg20[%get3A_245] {strides = array<i32>} : memref<6256xf32, #tpu.memory_space<vmem>>, vector<16xf32>,
      %max3A = arith.constant 1.000000e+00 : f32
      %max3A_247 = vector.broadcast %max3A : f32 to vector<16xf32>
      %max3A_248 = arith.maximumf %get3A_246, %max3A_247 : vector<16xf32>
      %get3A_249 = arith.index_cast %mul3A_244 : i32 to index
      %get3A_250 = tpu.vector_load %arg18[%get3A_249] {strides = array<i32>} : memref<6256xf32, #tpu.memory_space<vmem>>, vector<16xf32>,
      %mul3A_251 = arith.mulf %get3A_204, %get3A_250 : vector<16xf32>
      %mul3A_252 = arith.mulf %get3A_210, %get3A_246 : vector<16xf32>
      %get3A_253 = arith.index_cast %mul3A_244 : i32 to index
      %get3A_254 = tpu.vector_load %arg21[%get3A_253] {strides = array<i32>} : memref<6256xf32, #tpu.memory_space<vmem>>, vector<16xf32>,
      %mul3A_255 = arith.mulf %mul3A_252, %get3A_254 : vector<16xf32>
      %add3A_256 = arith.addf %mul3A_251, %mul3A_255 : vector<16xf32>
      %div3A = arith.divf %add3A_256, %max3A_248 : vector<16xf32>
      %add3A_257 = arith.addf %div3A, %get3A_216 : vector<16xf32>
      %ge3A = arith.constant 0.000000e+00 : f32
      %ge3A_258 = vector.broadcast %ge3A : f32 to vector<16xf32>
      %ge3A_259 = arith.cmpf oge, %add3A_257, %ge3A_258 : vector<16xf32>
      %mul3A_260 = arith.constant 1.000000e-01 : f32
      %mul3A_261 = vector.broadcast %mul3A_260 : f32 to vector<16xf32>
      %mul3A_262 = arith.mulf %mul3A_261, %add3A_257 : vector<16xf32>
      %select_n3A_263 = arith.select %ge3A_259, %add3A_257, %mul3A_262 : vector<16xi1>, vector<16xf32>
      %swap3A_264 = arith.index_cast %mul3A_244 : i32 to index
      %swap3A_265 = tpu.vector_load %arg21[%swap3A_264] {strides = array<i32>} : memref<6256xf32, #tpu.memory_space<vmem>>, vector<16xf32>,
      tpu.vector_store %arg21[%swap3A_264], %select_n3A_263 {strides = array<i32>} : memref<6256xf32, #tpu.memory_space<vmem>>, vector<16xf32>,
      %get3A_266 = arith.index_cast %mul3A_244 : i32 to index
      %get3A_267 = tpu.vector_load %arg19[%get3A_266] {strides = array<i32>} : memref<6256xf32, #tpu.memory_space<vmem>>, vector<16xf32>,
      %mul3A_268 = arith.mulf %get3A_204, %get3A_267 : vector<16xf32>
      %mul3A_269 = arith.mulf %get3A_210, %get3A_246 : vector<16xf32>
      %get3A_270 = arith.index_cast %mul3A_244 : i32 to index
      %get3A_271 = tpu.vector_load %arg22[%get3A_270] {strides = array<i32>} : memref<6256xf32, #tpu.memory_space<vmem>>, vector<16xf32>,
      %mul3A_272 = arith.mulf %mul3A_269, %get3A_271 : vector<16xf32>
      %add3A_273 = arith.addf %mul3A_268, %mul3A_272 : vector<16xf32>
      %div3A_274 = arith.divf %add3A_273, %max3A_248 : vector<16xf32>
      %add3A_275 = arith.addf %div3A_274, %get3A_216 : vector<16xf32>
      %ge3A_276 = arith.constant 0.000000e+00 : f32
      %ge3A_277 = vector.broadcast %ge3A_276 : f32 to vector<16xf32>
      %ge3A_278 = arith.cmpf oge, %add3A_275, %ge3A_277 : vector<16xf32>
      %mul3A_279 = arith.constant 1.000000e-01 : f32
      %mul3A_280 = vector.broadcast %mul3A_279 : f32 to vector<16xf32>
      %mul3A_281 = arith.mulf %mul3A_280, %add3A_275 : vector<16xf32>
      %select_n3A_282 = arith.select %ge3A_278, %add3A_275, %mul3A_281 : vector<16xi1>, vector<16xf32>
      %swap3A_283 = arith.index_cast %mul3A_244 : i32 to index
      %swap3A_284 = tpu.vector_load %arg22[%swap3A_283] {strides = array<i32>} : memref<6256xf32, #tpu.memory_space<vmem>>, vector<16xf32>,
      tpu.vector_store %arg22[%swap3A_283], %select_n3A_282 {strides = array<i32>} : memref<6256xf32, #tpu.memory_space<vmem>>, vector<16xf32>,
      %get3A_285 = arith.index_cast %mul3A_244 : i32 to index
      %get3A_286 = tpu.vector_load %arg24[%get3A_285] {strides = array<i32>} : memref<6256xf32, #tpu.memory_space<vmem>>, vector<16xf32>,
      %bitcast3A = vector.bitcast %select_n3A_263 : vector<16xf32> to vector<16xi32>
      %shift_right_logical3A = arith.constant 16 : i32
      %shift_right_logical3A_287 = vector.broadcast %shift_right_logical3A : i32 to vector<16xi32>
      %shift_right_logical3A_288 = arith.shrui %bitcast3A, %shift_right_logical3A_287 : vector<16xi32>
      %and3A = arith.constant 1 : i32
      %and3A_289 = vector.broadcast %and3A : i32 to vector<16xi32>
      %and3A_290 = arith.andi %shift_right_logical3A_288, %and3A_289 : vector<16xi32>
      %add3A_291 = arith.constant 32767 : i32
      %add3A_292 = vector.broadcast %add3A_291 : i32 to vector<16xi32>
      %add3A_293 = arith.addi %and3A_290, %add3A_292 : vector<16xi32>
      %add3A_294 = arith.addi %bitcast3A, %add3A_293 : vector<16xi32>
      %and3A_295 = arith.constant -65536 : i32
      %and3A_296 = vector.broadcast %and3A_295 : i32 to vector<16xi32>
      %and3A_297 = arith.andi %add3A_294, %and3A_296 : vector<16xi32>
      %bitcast3A_298 = vector.bitcast %and3A_297 : vector<16xi32> to vector<16xf32>
      %mul3A_299 = arith.mulf %bitcast3A_298, %get3A_286 : vector<16xf32>
      %add3A_300 = arith.addf %scan3A_241, %mul3A_299 : vector<16xf32>
      %bitcast3A_301 = vector.bitcast %select_n3A_282 : vector<16xf32> to vector<16xi32>
      %shift_right_logical3A_302 = arith.constant 16 : i32
      %shift_right_logical3A_303 = vector.broadcast %shift_right_logical3A_302 : i32 to vector<16xi32>
      %shift_right_logical3A_304 = arith.shrui %bitcast3A_301, %shift_right_logical3A_303 : vector<16xi32>
      %and3A_305 = arith.constant 1 : i32
      %and3A_306 = vector.broadcast %and3A_305 : i32 to vector<16xi32>
      %and3A_307 = arith.andi %shift_right_logical3A_304, %and3A_306 : vector<16xi32>
      %add3A_308 = arith.constant 32767 : i32
      %add3A_309 = vector.broadcast %add3A_308 : i32 to vector<16xi32>
      %add3A_310 = arith.addi %and3A_307, %add3A_309 : vector<16xi32>
      %add3A_311 = arith.addi %bitcast3A_301, %add3A_310 : vector<16xi32>
      %and3A_312 = arith.constant -65536 : i32
      %and3A_313 = vector.broadcast %and3A_312 : i32 to vector<16xi32>
      %and3A_314 = arith.andi %add3A_311, %and3A_313 : vector<16xi32>
      %bitcast3A_315 = vector.bitcast %and3A_314 : vector<16xi32> to vector<16xf32>
      %mul3A_316 = arith.mulf %bitcast3A_315, %get3A_286 : vector<16xf32>
      %add3A_317 = arith.addf %scan3A_242, %mul3A_316 : vector<16xf32>
      scf.yield %add3A_300, %add3A_317 : vector<16xf32>, vector<16xf32>
    }
    %scan3A_222 = arith.constant 391 : i32
    %reduce_sum3A = arith.constant true
    %reduce_sum3A_223 = vector.broadcast %reduce_sum3A : i1 to vector<16xi1>
    %reduce_sum3A_224 = tpu.scan <sum>, %scan3A_221#0 masked %reduce_sum3A_223 : vector<16xf32>, vector<16xi1> -> vector<16xf32>
    %reduce_sum3A_225 = vector.extract %reduce_sum3A_224[15] : f32 from vector<16xf32>
    %reduce_sum3A_226 = arith.constant true
    %reduce_sum3A_227 = vector.broadcast %reduce_sum3A_226 : i1 to vector<16xi1>
    %reduce_sum3A_228 = tpu.scan <sum>, %scan3A_221#1 masked %reduce_sum3A_227 : vector<16xf32>, vector<16xi1> -> vector<16xf32>
    %reduce_sum3A_229 = vector.extract %reduce_sum3A_228[15] : f32 from vector<16xf32>
    %eq3A = arith.constant 0 : i32
    %eq3A_230 = vector.broadcast %eq3A : i32 to vector<16xi32>
    %eq3A_231 = arith.cmpi eq, %iota3A, %eq3A_230 : vector<16xi32>
    %eq3A_232 = arith.constant 1 : i32
    %eq3A_233 = vector.broadcast %eq3A_232 : i32 to vector<16xi32>
    %eq3A_234 = arith.cmpi eq, %iota3A, %eq3A_233 : vector<16xi32>
    %jit3A = arith.constant 0.000000e+00 : f32
    %broadcast_in_dim3A_235 = vector.broadcast %reduce_sum3A_229 : f32 to vector<16xf32>
    %broadcast_in_dim3A_236 = vector.broadcast %jit3A : f32 to vector<16xf32>
    %select_n3A = arith.select %eq3A_234, %broadcast_in_dim3A_235, %broadcast_in_dim3A_236 : vector<16xi1>, vector<16xf32>
    %broadcast_in_dim3A_237 = vector.broadcast %reduce_sum3A_225 : f32 to vector<16xf32>
    %select_n3A_238 = arith.select %eq3A_231, %broadcast_in_dim3A_237, %select_n3A : vector<16xi1>, vector<16xf32>
    %swap3A = arith.constant 0 : index
    %swap3A_239 = tpu.vector_load %arg26[%swap3A] {strides = array<i32>} : memref<16xf32, #tpu.memory_space<vmem>>, vector<16xf32>,
    tpu.vector_store %arg26[%swap3A], %select_n3A_238 {strides = array<i32>} : memref<16xf32, #tpu.memory_space<vmem>>, vector<16xf32>,
    "tpu.region"() ({
      %run_scoped3A_240 = tpu.sem_alloc : memref<!tpu.dma_semaphore, #tpu.memory_space<semaphore_mem>>
      %dma_start3A_241 = arith.constant 0 : i32
      %dma_start3A_242 = tpu.memref_slice %arg9[%arg0, %arg1, %dma_start3A_241] : memref<2x16x16xf32, #tpu.memory_space<hbm>> -> memref<1x1x16xf32, #tpu.memory_space<hbm>>
      %dma_start3A_243 = tpu.memref_squeeze %dma_start3A_242 : memref<1x1x16xf32, #tpu.memory_space<hbm>> -> memref<16xf32, #tpu.memory_space<hbm>>
      %dma_start3A_244 = arith.constant 0 : i32
      %dma_start3A_245 = tpu.memref_slice %arg9[%arg0, %arg1, %dma_start3A_244] : memref<2x16x16xf32, #tpu.memory_space<hbm>> -> memref<1x1x16xf32, #tpu.memory_space<hbm>>
      %dma_start3A_246 = tpu.memref_squeeze %dma_start3A_245 : memref<1x1x16xf32, #tpu.memory_space<hbm>> -> memref<16xf32, #tpu.memory_space<hbm>>
      tpu.enqueue_dma source(%arg26 : memref<16xf32, #tpu.memory_space<vmem>>) target(%dma_start3A_246 : memref<16xf32, #tpu.memory_space<hbm>>) target_semaphore(%run_scoped3A_240 : memref<!tpu.dma_semaphore, #tpu.memory_space<semaphore_mem>>)
      %dma_wait3A_247 = arith.constant 0 : i32
      %dma_wait3A_248 = tpu.memref_slice %arg9[%arg0, %arg1, %dma_wait3A_247] : memref<2x16x16xf32, #tpu.memory_space<hbm>> -> memref<1x1x16xf32, #tpu.memory_space<hbm>>
      %dma_wait3A_249 = tpu.memref_squeeze %dma_wait3A_248 : memref<1x1x16xf32, #tpu.memory_space<hbm>> -> memref<16xf32, #tpu.memory_space<hbm>>
      %dma_wait3A_250 = arith.constant 0 : i32
      %dma_wait3A_251 = tpu.memref_slice %arg9[%arg0, %arg1, %dma_wait3A_250] : memref<2x16x16xf32, #tpu.memory_space<hbm>> -> memref<1x1x16xf32, #tpu.memory_space<hbm>>
      %dma_wait3A_252 = tpu.memref_squeeze %dma_wait3A_251 : memref<1x1x16xf32, #tpu.memory_space<hbm>> -> memref<16xf32, #tpu.memory_space<hbm>>
      tpu.wait_dma2 semaphore(%run_scoped3A_240 : memref<!tpu.dma_semaphore, #tpu.memory_space<semaphore_mem>>) src(%arg26 : memref<16xf32, #tpu.memory_space<vmem>>) dst(%dma_wait3A_252 : memref<16xf32, #tpu.memory_space<hbm>>)
      tpu.yield
    }) : () -> ()
    return
  }
}

#map = affine_map<(d0, d1) -> (0)>
#map1 = affine_map<(d0, d1) -> (0, 0)>
module attributes {stable_mosaic.version = 14 : i64} {
  func.func @_deg_body(%arg0: i32, %arg1: i32, %arg2: memref<3200000xi32, #tpu.memory_space<hbm>>, %arg3: memref<5000xf32, #tpu.memory_space<hbm>>, %arg4: memref<6256xf32, #tpu.memory_space<hbm>>, %arg5: memref<2x100096xf32, #tpu.memory_space<hbm>>, %arg6: memref<100096xf32, #tpu.memory_space<vmem_shared>>, %arg7: memref<2x5000xi32, #tpu.memory_space<vmem>>, %arg8: memref<5000xf32, #tpu.memory_space<vmem>>, %arg9: memref<6256xf32, #tpu.memory_space<vmem>>, %arg10: memref<!tpu.dma_semaphore, #tpu.memory_space<semaphore_mem>>, %arg11: memref<!tpu.dma_semaphore, #tpu.memory_space<semaphore_mem>>) attributes {dimension_semantics = [#tpu.dimension_semantics<core_parallel>, #tpu.dimension_semantics<subcore_parallel>], iteration_bounds = array<i64: 2, 16>, scalar_prefetch = 0 : i64, scratch_operands = 6 : i64, tpu.core_type = #tpu.core_type<sc_vector_subcore>, window_params = [{transform_indices = #map}, {transform_indices = #map}, {transform_indices = #map}, {transform_indices = #map1}]} {
    %mul3A = arith.constant 6256 : i32
    %mul3A_0 = arith.muli %arg1, %mul3A : i32
    %mul3A_1 = arith.constant 16 : i32
    %mul3A_2 = arith.muli %arg0, %mul3A_1 : i32
    %add3A = arith.addi %arg1, %mul3A_2 : i32
    %mul3A_3 = arith.constant 20 : i32
    %mul3A_4 = arith.muli %add3A, %mul3A_3 : i32
    %mul3A_5 = arith.constant 5000 : i32
    %mul3A_6 = arith.muli %mul3A_4, %mul3A_5 : i32
    "tpu.region"() ({
      %run_scoped3A = tpu.sem_alloc : memref<!tpu.dma_semaphore, #tpu.memory_space<semaphore_mem>>
      tpu.enqueue_dma source(%arg3 : memref<5000xf32, #tpu.memory_space<hbm>>) target(%arg8 : memref<5000xf32, #tpu.memory_space<vmem>>) target_semaphore(%run_scoped3A : memref<!tpu.dma_semaphore, #tpu.memory_space<semaphore_mem>>)
      tpu.wait_dma2 semaphore(%run_scoped3A : memref<!tpu.dma_semaphore, #tpu.memory_space<semaphore_mem>>) src(%arg3 : memref<5000xf32, #tpu.memory_space<hbm>>) dst(%arg8 : memref<5000xf32, #tpu.memory_space<vmem>>)
      tpu.yield
    }) : () -> ()
    "tpu.region"() ({
      %run_scoped3A = tpu.sem_alloc : memref<!tpu.dma_semaphore, #tpu.memory_space<semaphore_mem>>
      tpu.enqueue_dma source(%arg4 : memref<6256xf32, #tpu.memory_space<hbm>>) target(%arg9 : memref<6256xf32, #tpu.memory_space<vmem>>) target_semaphore(%run_scoped3A : memref<!tpu.dma_semaphore, #tpu.memory_space<semaphore_mem>>)
      tpu.wait_dma2 semaphore(%run_scoped3A : memref<!tpu.dma_semaphore, #tpu.memory_space<semaphore_mem>>) src(%arg4 : memref<6256xf32, #tpu.memory_space<hbm>>) dst(%arg9 : memref<6256xf32, #tpu.memory_space<vmem>>)
      tpu.yield
    }) : () -> ()
    "tpu.region"() ({
      %run_scoped3A = tpu.sem_alloc : memref<!tpu.dma_semaphore, #tpu.memory_space<semaphore_mem>>
      %dma_start3A_28 = tpu.memref_slice %arg6[%mul3A_0] : memref<100096xf32, #tpu.memory_space<vmem_shared>> -> memref<6256xf32, #tpu.memory_space<vmem_shared>>
      %dma_start3A_29 = tpu.memref_slice %arg6[%mul3A_0] : memref<100096xf32, #tpu.memory_space<vmem_shared>> -> memref<6256xf32, #tpu.memory_space<vmem_shared>>
      tpu.enqueue_dma source(%arg9 : memref<6256xf32, #tpu.memory_space<vmem>>) target(%dma_start3A_29 : memref<6256xf32, #tpu.memory_space<vmem_shared>>) target_semaphore(%run_scoped3A : memref<!tpu.dma_semaphore, #tpu.memory_space<semaphore_mem>>)
      %dma_wait3A_30 = tpu.memref_slice %arg6[%mul3A_0] : memref<100096xf32, #tpu.memory_space<vmem_shared>> -> memref<6256xf32, #tpu.memory_space<vmem_shared>>
      %dma_wait3A_31 = tpu.memref_slice %arg6[%mul3A_0] : memref<100096xf32, #tpu.memory_space<vmem_shared>> -> memref<6256xf32, #tpu.memory_space<vmem_shared>>
      tpu.wait_dma2 semaphore(%run_scoped3A : memref<!tpu.dma_semaphore, #tpu.memory_space<semaphore_mem>>) src(%arg9 : memref<6256xf32, #tpu.memory_space<vmem>>) dst(%dma_wait3A_31 : memref<6256xf32, #tpu.memory_space<vmem_shared>>)
      tpu.yield
    }) : () -> ()
    %barrier3A = arith.constant 0 : index
    tpu.barrier barrier_id(%barrier3A)
    %add3A_7 = arith.constant 0 : i32
    %add3A_8 = arith.addi %mul3A_6, %add3A_7 : i32
    %dma_start3A = arith.constant 0 : i32
    %dma_start3A_9 = arith.constant 0 : i32
    %dma_start3A_10 = tpu.memref_slice %arg7[%dma_start3A, %dma_start3A_9] : memref<2x5000xi32, #tpu.memory_space<vmem>> -> memref<1x5000xi32, #tpu.memory_space<vmem>>
    %dma_start3A_11 = tpu.memref_squeeze %dma_start3A_10 : memref<1x5000xi32, #tpu.memory_space<vmem>> -> memref<5000xi32, #tpu.memory_space<vmem>>
    %dma_start3A_12 = tpu.memref_slice %arg2[%add3A_8] : memref<3200000xi32, #tpu.memory_space<hbm>> -> memref<5000xi32, #tpu.memory_space<hbm>>
    %dma_start3A_13 = arith.constant 0 : i32
    %dma_start3A_14 = tpu.memref_slice %arg7[%dma_start3A, %dma_start3A_13] : memref<2x5000xi32, #tpu.memory_space<vmem>> -> memref<1x5000xi32, #tpu.memory_space<vmem>>
    %dma_start3A_15 = tpu.memref_squeeze %dma_start3A_14 : memref<1x5000xi32, #tpu.memory_space<vmem>> -> memref<5000xi32, #tpu.memory_space<vmem>>
    %dma_start3A_16 = tpu.memref_slice %arg2[%add3A_8] : memref<3200000xi32, #tpu.memory_space<hbm>> -> memref<5000xi32, #tpu.memory_space<hbm>>
    tpu.enqueue_dma source(%dma_start3A_16 : memref<5000xi32, #tpu.memory_space<hbm>>) target(%dma_start3A_15 : memref<5000xi32, #tpu.memory_space<vmem>>) target_semaphore(%arg10 : memref<!tpu.dma_semaphore, #tpu.memory_space<semaphore_mem>>)
    %scan3A = arith.constant 0 : i32
    %scan3A_17 = arith.constant 0 : i32
    %scan3A_18 = arith.constant 10 : i32
    %scan3A_19 = arith.addi %scan3A_17, %scan3A_18 : i32
    %scan3A_20 = arith.constant 1 : i32
    scf.for %scan3A_28 = %scan3A_17 to %scan3A_19 step %scan3A_20  : i32 {
      %mul3A_29 = arith.constant 2 : i32
      %mul3A_30 = arith.muli %mul3A_29, %scan3A_28 : i32
      %add3A_31 = arith.constant 0 : i32
      %add3A_32 = arith.addi %mul3A_30, %add3A_31 : i32
      %mul3A_33 = arith.constant 5000 : i32
      %mul3A_34 = arith.muli %add3A_32, %mul3A_33 : i32
      %add3A_35 = arith.addi %mul3A_6, %mul3A_34 : i32
      %dma_wait3A_36 = arith.constant 0 : i32
      %dma_wait3A_37 = arith.constant 0 : i32
      %dma_wait3A_38 = tpu.memref_slice %arg7[%dma_wait3A_36, %dma_wait3A_37] : memref<2x5000xi32, #tpu.memory_space<vmem>> -> memref<1x5000xi32, #tpu.memory_space<vmem>>
      %dma_wait3A_39 = tpu.memref_squeeze %dma_wait3A_38 : memref<1x5000xi32, #tpu.memory_space<vmem>> -> memref<5000xi32, #tpu.memory_space<vmem>>
      %dma_wait3A_40 = tpu.memref_slice %arg2[%add3A_35] : memref<3200000xi32, #tpu.memory_space<hbm>> -> memref<5000xi32, #tpu.memory_space<hbm>>
      %dma_wait3A_41 = arith.constant 0 : i32
      %dma_wait3A_42 = tpu.memref_slice %arg7[%dma_wait3A_36, %dma_wait3A_41] : memref<2x5000xi32, #tpu.memory_space<vmem>> -> memref<1x5000xi32, #tpu.memory_space<vmem>>
      %dma_wait3A_43 = tpu.memref_squeeze %dma_wait3A_42 : memref<1x5000xi32, #tpu.memory_space<vmem>> -> memref<5000xi32, #tpu.memory_space<vmem>>
      %dma_wait3A_44 = tpu.memref_slice %arg2[%add3A_35] : memref<3200000xi32, #tpu.memory_space<hbm>> -> memref<5000xi32, #tpu.memory_space<hbm>>
      tpu.wait_dma2 semaphore(%arg10 : memref<!tpu.dma_semaphore, #tpu.memory_space<semaphore_mem>>) src(%dma_wait3A_44 : memref<5000xi32, #tpu.memory_space<hbm>>) dst(%dma_wait3A_43 : memref<5000xi32, #tpu.memory_space<vmem>>)
      %gt3A = arith.constant 0 : i32
      %gt3A_45 = arith.cmpi sgt, %scan3A_28, %gt3A : i32
      %convert_element_type3A = arith.extui %gt3A_45 : i1 to i32
      %cond3A = arith.constant 0 : i32
      %cond3A_46 = arith.cmpi ne, %convert_element_type3A, %cond3A : i32
      scf.if %cond3A_46 {
        %dma_wait3A_99 = arith.constant 1 : i32
        %dma_wait3A_100 = arith.constant 0 : i32
        %dma_wait3A_101 = tpu.memref_slice %arg7[%dma_wait3A_99, %dma_wait3A_100] : memref<2x5000xi32, #tpu.memory_space<vmem>> -> memref<1x5000xi32, #tpu.memory_space<vmem>>
        %dma_wait3A_102 = tpu.memref_squeeze %dma_wait3A_101 : memref<1x5000xi32, #tpu.memory_space<vmem>> -> memref<5000xi32, #tpu.memory_space<vmem>>
        %dma_wait3A_103 = arith.constant 0 : i32
        %dma_wait3A_104 = tpu.memref_slice %arg6[%dma_wait3A_103] : memref<100096xf32, #tpu.memory_space<vmem_shared>> -> memref<100096xf32, #tpu.memory_space<vmem_shared>>
        tpu.wait_indirect_dma semaphore(%arg11 : memref<!tpu.dma_semaphore, #tpu.memory_space<semaphore_mem>>) src(%arg8 : memref<5000xf32, #tpu.memory_space<vmem>>) dst(%dma_wait3A_104 : memref<100096xf32, #tpu.memory_space<vmem_shared>>)
      } else {
      }
      %add3A_47 = arith.constant 1 : i32
      %add3A_48 = arith.addi %add3A_32, %add3A_47 : i32
      %mul3A_49 = arith.constant 5000 : i32
      %mul3A_50 = arith.muli %add3A_48, %mul3A_49 : i32
      %add3A_51 = arith.addi %mul3A_6, %mul3A_50 : i32
      %dma_start3A_52 = arith.constant 1 : i32
      %dma_start3A_53 = arith.constant 0 : i32
      %dma_start3A_54 = tpu.memref_slice %arg7[%dma_start3A_52, %dma_start3A_53] : memref<2x5000xi32, #tpu.memory_space<vmem>> -> memref<1x5000xi32, #tpu.memory_space<vmem>>
      %dma_start3A_55 = tpu.memref_squeeze %dma_start3A_54 : memref<1x5000xi32, #tpu.memory_space<vmem>> -> memref<5000xi32, #tpu.memory_space<vmem>>
      %dma_start3A_56 = tpu.memref_slice %arg2[%add3A_51] : memref<3200000xi32, #tpu.memory_space<hbm>> -> memref<5000xi32, #tpu.memory_space<hbm>>
      %dma_start3A_57 = arith.constant 0 : i32
      %dma_start3A_58 = tpu.memref_slice %arg7[%dma_start3A_52, %dma_start3A_57] : memref<2x5000xi32, #tpu.memory_space<vmem>> -> memref<1x5000xi32, #tpu.memory_space<vmem>>
      %dma_start3A_59 = tpu.memref_squeeze %dma_start3A_58 : memref<1x5000xi32, #tpu.memory_space<vmem>> -> memref<5000xi32, #tpu.memory_space<vmem>>
      %dma_start3A_60 = tpu.memref_slice %arg2[%add3A_51] : memref<3200000xi32, #tpu.memory_space<hbm>> -> memref<5000xi32, #tpu.memory_space<hbm>>
      tpu.enqueue_dma source(%dma_start3A_60 : memref<5000xi32, #tpu.memory_space<hbm>>) target(%dma_start3A_59 : memref<5000xi32, #tpu.memory_space<vmem>>) target_semaphore(%arg10 : memref<!tpu.dma_semaphore, #tpu.memory_space<semaphore_mem>>)
      %dma_start3A_61 = arith.constant 0 : i32
      %dma_start3A_62 = arith.constant 0 : i32
      %dma_start3A_63 = tpu.memref_slice %arg7[%dma_start3A_61, %dma_start3A_62] : memref<2x5000xi32, #tpu.memory_space<vmem>> -> memref<1x5000xi32, #tpu.memory_space<vmem>>
      %dma_start3A_64 = tpu.memref_squeeze %dma_start3A_63 : memref<1x5000xi32, #tpu.memory_space<vmem>> -> memref<5000xi32, #tpu.memory_space<vmem>>
      %dma_start3A_65 = arith.constant 0 : i32
      %dma_start3A_66 = tpu.memref_slice %arg6[%dma_start3A_65] : memref<100096xf32, #tpu.memory_space<vmem_shared>> -> memref<100096xf32, #tpu.memory_space<vmem_shared>>
      tpu.enqueue_indirect_dma source(%arg8 : memref<5000xf32, #tpu.memory_space<vmem>>) target(%dma_start3A_66 : memref<100096xf32, #tpu.memory_space<vmem_shared>>) offsets(%dma_start3A_64 : memref<5000xi32, #tpu.memory_space<vmem>>) semaphore(%arg11 : memref<!tpu.dma_semaphore, #tpu.memory_space<semaphore_mem>>) {add = true}
      %mul3A_67 = arith.constant 2 : i32
      %mul3A_68 = arith.muli %mul3A_67, %scan3A_28 : i32
      %add3A_69 = arith.constant 1 : i32
      %add3A_70 = arith.addi %mul3A_68, %add3A_69 : i32
      %mul3A_71 = arith.constant 5000 : i32
      %mul3A_72 = arith.muli %add3A_70, %mul3A_71 : i32
      %add3A_73 = arith.addi %mul3A_6, %mul3A_72 : i32
      %dma_wait3A_74 = arith.constant 1 : i32
      %dma_wait3A_75 = arith.constant 0 : i32
      %dma_wait3A_76 = tpu.memref_slice %arg7[%dma_wait3A_74, %dma_wait3A_75] : memref<2x5000xi32, #tpu.memory_space<vmem>> -> memref<1x5000xi32, #tpu.memory_space<vmem>>
      %dma_wait3A_77 = tpu.memref_squeeze %dma_wait3A_76 : memref<1x5000xi32, #tpu.memory_space<vmem>> -> memref<5000xi32, #tpu.memory_space<vmem>>
      %dma_wait3A_78 = tpu.memref_slice %arg2[%add3A_73] : memref<3200000xi32, #tpu.memory_space<hbm>> -> memref<5000xi32, #tpu.memory_space<hbm>>
      %dma_wait3A_79 = arith.constant 0 : i32
      %dma_wait3A_80 = tpu.memref_slice %arg7[%dma_wait3A_74, %dma_wait3A_79] : memref<2x5000xi32, #tpu.memory_space<vmem>> -> memref<1x5000xi32, #tpu.memory_space<vmem>>
      %dma_wait3A_81 = tpu.memref_squeeze %dma_wait3A_80 : memref<1x5000xi32, #tpu.memory_space<vmem>> -> memref<5000xi32, #tpu.memory_space<vmem>>
      %dma_wait3A_82 = tpu.memref_slice %arg2[%add3A_73] : memref<3200000xi32, #tpu.memory_space<hbm>> -> memref<5000xi32, #tpu.memory_space<hbm>>
      tpu.wait_dma2 semaphore(%arg10 : memref<!tpu.dma_semaphore, #tpu.memory_space<semaphore_mem>>) src(%dma_wait3A_82 : memref<5000xi32, #tpu.memory_space<hbm>>) dst(%dma_wait3A_81 : memref<5000xi32, #tpu.memory_space<vmem>>)
      %dma_wait3A_83 = arith.constant 0 : i32
      %dma_wait3A_84 = arith.constant 0 : i32
      %dma_wait3A_85 = tpu.memref_slice %arg7[%dma_wait3A_83, %dma_wait3A_84] : memref<2x5000xi32, #tpu.memory_space<vmem>> -> memref<1x5000xi32, #tpu.memory_space<vmem>>
      %dma_wait3A_86 = tpu.memref_squeeze %dma_wait3A_85 : memref<1x5000xi32, #tpu.memory_space<vmem>> -> memref<5000xi32, #tpu.memory_space<vmem>>
      %dma_wait3A_87 = arith.constant 0 : i32
      %dma_wait3A_88 = tpu.memref_slice %arg6[%dma_wait3A_87] : memref<100096xf32, #tpu.memory_space<vmem_shared>> -> memref<100096xf32, #tpu.memory_space<vmem_shared>>
      tpu.wait_indirect_dma semaphore(%arg11 : memref<!tpu.dma_semaphore, #tpu.memory_space<semaphore_mem>>) src(%arg8 : memref<5000xf32, #tpu.memory_space<vmem>>) dst(%dma_wait3A_88 : memref<100096xf32, #tpu.memory_space<vmem_shared>>)
      %lt3A = arith.constant 9 : i32
      %lt3A_89 = arith.cmpi slt, %scan3A_28, %lt3A : i32
      %convert_element_type3A_90 = arith.extui %lt3A_89 : i1 to i32
      %cond3A_91 = arith.constant 0 : i32
      %cond3A_92 = arith.cmpi ne, %convert_element_type3A_90, %cond3A_91 : i32
      scf.if %cond3A_92 {
        %add3A_99 = arith.constant 1 : i32
        %add3A_100 = arith.addi %add3A_70, %add3A_99 : i32
        %mul3A_101 = arith.constant 5000 : i32
        %mul3A_102 = arith.muli %add3A_100, %mul3A_101 : i32
        %add3A_103 = arith.addi %mul3A_6, %mul3A_102 : i32
        %dma_start3A_104 = arith.constant 0 : i32
        %dma_start3A_105 = arith.constant 0 : i32
        %dma_start3A_106 = tpu.memref_slice %arg7[%dma_start3A_104, %dma_start3A_105] : memref<2x5000xi32, #tpu.memory_space<vmem>> -> memref<1x5000xi32, #tpu.memory_space<vmem>>
        %dma_start3A_107 = tpu.memref_squeeze %dma_start3A_106 : memref<1x5000xi32, #tpu.memory_space<vmem>> -> memref<5000xi32, #tpu.memory_space<vmem>>
        %dma_start3A_108 = tpu.memref_slice %arg2[%add3A_103] : memref<3200000xi32, #tpu.memory_space<hbm>> -> memref<5000xi32, #tpu.memory_space<hbm>>
        %dma_start3A_109 = arith.constant 0 : i32
        %dma_start3A_110 = tpu.memref_slice %arg7[%dma_start3A_104, %dma_start3A_109] : memref<2x5000xi32, #tpu.memory_space<vmem>> -> memref<1x5000xi32, #tpu.memory_space<vmem>>
        %dma_start3A_111 = tpu.memref_squeeze %dma_start3A_110 : memref<1x5000xi32, #tpu.memory_space<vmem>> -> memref<5000xi32, #tpu.memory_space<vmem>>
        %dma_start3A_112 = tpu.memref_slice %arg2[%add3A_103] : memref<3200000xi32, #tpu.memory_space<hbm>> -> memref<5000xi32, #tpu.memory_space<hbm>>
        tpu.enqueue_dma source(%dma_start3A_112 : memref<5000xi32, #tpu.memory_space<hbm>>) target(%dma_start3A_111 : memref<5000xi32, #tpu.memory_space<vmem>>) target_semaphore(%arg10 : memref<!tpu.dma_semaphore, #tpu.memory_space<semaphore_mem>>)
      } else {
      }
      %dma_start3A_93 = arith.constant 1 : i32
      %dma_start3A_94 = arith.constant 0 : i32
      %dma_start3A_95 = tpu.memref_slice %arg7[%dma_start3A_93, %dma_start3A_94] : memref<2x5000xi32, #tpu.memory_space<vmem>> -> memref<1x5000xi32, #tpu.memory_space<vmem>>
      %dma_start3A_96 = tpu.memref_squeeze %dma_start3A_95 : memref<1x5000xi32, #tpu.memory_space<vmem>> -> memref<5000xi32, #tpu.memory_space<vmem>>
      %dma_start3A_97 = arith.constant 0 : i32
      %dma_start3A_98 = tpu.memref_slice %arg6[%dma_start3A_97] : memref<100096xf32, #tpu.memory_space<vmem_shared>> -> memref<100096xf32, #tpu.memory_space<vmem_shared>>
      tpu.enqueue_indirect_dma source(%arg8 : memref<5000xf32, #tpu.memory_space<vmem>>) target(%dma_start3A_98 : memref<100096xf32, #tpu.memory_space<vmem_shared>>) offsets(%dma_start3A_96 : memref<5000xi32, #tpu.memory_space<vmem>>) semaphore(%arg11 : memref<!tpu.dma_semaphore, #tpu.memory_space<semaphore_mem>>) {add = true}
    }
    %scan3A_21 = arith.constant 10 : i32
    %dma_wait3A = arith.constant 1 : i32
    %dma_wait3A_22 = arith.constant 0 : i32
    %dma_wait3A_23 = tpu.memref_slice %arg7[%dma_wait3A, %dma_wait3A_22] : memref<2x5000xi32, #tpu.memory_space<vmem>> -> memref<1x5000xi32, #tpu.memory_space<vmem>>
    %dma_wait3A_24 = tpu.memref_squeeze %dma_wait3A_23 : memref<1x5000xi32, #tpu.memory_space<vmem>> -> memref<5000xi32, #tpu.memory_space<vmem>>
    %dma_wait3A_25 = arith.constant 0 : i32
    %dma_wait3A_26 = tpu.memref_slice %arg6[%dma_wait3A_25] : memref<100096xf32, #tpu.memory_space<vmem_shared>> -> memref<100096xf32, #tpu.memory_space<vmem_shared>>
    tpu.wait_indirect_dma semaphore(%arg11 : memref<!tpu.dma_semaphore, #tpu.memory_space<semaphore_mem>>) src(%arg8 : memref<5000xf32, #tpu.memory_space<vmem>>) dst(%dma_wait3A_26 : memref<100096xf32, #tpu.memory_space<vmem_shared>>)
    %barrier3A_27 = arith.constant 0 : index
    tpu.barrier barrier_id(%barrier3A_27)
    "tpu.region"() ({
      %run_scoped3A = tpu.sem_alloc : memref<!tpu.dma_semaphore, #tpu.memory_space<semaphore_mem>>
      %dma_start3A_28 = tpu.memref_slice %arg6[%mul3A_0] : memref<100096xf32, #tpu.memory_space<vmem_shared>> -> memref<6256xf32, #tpu.memory_space<vmem_shared>>
      %dma_start3A_29 = tpu.memref_slice %arg6[%mul3A_0] : memref<100096xf32, #tpu.memory_space<vmem_shared>> -> memref<6256xf32, #tpu.memory_space<vmem_shared>>
      tpu.enqueue_dma source(%dma_start3A_29 : memref<6256xf32, #tpu.memory_space<vmem_shared>>) target(%arg9 : memref<6256xf32, #tpu.memory_space<vmem>>) target_semaphore(%run_scoped3A : memref<!tpu.dma_semaphore, #tpu.memory_space<semaphore_mem>>)
      %dma_wait3A_30 = tpu.memref_slice %arg6[%mul3A_0] : memref<100096xf32, #tpu.memory_space<vmem_shared>> -> memref<6256xf32, #tpu.memory_space<vmem_shared>>
      %dma_wait3A_31 = tpu.memref_slice %arg6[%mul3A_0] : memref<100096xf32, #tpu.memory_space<vmem_shared>> -> memref<6256xf32, #tpu.memory_space<vmem_shared>>
      tpu.wait_dma2 semaphore(%run_scoped3A : memref<!tpu.dma_semaphore, #tpu.memory_space<semaphore_mem>>) src(%dma_wait3A_31 : memref<6256xf32, #tpu.memory_space<vmem_shared>>) dst(%arg9 : memref<6256xf32, #tpu.memory_space<vmem>>)
      tpu.yield
    }) : () -> ()
    "tpu.region"() ({
      %run_scoped3A = tpu.sem_alloc : memref<!tpu.dma_semaphore, #tpu.memory_space<semaphore_mem>>
      %dma_start3A_28 = tpu.memref_slice %arg5[%arg0, %mul3A_0] : memref<2x100096xf32, #tpu.memory_space<hbm>> -> memref<1x6256xf32, #tpu.memory_space<hbm>>
      %dma_start3A_29 = tpu.memref_squeeze %dma_start3A_28 : memref<1x6256xf32, #tpu.memory_space<hbm>> -> memref<6256xf32, #tpu.memory_space<hbm>>
      %dma_start3A_30 = tpu.memref_slice %arg5[%arg0, %mul3A_0] : memref<2x100096xf32, #tpu.memory_space<hbm>> -> memref<1x6256xf32, #tpu.memory_space<hbm>>
      %dma_start3A_31 = tpu.memref_squeeze %dma_start3A_30 : memref<1x6256xf32, #tpu.memory_space<hbm>> -> memref<6256xf32, #tpu.memory_space<hbm>>
      tpu.enqueue_dma source(%arg9 : memref<6256xf32, #tpu.memory_space<vmem>>) target(%dma_start3A_31 : memref<6256xf32, #tpu.memory_space<hbm>>) target_semaphore(%run_scoped3A : memref<!tpu.dma_semaphore, #tpu.memory_space<semaphore_mem>>)
      %dma_wait3A_32 = tpu.memref_slice %arg5[%arg0, %mul3A_0] : memref<2x100096xf32, #tpu.memory_space<hbm>> -> memref<1x6256xf32, #tpu.memory_space<hbm>>
      %dma_wait3A_33 = tpu.memref_squeeze %dma_wait3A_32 : memref<1x6256xf32, #tpu.memory_space<hbm>> -> memref<6256xf32, #tpu.memory_space<hbm>>
      %dma_wait3A_34 = tpu.memref_slice %arg5[%arg0, %mul3A_0] : memref<2x100096xf32, #tpu.memory_space<hbm>> -> memref<1x6256xf32, #tpu.memory_space<hbm>>
      %dma_wait3A_35 = tpu.memref_squeeze %dma_wait3A_34 : memref<1x6256xf32, #tpu.memory_space<hbm>> -> memref<6256xf32, #tpu.memory_space<hbm>>
      tpu.wait_dma2 semaphore(%run_scoped3A : memref<!tpu.dma_semaphore, #tpu.memory_space<semaphore_mem>>) src(%arg9 : memref<6256xf32, #tpu.memory_space<vmem>>) dst(%dma_wait3A_35 : memref<6256xf32, #tpu.memory_space<hbm>>)
      tpu.yield
    }) : () -> ()
    return
  }
}

module attributes {stable_mosaic.version = 14 : i64} {
  func.func @_proj_body(%arg0: i32, %arg1: memref<4x2000x128xf32, #tpu.memory_space<vmem>>, %arg2: memref<1x128xf32, #tpu.memory_space<vmem>>, %arg3: memref<1x1xf32, #tpu.memory_space<smem>>, %arg4: memref<1x4x2000xf32, #tpu.memory_space<vmem>>) attributes {dimension_semantics = [#tpu.dimension_semantics<arbitrary>], iteration_bounds = array<i64: 50>, scalar_prefetch = 0 : i64, scratch_operands = 0 : i64, tpu.core_type = #tpu.core_type<tc>, window_params = [{transform_indices = @transform_0, window_bounds = array<i64: 4, 2000, 128>}, {pipeline_mode = #tpu.pipeline_mode<synchronous>, transform_indices = @transform_1, window_bounds = array<i64: 1, 128>}, {transform_indices = @transform_2, window_bounds = array<i64: 1, 1>}, {transform_indices = @transform_3, window_bounds = array<i64: 1, 4, 2000>}]} {
    %get3A = arith.constant 0 : index
    %get3A_0 = arith.constant 0 : index
    %get3A_1 = arith.constant 0 : index
    %get3A_2 = vector.load %arg1[%get3A, %get3A_0, %get3A_1] : memref<4x2000x128xf32, #tpu.memory_space<vmem>>, vector<4x2000x128xf32>
    %convert_element_type3A = arith.truncf %get3A_2 : vector<4x2000x128xf32> to vector<4x2000x128xbf16>
    %convert_element_type3A_3 = arith.extf %convert_element_type3A : vector<4x2000x128xbf16> to vector<4x2000x128xf32>
    %get3A_4 = arith.constant 0 : index
    %get3A_5 = arith.constant 0 : index
    %get3A_6 = vector.load %arg2[%get3A_4, %get3A_5] : memref<1x128xf32, #tpu.memory_space<vmem>>, vector<1x128xf32>
    %convert_element_type3A_7 = arith.truncf %get3A_6 : vector<1x128xf32> to vector<1x128xbf16>
    %convert_element_type3A_8 = arith.extf %convert_element_type3A_7 : vector<1x128xbf16> to vector<1x128xf32>
    %squeeze3A = vector.shape_cast %convert_element_type3A_8 : vector<1x128xf32> to vector<128xf32>
    %broadcast_in_dim3A = vector.shape_cast %squeeze3A : vector<128xf32> to vector<1x1x128xf32>
    %mul3A = vector.broadcast %broadcast_in_dim3A : vector<1x1x128xf32> to vector<4x2000x128xf32>
    %mul3A_9 = arith.mulf %convert_element_type3A_3, %mul3A : vector<4x2000x128xf32>
    %reduce_sum3A = arith.constant dense<0.000000e+00> : vector<4x2000xf32>
    %reduce_sum3A_10 = vector.multi_reduction <add>, %mul3A_9, %reduce_sum3A [2] : vector<4x2000x128xf32> to vector<4x2000xf32>
    %get3A_11 = arith.constant 0 : index
    %get3A_12 = arith.constant 0 : index
    %get3A_13 = memref.load %arg3[%get3A_11, %get3A_12] : memref<1x1xf32, #tpu.memory_space<smem>>
    %add3A = vector.broadcast %get3A_13 : f32 to vector<4x2000xf32>
    %add3A_14 = arith.addf %reduce_sum3A_10, %add3A : vector<4x2000xf32>
    %broadcast_in_dim3A_15 = vector.shape_cast %add3A_14 : vector<4x2000xf32> to vector<1x4x2000xf32>
    %swap3A = arith.constant 0 : index
    %swap3A_16 = arith.constant 0 : index
    %swap3A_17 = arith.constant 0 : index
    %swap3A_18 = vector.load %arg4[%swap3A, %swap3A_16, %swap3A_17] : memref<1x4x2000xf32, #tpu.memory_space<vmem>>, vector<1x4x2000xf32>
    tpu.vector_store %arg4[%swap3A, %swap3A_16, %swap3A_17], %broadcast_in_dim3A_15 {strides = array<i32>} : memref<1x4x2000xf32, #tpu.memory_space<vmem>>, vector<1x4x2000xf32>,
    return
  }
  func.func @transform_0(%arg0: i32) -> (i32, i32, i32) {
    %c0_i32 = arith.constant 0 : i32
    %c0_i32_0 = arith.constant 0 : i32
    %c0_i32_1 = arith.constant 0 : i32
    return %c0_i32, %arg0, %c0_i32_0 : i32, i32, i32
  }
  func.func @transform_1(%arg0: i32) -> (i32, i32) {
    %c0_i32 = arith.constant 0 : i32
    %c0_i32_0 = arith.constant 0 : i32
    %c0_i32_1 = arith.constant 0 : i32
    return %c0_i32, %c0_i32_0 : i32, i32
  }
  func.func @transform_2(%arg0: i32) -> (i32, i32) {
    %c0_i32 = arith.constant 0 : i32
    %c0_i32_0 = arith.constant 0 : i32
    %c0_i32_1 = arith.constant 0 : i32
    return %c0_i32, %c0_i32_0 : i32, i32
  }
  func.func @transform_3(%arg0: i32) -> (i32, i32, i32) {
    %c0_i32 = arith.constant 0 : i32
    %c0_i32_0 = arith.constant 0 : i32
    %c0_i32_1 = arith.constant 0 : i32
    return %arg0, %c0_i32, %c0_i32_0 : i32, i32, i32
  }
}

</mosaic_0001>

<sc_bundles>
// kernel: kernel.5.cloned.1.call-start
scs
__scs_entry_jumppad:
0x0: {  	(pc) =	sbr.rel $0x88, $3  }
0x1: {  	(tag) =	ssettag $0x0;
	lr =	simm.s32 $0x1  }
0x2: {  	[smem:$0x3F98] =	sst lr;
	_ =	strace $0xD0000000  }
0x3: {  	_ = 	snop  }
0x4: {  	_ = 	snop  }
0x5: {  	_ = 	snop  }
0x6: {  	_ = 	snop  }
0x7: {  	_ = 	snop  }
__scs_overlays_trampoline_lowered:
0x8: {  	[smem:$0x3FA7] =	sst s0  }
0x9: {  	[smem:$0x3FA8] =	sst s1  }
0xa: {  	[smem:$0x3FA9] =	sst s2  }
0xb: {  	[smem:$0x3FAA] =	sst s3  }
0xc: {  	[smem:$0x3FAB] =	sst s4  }
0xd: {  	[smem:$0x3FAC] =	sst s5  }
0xe: {  	[smem:$0x3FAD] =	sst s6  }
0xf: {  	[smem:$0x3FAE] =	sst s7  }
0x10: {  	[smem:$0x3FAF] =	sst s8  }
0x11: {  	[smem:$0x3FB0] =	sst s9;
	s0 =	simm.s32 @!p0 $0x0  }
0x12: {  	s1 =	sld [smem:$0x3F96];
	s0 =	simm.s32 @p0 $0x1  }
0x13: {  	[smem:$0x3FB1] =	sst s0;
	s0 =	simm.s32 @!p1 $0x0  }
0x14: {  	s2 =	sld [smem:$0x3F95];
	s0 =	simm.s32 @p1 $0x1  }
0x15: {  	[smem:$0x3FB2] =	sst s0;
	s0 =	simm.s32 @!p2 $0x0  }
0x16: {  	s3 =	sld [smem:$0x3FDB];
	s0 =	simm.s32 @p2 $0x1  }
0x17: {  	s4 =	simm.s32 $0x1BF5;
	[smem:$0x3FB4] =	sst s0  }
0x18: {  	s0 =	sld [smem:$0x3F97];
	_ =	swait.ge [sflag:s4], $0x0  }
0x19: {  	s7 =	sld [smem:$0x3F98]  }
0x1a: {  	s8 =	sadd.s32 $0xFFFFE003, lr  }
0x1b: {  	s9 =	sadd.s32 $0xFFFFFEF7, lr;
	s5 =	simm.s32 $0xFFFFFFFF;
	p2 =	slt.u32 s8, $0xFFFFF086  }
0x1c: {  	p1 =	slt.u32 s9, $0xF7A;
	s5 =	simm.s32 @!p2 $0x0  }
0x1d: {  	s5 =	simm.s32 @p1 $0x1;
	p0 =	seq.s32 s7, s2  }
0x1e: {  	s7 =	smul.u32 @!p0 $0xF7A, s2;
	p2 =	seq.s32 @!p0 s5, $0x0  }
0x1f: {  	s9 =	smul.u32 $0xF7A, s1;
	s8 =	simm.s32 @!p0 $0x1BF5;
	p2 =	por !p2, p0  }
0x20: {  	[sflag:s8] =	ssyncset.s32 @!p0 $0xFFFFF086;
	s6 =	sadd.s32 @!p0 s3, s7;
	s7 =	simm.s32 @!p0 $0x108  }
0x21: {  	s3 =	sadd.s32 s3, s9;
	s6 =	sadd.s32 @!p0 $0x88, s6;
	s7 =	simm.s32 @p2 $0x1082  }
0x22: {  	[simem:s7], [sflag:s8] =	dma.local @!p0 [hbm:s6], $0xF7A  }
0x23: {  	s9 =	sor.u32 $0xD0000000, s2;
	s6 =	simm.s32 $0x108;
	_ =	swait.ge @!p0 [sflag:s8], $0x0  }
0x24: {  	s3 =	sadd.s32 $0x88, s3;
	s6 =	simm.s32 @!p1 $0x1082;
	[sflag:s4] =	ssyncset.s32 $0xFFFFF086  }
0x25: {  	[simem:s6], [sflag:s4] =	dma.local [hbm:s3], $0xF7A  }
0x26: {  	[smem:$0x3F98] =	sst s1;
	(tag) =	ssettag s2;
	_ =	strace s9  }
0x27: {  	s1 =	sld [smem:$0x3FA8]  }
0x28: {  	s2 =	sld [smem:$0x3FA9]  }
0x29: {  	s4 =	sld [smem:$0x3FAB]  }
0x2a: {  	p0 =	seq.s32 s5, $0x0;
	s5 =	sld [smem:$0x3FAC]  }
0x2b: {  	s6 =	sld [smem:$0x3FAD]  }
0x2c: {  	s7 =	sld [smem:$0x3FAE]  }
0x2d: {  	s3 =	simm.s32 $0x108;
	s8 =	sld [smem:$0x3FAF]  }
0x2e: {  	s3 =	simm.s32 @!p0 $0x1082;
	s9 =	sld [smem:$0x3FB0]  }
0x2f: {  	lr =	sadd.s32 s0, s3;
	s0 =	sld [smem:$0x3FA7]  }
0x30: {  	s3 =	sld [smem:$0x3FAA]  }
0x31: {  	[smem:$0x3FB3] =	sst s10  }
0x32: {  	s10 =	sld [smem:$0x3FB1];
	_ =	sdelay $0x3  }
0x33: {  	p0 =	seq.s32 s10, $0x1;
	s10 =	sld [smem:$0x3FB3];
	_ =	sdelay $0x3  }
0x34: {  	[smem:$0x3FB3] =	sst s10  }
0x35: {  	s10 =	sld [smem:$0x3FB2];
	_ =	sdelay $0x3  }
0x36: {  	p1 =	seq.s32 s10, $0x1;
	s10 =	sld [smem:$0x3FB3];
	_ =	sdelay $0x3  }
0x37: {  	[smem:$0x3FB3] =	sst s10  }
0x38: {  	s10 =	sld [smem:$0x3FB4]  }
0x39: {  	_ = 	snop;
	(pc) =	sbr.ind lr, $3  }
0x3a: {  	_ = 	snop  }
0x3b: {  	_ = 	snop  }
0x3c: {  	p2 =	seq.s32 s10, $0x1;
	s10 =	sld [smem:$0x3FB3]  }
0x3d: {  	_ =	shalt  }
0x3e: {  	_ =	shalt  }
0x3f: {  	_ =	shalt  }
0x40: {  	_ =	shalt  }
0x41: {  	_ =	shalt  }
0x42: {  	_ =	shalt  }
0x43: {  	_ =	shalt  }
0x44: {  	_ =	shalt  }
0x45: {  	_ =	shalt  }
0x46: {  	_ =	shalt  }
0x47: {  	_ =	shalt  }
0x48: {  	_ =	shalt  }
0x49: {  	_ =	shalt  }
0x4a: {  	_ =	shalt  }
0x4b: {  	_ =	shalt  }
0x4c: {  	_ =	shalt  }
0x4d: {  	_ =	shalt  }
0x4e: {  	_ =	shalt  }
0x4f: {  	_ =	shalt  }
0x50: {  	_ =	shalt  }
0x51: {  	_ =	shalt  }
0x52: {  	_ =	shalt  }
0x53: {  	_ =	shalt  }
0x54: {  	_ =	shalt  }
0x55: {  	_ =	shalt  }
0x56: {  	_ =	shalt  }
0x57: {  	_ =	shalt  }
0x58: {  	_ =	shalt  }
0x59: {  	_ =	shalt  }
0x5a: {  	_ =	shalt  }
0x5b: {  	_ =	shalt  }
0x5c: {  	_ =	shalt  }
0x5d: {  	_ =	shalt  }
0x5e: {  	_ =	shalt  }
0x5f: {  	_ =	shalt  }
0x60: {  	_ =	shalt  }
0x61: {  	_ =	shalt  }
0x62: {  	_ =	shalt  }
0x63: {  	_ =	shalt  }
0x64: {  	_ =	shalt  }
0x65: {  	_ =	shalt  }
0x66: {  	_ =	shalt  }
0x67: {  	_ =	shalt  }
0x68: {  	_ =	shalt  }
0x69: {  	_ =	shalt  }
0x6a: {  	_ =	shalt  }
0x6b: {  	_ =	shalt  }
0x6c: {  	_ =	shalt  }
0x6d: {  	_ =	shalt  }
0x6e: {  	_ =	shalt  }
0x6f: {  	_ =	shalt  }
0x70: {  	_ =	shalt  }
0x71: {  	_ =	shalt  }
0x72: {  	_ =	shalt  }
0x73: {  	_ =	shalt  }
0x74: {  	_ =	shalt  }
0x75: {  	_ =	shalt  }
0x76: {  	_ =	shalt  }
0x77: {  	_ =	shalt  }
0x78: {  	_ =	shalt  }
0x79: {  	_ =	shalt  }
0x7a: {  	_ =	shalt  }
0x7b: {  	_ =	shalt  }
0x7c: {  	_ =	shalt  }
0x7d: {  	_ =	shalt  }
0x7e: {  	_ =	shalt  }
0x7f: {  	_ =	shalt  }
0x80: {  	_ =	shalt  }
0x81: {  	_ =	shalt  }
0x82: {  	_ =	shalt  }
0x83: {  	_ =	shalt  }
0x84: {  	_ =	shalt  }
0x85: {  	_ =	shalt  }
0x86: {  	_ =	shalt  }
0x87: {  	_ =	shalt  }
.Lfunc_end0:
.L_simem_size_0:
called_computation_lowered:
.L_overlay_start_0:
0x88: {  	s2 =	sld [smem:$0x3FD9]  }
0x89: {  	s3 =	sld [smem:$0x3FFE];
	_ =	sdelay $0x1  }
0x8a: {  	s1 =	srdreg.scid  }
0x8b: {  	s0 =	sand.u32 $0x1, s1  }
0x8c: {  	s16 =	sshll.u32 s0, $0xA;
	s2 =	sadd.s32 s3, s2  }
0x8d: {  	s2 =	sadd.s32 s2, s16  }
0x8e: {  	[smem:$0x3FBF] =	sst s2  }
0x8f: {  	_ = 	snop  }
0x90: {  	(tm) =	ssettm $0x1  }
0x91: {  	s17 =	sld [smem:$0x3FFB];
	_ =	sdelay $0x3  }
0x92: {  	_ =	strace s17  }
0x93: {  	s2 =	sld [smem:$0x3FFC];
	_ =	sdelay $0x3  }
0x94: {  	_ =	strace s2  }
0x95: {  	s2 =	sld [smem:$0x3FFD];
	_ =	sdelay $0x3  }
0x96: {  	_ =	strace s2  }
0x97: {  	_ =	strace $0x8FFFFFFF  }
0x98: {  	s18 =	sld [smem:$0x3FDB];
	_ =	sdelay $0x1  }
0x99: {  	s19 =	simm.s32 $_scs_section_size  }
0x9a: {  	s4 =	simm.s32 $_size__tile_overlayer_lowered;
	s5 =	simm.s32 $_tile_overlayer_lowered  }
0x9b: {  	s22 =	simm.s32 $0x1BFF;
	s21 =	sshll.u32 s5, $0x1;
	s2 =	sadd.s32 s19, s18  }
0x9c: {  	s6 =	simm.s32 $0x0;
	s20 =	sshll.u32 s4, $0x1;
	s4 =	sadd.s32 s21, s2  }
0x9d: {  	[timem:s6], [sflag:s22] =	dma.local [hbm:s4], s20  }
0x9e: {  	_ =	swait.ge [sflag:s22], s20  }
0x9f: {  	s3 =	ssub.s32 $0x0, s20;
	[sflag:s22] =	ssyncset.done $0x0  }
0xa0: {  	[sflag:s22] =	ssyncadd.s32 s3;
	_ =	sdelay $0x1  }
0xa1: {  	s23 =	simm.s32 $0x1B8B  }
0xa2: {  	_ =	swait.ge [sflag:s23], $0x1  }
0xa3: {  	[sflag:s23] =	ssyncset.done $0x0  }
0xa4: {  	s25 =	simm.s32 $0x1B8E;
	s24 =	sld [smem:$0x3FFE];
	[sflag:s23] =	ssyncadd.s32 $0xFFFFFFFF  }
0xa5: {  	s26 =	simm.s32 $execute0_lowered;
	[smem:$0x3FD2] =	sst s25  }
0xa6: {  	s4 =	sshll.u32 s26, $0x1;
	_ =	strace $0x80000046;
	[dreg:$0x1] =	wrdreg $0xFFFFFFFF  }
0xa7: {  	s28 =	simm.s32 $_size_execute0_lowered;
	s2 =	sadd.s32 s2, s4;
	[dreg:$0x0] =	wrdreg $0x0  }
0xa8: {  	s4 =	sshll.u32 s28, $0x1;
	[dreg:$0x2] =	wrdreg s2  }
0xa9: {  	[dreg:$0x3] =	wrdreg s4  }
0xaa: {  	[dreg:$0x4] =	wrdreg $0xC0  }
0xab: {  	_ =	task [dreg:s6], $0x5FFFF  }
0xac: {  	[dreg:$0x1] =	wrdreg $0xFFFFFFFF  }
0xad: {  	[dreg:$0x0] =	wrdreg $0x60  }
0xae: {  	[dreg:$0x2] =	wrdreg s24  }
0xaf: {  	[dreg:$0x3] =	wrdreg $0x0  }
0xb0: {  	[dreg:$0x4] =	wrdreg $0x9  }
0xb1: {  	_ =	task.clear_ibuf [dreg:s6], $0x5FFFF;
	_ =	strace $0x90000046  }
0xb2: {  	s29 =	simm.s32 $0x9;
	_ =	strace $0x80000048  }
0xb3: {  	_ =	swait.ge [sflag:s29], $0x1  }
0xb4: {  	[sflag:s29] =	ssyncadd.s32 $0xFFFFFFFF  }
0xb5: {  	_ =	strace $0x90000048  }
0xb6: {  	_ =	sfence  }
0xb7: {  	s30 =	sld [smem:$0x0];
	_ =	sdelay $0x2  }
0xb8: {  	s31 =	sshll.u32 s1, $0xD;
	s1 =	sshrl.u32 s1, $0x2  }
0xb9: {  	s3 =	sand.u32 $0x4000, s31;
	s1 =	sadd.s32 s1, s30  }
0xba: {  	s0 =	sor.u32 s3, s0;
	s1 =	sshll.u32 s1, $0x11  }
0xbb: {  	s0 =	sor.u32 s1, s0  }
0xbc: {  	s0 =	sadd.s32 $0x8F2B, s0  }
0xbd: {  	[sflag:s0] =	ssyncadd.remote.s32 $0x1  }
0xbe: {  	_ =	sfence.sel $0xFFFF  }
0xbf: {  	[dreg:$0x0] =	wrdreg $0xFFFFFFFF;
	(pc) =	sbr.abs _section_cstart, $3  }
0xc0: {  	[dreg:$0x1] =	wrdreg $0xFFFFFFFF  }
0xc1: {  	_ =	task.clear_ibuf [dreg:s6], $0x2FFFF;
	_ =	strace $0x9FFFFFFF  }
0xc2: {  	(tm) =	ssettm $0x7FFFFFFF  }
0xc3: {  	_ =	shalt  }
tec
execute0_lowered:
.L_overlay_start_1:
0x0: {  	(tag) =	ssettag $0x1  }
0x1: {  	s6 =	rddreg [dreg:$0x0]  }
0x2: {  	s2 =	rddreg [dreg:$0x1]  }
0x3: {  	s0 =	rddreg [dreg:$0x2]  }
0x4: {  	s3 =	simm.s32 $0x0;
	s4 =	srdreg.scid;
	s1 =	stileid.u32  }
0x5: {  	s15 =	simm.s32 $0x3;
	s16 =	simm.s32 $0x5308;
	s17 =	simm.s32 $0x1870  }
0x6: {  	s18 =	simm.s32 $0x1;
	s19 =	simm.s32 $0x2BF8;
	s20 =	simm.s32 $0x1388  }
0x7: {  	s21 =	simm.s32 $0x2;
	s22 =	simm.s32 $0x0;
	[smem:$0x7FF] =	sst s3  }
0x8: {  	s7 =	sand.u32 $0x1, s4;
	s8 =	smul.u32 $0x1870, s1;
	s13 =	sadd.s32 $0xA00, s6  }
0x9: {  	s4 =	sadd.s32 $0xC4200, s6;
	s5 =	sadd.s32 $0xC4600, s6;
	s14 =	smul.u32 $0x186A0, s1  }
0xa: {  	_ =	strace $0x80000047;
	s9 =	smul.u32 $0x18700, s7;
	s10 =	sshll.u32 s7, $0x4  }
0xb: {  	s11 =	ssub.s32 $0x2, s7;
	s12 =	smul.u32 $0x186A00, s7;
	s10 =	sor.u32 s1, s10  }
0xc: {  	s28 =	sshrl.u32 s11, $0x1;
	s9 =	sadd.s32 s8, s9;
	s10 =	smul.u32 $0x186A0, s10  }
0xd: {  	s11 =	ssub.s32 s11, s28;
	s30 =	sadd.s32 s14, s12;
	s9 =	sshrl.u32 s9, $0x3  }
0xe: {  	s14 =	simm.s32 $0x3F80;
	s12 =	sadd.s32 $0x4E20, s30;
	s9 =	sadd.s32 s9, s6  }
.Ltmp0:
0xf: {  	s29 =	sshrl.u32 s10, $0x3;
	s6 =	sadd.s32 s8, s2;
	(pc) =	sbr.rel .LBB2_1-.Ltmp0, $4  }
0x10: {  	s10 =	sadd.s32 $0x1388, s10;
	s12 =	sshrl.u32 s12, $0x3;
	s7 =	sadd.s32 s13, s29  }
0x11: {  	s8 =	sadd.s32 $0xC4A00, s9;
	s9 =	smax.u32 s11, $0x1;
	s11 =	sadd.s32 $0x3A98, s30  }
0x12: {  	s10 =	sshrl.u32 s10, $0x3;
	s12 =	sadd.s32 s12, s13;
	s31 =	sshrl.u32 s11, $0x3  }
0x13: {  	s10 =	sadd.s32 s13, s10;
	s11 =	sadd.s32 $0x4E2, s7;
	s13 =	sadd.s32 s31, s13  }
.LBB2_4:
0x14: {  	[spmem:s2] =	stream.indirect.scatter.add.f32 [tilespmem:s14], [sflag:$0x2], $0x1, s19, s20, $0xb8;
	[tilespmem:$0x6B78] =	vst v63  }
0x15: {  	_ =	swait.ge [sflag:s21], $0x1388  }
0x16: {  	[sflag:s21] =	ssyncset.done $0x0  }
0x17: {  	[sflag:s21] =	ssyncadd.s32 $0xFFFFEC78  }
0x18: {  	[bflag:$0x0] =	sbarrier.arrive $0xFFFF  }
0x19: {  	[tilespmem:s16], [sflag:$0x3] =	stream.linear.gather [spmem:s6], $0x1870, $0x38;
	[tilespmem:$0x6B78] =	vst v63  }
0x1a: {  	s22 =	sadd.s32 $0x1, s22;
	_ =	swait.ge [sflag:s15], $0x1870  }
0x1b: {  	p0 =	sne.s32 s22, s9;
	[sflag:s15] =	ssyncset.done $0x0  }
.Ltmp1:
0x1c: {  	[sflag:s15] =	ssyncadd.s32 $0xFFFFE790;
	(pc) =	sbr.rel @!p0 .LBB2_5-.Ltmp1, $4  }
0x1d: {  	[hbm4b:s8+s3] =	stream.linear.scatter [tilespmem:s16], [sflag:$0x3], $0x1870, $0x38;
	[tilespmem:$0x6B78] =	vst v63  }
0x1e: {  	_ =	swait.ge [sflag:s15], $0x1870  }
0x1f: {  	[sflag:s15] =	ssyncset.done $0x0  }
0x20: {  	[sflag:s15] =	ssyncadd.s32 $0xFFFFE790  }
.LBB2_1:
0x21: {  	[tilespmem:s14], [sflag:$0x3] =	stream.linear.gather [hbm4b:s4+s3], $0x1388, $0x38;
	[tilespmem:$0x6B78] =	vst v63  }
0x22: {  	_ =	swait.ge [sflag:s15], $0x1388  }
0x23: {  	[sflag:s15] =	ssyncset.done $0x0  }
0x24: {  	[sflag:s15] =	ssyncadd.s32 $0xFFFFEC78  }
0x25: {  	[tilespmem:s16], [sflag:$0x3] =	stream.linear.gather [hbm4b:s5+s3], $0x1870, $0x38;
	[tilespmem:$0x6B78] =	vst v63  }
0x26: {  	_ =	swait.ge [sflag:s15], $0x1870  }
0x27: {  	[sflag:s15] =	ssyncset.done $0x0  }
0x28: {  	[sflag:s15] =	ssyncadd.s32 $0xFFFFE790  }
0x29: {  	[spmem:s6] =	stream.linear.scatter [tilespmem:s16], [sflag:$0x3], $0x1870, $0x38;
	[tilespmem:$0x6B78] =	vst v63  }
0x2a: {  	_ =	swait.ge [sflag:s15], $0x1870  }
0x2b: {  	[sflag:s15] =	ssyncset.done $0x0  }
0x2c: {  	[sflag:s15] =	ssyncadd.s32 $0xFFFFE790  }
0x2d: {  	[bflag:$0x0] =	sbarrier.arrive $0xFFFF  }
0x2e: {  	[tilespmem:s17], [sflag:$0x1] =	stream.linear.gather [hbm4b:s7+s3], $0x1388, $0x38;
	[tilespmem:$0x6B78] =	vst v63  }
0x2f: {  	_ =	swait.ge [sflag:s18], $0x1388  }
0x30: {  	[sflag:s18] =	ssyncset.done $0x0  }
0x31: {  	[sflag:s18] =	ssyncadd.s32 $0xFFFFEC78  }
0x32: {  	[tilespmem:s19], [sflag:$0x1] =	stream.linear.gather [hbm4b:s10+s3], $0x1388, $0x38;
	[tilespmem:$0x6B78] =	vst v63  }
0x33: {  	_ = 	snop  }
0x34: {  	[spmem:s2] =	stream.indirect.scatter.add.f32 [tilespmem:s14], [sflag:$0x2], $0x1, s17, s20, $0xb8;
	[tilespmem:$0x6B78] =	vst v63  }
0x35: {  	_ =	swait.ge [sflag:s18], $0x1388  }
0x36: {  	[sflag:s18] =	ssyncset.done $0x0  }
0x37: {  	[sflag:s18] =	ssyncadd.s32 $0xFFFFEC78  }
0x38: {  	_ =	swait.ge [sflag:s21], $0x1388  }
0x39: {  	[sflag:s21] =	ssyncset.done $0x0  }
0x3a: {  	[sflag:s21] =	ssyncadd.s32 $0xFFFFEC78  }
0x3b: {  	[tilespmem:s17], [sflag:$0x1] =	stream.linear.gather [hbm4b:s11+s3], $0x1388, $0x38;
	[tilespmem:$0x6B78] =	vst v63  }
0x3c: {  	s23 =	simm.s32 $0x0  }
0x3d: {  	[spmem:s2] =	stream.indirect.scatter.add.f32 [tilespmem:s14], [sflag:$0x2], $0x1, s19, s20, $0xb8;
	[tilespmem:$0x6B78] =	vst v63  }
.LBB2_2:
0x3e: {  	_ =	swait.ge [sflag:s18], $0x1388  }
0x3f: {  	[sflag:s18] =	ssyncset.done $0x0  }
0x40: {  	[sflag:s18] =	ssyncadd.s32 $0xFFFFEC78  }
0x41: {  	_ =	swait.ge [sflag:s21], $0x1388  }
0x42: {  	[sflag:s21] =	ssyncset.done $0x0  }
0x43: {  	s24 =	sadd.s32 s23, s13;
	[sflag:s21] =	ssyncadd.s32 $0xFFFFEC78  }
0x44: {  	[tilespmem:s19], [sflag:$0x1] =	stream.linear.gather [hbm4b:s24+s3], $0x1388, $0x38;
	[tilespmem:$0x6B78] =	vst v63  }
0x45: {  	_ = 	snop  }
0x46: {  	[spmem:s2] =	stream.indirect.scatter.add.f32 [tilespmem:s14], [sflag:$0x2], $0x1, s17, s20, $0xb8;
	[tilespmem:$0x6B78] =	vst v63  }
0x47: {  	p0 =	seq.s32 s23, $0x2710;
	_ =	swait.ge [sflag:s18], $0x1388  }
.Ltmp2:
0x48: {  	[sflag:s18] =	ssyncset.done $0x0;
	(pc) =	sbr.rel @p0 .LBB2_4-.Ltmp2, $4  }
0x49: {  	[sflag:s18] =	ssyncadd.s32 $0xFFFFEC78  }
0x4a: {  	_ =	swait.ge [sflag:s21], $0x1388  }
0x4b: {  	[sflag:s21] =	ssyncset.done $0x0  }
0x4c: {  	[sflag:s21] =	ssyncadd.s32 $0xFFFFEC78  }
.Ltmp3:
0x4d: {  	(pc) =	sbr.rel .LBB2_2-.Ltmp3, $4  }
0x4e: {  	s24 =	sadd.s32 s23, s12  }
0x4f: {  	[tilespmem:s17], [sflag:$0x1] =	stream.linear.gather [hbm4b:s24+s3], $0x1388, $0x38;
	[tilespmem:$0x6B78] =	vst v63  }
0x50: {  	s23 =	sadd.s32 $0x4E2, s23  }
0x51: {  	[spmem:s2] =	stream.indirect.scatter.add.f32 [tilespmem:s14], [sflag:$0x2], $0x1, s19, s20, $0xb8;
	[tilespmem:$0x6B78] =	vst v63  }
.LBB2_5:
0x52: {  	_ =	sfence.sel $0x180000  }
0x53: {  	[bflag:$0x0] =	sbarrier.arrive $0xFFFF  }
0x54: {  	p0 =	sne.s32 s1, $0x0;
	_ =	strace $0x90000047  }
0x55: {  	s0 =	sadd.s32 @!p0 $0x100000, s0;
	[bflag:$0x2] =	sbarrier.arrive $0xFFFF  }
0x56: {  	[sflag:s0] =	ssyncadd.tile.s32 @!p0 $0x1;
	_ =	shalt  }
.Lfunc_end2:
_tile_overlayer_lowered:
.L_overlay_start_2:
0x57: {  	(tag) =	ssettag $0x2  }
0x58: {  	s0 =	rddreg [dreg:$0x0];
	s2 =	stileid.u32  }
0x59: {  	s1 =	rddreg [dreg:$0x1];
	p0 =	sne.s32 s2, $0x0  }
0x5a: {  	s3 =	rddreg [dreg:$0x2];
	[bflag:$0x3] =	sbarrier.arrive $0xFFFF;
	s2 =	simm.s32 @!p0 $0x1C03  }
0x5b: {  	[timem:s3], [sflag:s2] =	dma.local @!p0 [hbm:s0], s1  }
0x5c: {  	s0 =	simm.s32 @!p0 $0x3  }
0x5d: {  	_ =	swait.ge @!p0 [sflag:s0], s1  }
0x5e: {  	s1 =	ssub.s32 @!p0 $0x0, s1;
	[sflag:s0] =	ssyncset.done @!p0 $0x0  }
0x5f: {  	[sflag:s0] =	ssyncadd.s32 @!p0 s1  }
0x60: {  	[bflag:$0x3] =	sbarrier.arrive $0xFFFF  }
0x61: {  	_ =	shalt  }

// kernel: kernel.8.cloned.1.call-start
scs
__scs_entry_jumppad:
0x0: {  	(pc) =	sbr.rel $0x88, $3  }
0x1: {  	(tag) =	ssettag $0x0;
	lr =	simm.s32 $0x1  }
0x2: {  	[smem:$0x3F98] =	sst lr;
	_ =	strace $0xD0000000  }
0x3: {  	_ = 	snop  }
0x4: {  	_ = 	snop  }
0x5: {  	_ = 	snop  }
0x6: {  	_ = 	snop  }
0x7: {  	_ = 	snop  }
__scs_overlays_trampoline_lowered:
0x8: {  	[smem:$0x3FA7] =	sst s0  }
0x9: {  	[smem:$0x3FA8] =	sst s1  }
0xa: {  	[smem:$0x3FA9] =	sst s2  }
0xb: {  	[smem:$0x3FAA] =	sst s3  }
0xc: {  	[smem:$0x3FAB] =	sst s4  }
0xd: {  	[smem:$0x3FAC] =	sst s5  }
0xe: {  	[smem:$0x3FAD] =	sst s6  }
0xf: {  	[smem:$0x3FAE] =	sst s7  }
0x10: {  	[smem:$0x3FAF] =	sst s8  }
0x11: {  	[smem:$0x3FB0] =	sst s9;
	s0 =	simm.s32 @!p0 $0x0  }
0x12: {  	s1 =	sld [smem:$0x3F96];
	s0 =	simm.s32 @p0 $0x1  }
0x13: {  	[smem:$0x3FB1] =	sst s0;
	s0 =	simm.s32 @!p1 $0x0  }
0x14: {  	s2 =	sld [smem:$0x3F95];
	s0 =	simm.s32 @p1 $0x1  }
0x15: {  	[smem:$0x3FB2] =	sst s0;
	s0 =	simm.s32 @!p2 $0x0  }
0x16: {  	s3 =	sld [smem:$0x3FDB];
	s0 =	simm.s32 @p2 $0x1  }
0x17: {  	s4 =	simm.s32 $0x1BF5;
	[smem:$0x3FB4] =	sst s0  }
0x18: {  	s0 =	sld [smem:$0x3F97];
	_ =	swait.ge [sflag:s4], $0x0  }
0x19: {  	s7 =	sld [smem:$0x3F98]  }
0x1a: {  	s8 =	sadd.s32 $0xFFFFE003, lr  }
0x1b: {  	s9 =	sadd.s32 $0xFFFFFEF7, lr;
	s5 =	simm.s32 $0xFFFFFFFF;
	p2 =	slt.u32 s8, $0xFFFFF086  }
0x1c: {  	p1 =	slt.u32 s9, $0xF7A;
	s5 =	simm.s32 @!p2 $0x0  }
0x1d: {  	s5 =	simm.s32 @p1 $0x1;
	p0 =	seq.s32 s7, s2  }
0x1e: {  	s7 =	smul.u32 @!p0 $0xF7A, s2;
	p2 =	seq.s32 @!p0 s5, $0x0  }
0x1f: {  	s9 =	smul.u32 $0xF7A, s1;
	s8 =	simm.s32 @!p0 $0x1BF5;
	p2 =	por !p2, p0  }
0x20: {  	[sflag:s8] =	ssyncset.s32 @!p0 $0xFFFFF086;
	s6 =	sadd.s32 @!p0 s3, s7;
	s7 =	simm.s32 @!p0 $0x108  }
0x21: {  	s3 =	sadd.s32 s3, s9;
	s6 =	sadd.s32 @!p0 $0x88, s6;
	s7 =	simm.s32 @p2 $0x1082  }
0x22: {  	[simem:s7], [sflag:s8] =	dma.local @!p0 [hbm:s6], $0xF7A  }
0x23: {  	s9 =	sor.u32 $0xD0000000, s2;
	s6 =	simm.s32 $0x108;
	_ =	swait.ge @!p0 [sflag:s8], $0x0  }
0x24: {  	s3 =	sadd.s32 $0x88, s3;
	s6 =	simm.s32 @!p1 $0x1082;
	[sflag:s4] =	ssyncset.s32 $0xFFFFF086  }
0x25: {  	[simem:s6], [sflag:s4] =	dma.local [hbm:s3], $0xF7A  }
0x26: {  	[smem:$0x3F98] =	sst s1;
	(tag) =	ssettag s2;
	_ =	strace s9  }
0x27: {  	s1 =	sld [smem:$0x3FA8]  }
0x28: {  	s2 =	sld [smem:$0x3FA9]  }
0x29: {  	s4 =	sld [smem:$0x3FAB]  }
0x2a: {  	p0 =	seq.s32 s5, $0x0;
	s5 =	sld [smem:$0x3FAC]  }
0x2b: {  	s6 =	sld [smem:$0x3FAD]  }
0x2c: {  	s7 =	sld [smem:$0x3FAE]  }
0x2d: {  	s3 =	simm.s32 $0x108;
	s8 =	sld [smem:$0x3FAF]  }
0x2e: {  	s3 =	simm.s32 @!p0 $0x1082;
	s9 =	sld [smem:$0x3FB0]  }
0x2f: {  	lr =	sadd.s32 s0, s3;
	s0 =	sld [smem:$0x3FA7]  }
0x30: {  	s3 =	sld [smem:$0x3FAA]  }
0x31: {  	[smem:$0x3FB3] =	sst s10  }
0x32: {  	s10 =	sld [smem:$0x3FB1];
	_ =	sdelay $0x3  }
0x33: {  	p0 =	seq.s32 s10, $0x1;
	s10 =	sld [smem:$0x3FB3];
	_ =	sdelay $0x3  }
0x34: {  	[smem:$0x3FB3] =	sst s10  }
0x35: {  	s10 =	sld [smem:$0x3FB2];
	_ =	sdelay $0x3  }
0x36: {  	p1 =	seq.s32 s10, $0x1;
	s10 =	sld [smem:$0x3FB3];
	_ =	sdelay $0x3  }
0x37: {  	[smem:$0x3FB3] =	sst s10  }
0x38: {  	s10 =	sld [smem:$0x3FB4]  }
0x39: {  	_ = 	snop;
	(pc) =	sbr.ind lr, $3  }
0x3a: {  	_ = 	snop  }
0x3b: {  	_ = 	snop  }
0x3c: {  	p2 =	seq.s32 s10, $0x1;
	s10 =	sld [smem:$0x3FB3]  }
0x3d: {  	_ =	shalt  }
0x3e: {  	_ =	shalt  }
0x3f: {  	_ =	shalt  }
0x40: {  	_ =	shalt  }
0x41: {  	_ =	shalt  }
0x42: {  	_ =	shalt  }
0x43: {  	_ =	shalt  }
0x44: {  	_ =	shalt  }
0x45: {  	_ =	shalt  }
0x46: {  	_ =	shalt  }
0x47: {  	_ =	shalt  }
0x48: {  	_ =	shalt  }
0x49: {  	_ =	shalt  }
0x4a: {  	_ =	shalt  }
0x4b: {  	_ =	shalt  }
0x4c: {  	_ =	shalt  }
0x4d: {  	_ =	shalt  }
0x4e: {  	_ =	shalt  }
0x4f: {  	_ =	shalt  }
0x50: {  	_ =	shalt  }
0x51: {  	_ =	shalt  }
0x52: {  	_ =	shalt  }
0x53: {  	_ =	shalt  }
0x54: {  	_ =	shalt  }
0x55: {  	_ =	shalt  }
0x56: {  	_ =	shalt  }
0x57: {  	_ =	shalt  }
0x58: {  	_ =	shalt  }
0x59: {  	_ =	shalt  }
0x5a: {  	_ =	shalt  }
0x5b: {  	_ =	shalt  }
0x5c: {  	_ =	shalt  }
0x5d: {  	_ =	shalt  }
0x5e: {  	_ =	shalt  }
0x5f: {  	_ =	shalt  }
0x60: {  	_ =	shalt  }
0x61: {  	_ =	shalt  }
0x62: {  	_ =	shalt  }
0x63: {  	_ =	shalt  }
0x64: {  	_ =	shalt  }
0x65: {  	_ =	shalt  }
0x66: {  	_ =	shalt  }
0x67: {  	_ =	shalt  }
0x68: {  	_ =	shalt  }
0x69: {  	_ =	shalt  }
0x6a: {  	_ =	shalt  }
0x6b: {  	_ =	shalt  }
0x6c: {  	_ =	shalt  }
0x6d: {  	_ =	shalt  }
0x6e: {  	_ =	shalt  }
0x6f: {  	_ =	shalt  }
0x70: {  	_ =	shalt  }
0x71: {  	_ =	shalt  }
0x72: {  	_ =	shalt  }
0x73: {  	_ =	shalt  }
0x74: {  	_ =	shalt  }
0x75: {  	_ =	shalt  }
0x76: {  	_ =	shalt  }
0x77: {  	_ =	shalt  }
0x78: {  	_ =	shalt  }
0x79: {  	_ =	shalt  }
0x7a: {  	_ =	shalt  }
0x7b: {  	_ =	shalt  }
0x7c: {  	_ =	shalt  }
0x7d: {  	_ =	shalt  }
0x7e: {  	_ =	shalt  }
0x7f: {  	_ =	shalt  }
0x80: {  	_ =	shalt  }
0x81: {  	_ =	shalt  }
0x82: {  	_ =	shalt  }
0x83: {  	_ =	shalt  }
0x84: {  	_ =	shalt  }
0x85: {  	_ =	shalt  }
0x86: {  	_ =	shalt  }
0x87: {  	_ =	shalt  }
.Lfunc_end0:
.L_simem_size_0:
called_computation.1_lowered:
.L_overlay_start_0:
0x88: {  	s2 =	sld [smem:$0x3FD9]  }
0x89: {  	s3 =	sld [smem:$0x3FFE];
	_ =	sdelay $0x1  }
0x8a: {  	s1 =	srdreg.scid  }
0x8b: {  	s0 =	sand.u32 $0x1, s1  }
0x8c: {  	s16 =	sshll.u32 s0, $0xA;
	s2 =	sadd.s32 s3, s2  }
0x8d: {  	s2 =	sadd.s32 s2, s16  }
0x8e: {  	[smem:$0x3FBF] =	sst s2  }
0x8f: {  	_ = 	snop  }
0x90: {  	(tm) =	ssettm $0x1  }
0x91: {  	s17 =	sld [smem:$0x3FFB];
	_ =	sdelay $0x3  }
0x92: {  	_ =	strace s17  }
0x93: {  	s2 =	sld [smem:$0x3FFC];
	_ =	sdelay $0x3  }
0x94: {  	_ =	strace s2  }
0x95: {  	s2 =	sld [smem:$0x3FFD];
	_ =	sdelay $0x3  }
0x96: {  	_ =	strace s2  }
0x97: {  	_ =	strace $0x8FFFFFFF  }
0x98: {  	s18 =	sld [smem:$0x3FDB];
	_ =	sdelay $0x1  }
0x99: {  	s19 =	simm.s32 $_scs_section_size  }
0x9a: {  	s4 =	simm.s32 $_size__tile_overlayer_lowered;
	s5 =	simm.s32 $_tile_overlayer_lowered  }
0x9b: {  	s22 =	simm.s32 $0x1BFF;
	s21 =	sshll.u32 s5, $0x1;
	s2 =	sadd.s32 s19, s18  }
0x9c: {  	s6 =	simm.s32 $0x0;
	s20 =	sshll.u32 s4, $0x1;
	s4 =	sadd.s32 s21, s2  }
0x9d: {  	[timem:s6], [sflag:s22] =	dma.local [hbm:s4], s20  }
0x9e: {  	_ =	swait.ge [sflag:s22], s20  }
0x9f: {  	s3 =	ssub.s32 $0x0, s20;
	[sflag:s22] =	ssyncset.done $0x0  }
0xa0: {  	[sflag:s22] =	ssyncadd.s32 s3;
	_ =	sdelay $0x1  }
0xa1: {  	s23 =	simm.s32 $0x1B8B  }
0xa2: {  	_ =	swait.ge [sflag:s23], $0x1  }
0xa3: {  	[sflag:s23] =	ssyncset.done $0x0  }
0xa4: {  	s25 =	simm.s32 $0x1B8E;
	s24 =	sld [smem:$0x3FFE];
	[sflag:s23] =	ssyncadd.s32 $0xFFFFFFFF  }
0xa5: {  	s26 =	simm.s32 $execute0_lowered;
	[smem:$0x3FD2] =	sst s25  }
0xa6: {  	s4 =	sshll.u32 s26, $0x1;
	_ =	strace $0x80000049;
	[dreg:$0x1] =	wrdreg $0xFFFFFFFF  }
0xa7: {  	s28 =	simm.s32 $_size_execute0_lowered;
	s2 =	sadd.s32 s2, s4;
	[dreg:$0x0] =	wrdreg $0x0  }
0xa8: {  	s4 =	sshll.u32 s28, $0x1;
	[dreg:$0x2] =	wrdreg s2  }
0xa9: {  	[dreg:$0x3] =	wrdreg s4  }
0xaa: {  	[dreg:$0x4] =	wrdreg $0xC0  }
0xab: {  	_ =	task [dreg:s6], $0x5FFFF  }
0xac: {  	[dreg:$0x1] =	wrdreg $0xFFFFFFFF  }
0xad: {  	[dreg:$0x0] =	wrdreg $0x60  }
0xae: {  	[dreg:$0x2] =	wrdreg s24  }
0xaf: {  	[dreg:$0x3] =	wrdreg $0x0  }
0xb0: {  	[dreg:$0x4] =	wrdreg $0x18700  }
0xb1: {  	[dreg:$0x5] =	wrdreg $0x30E00  }
0xb2: {  	[dreg:$0x6] =	wrdreg $0x49500  }
0xb3: {  	[dreg:$0x7] =	wrdreg $0x9  }
0xb4: {  	_ =	task.clear_ibuf [dreg:s6], $0x8FFFF;
	_ =	strace $0x90000049  }
0xb5: {  	s29 =	simm.s32 $0x9;
	_ =	strace $0x8000004B  }
0xb6: {  	_ =	swait.ge [sflag:s29], $0x1  }
0xb7: {  	[sflag:s29] =	ssyncadd.s32 $0xFFFFFFFF  }
0xb8: {  	_ =	strace $0x9000004B  }
0xb9: {  	_ =	sfence  }
0xba: {  	s30 =	sld [smem:$0x0];
	_ =	sdelay $0x2  }
0xbb: {  	s31 =	sshll.u32 s1, $0xD;
	s1 =	sshrl.u32 s1, $0x2  }
0xbc: {  	s3 =	sand.u32 $0x4000, s31;
	s1 =	sadd.s32 s1, s30  }
0xbd: {  	s0 =	sor.u32 s3, s0;
	s1 =	sshll.u32 s1, $0x11  }
0xbe: {  	s0 =	sor.u32 s1, s0  }
0xbf: {  	s0 =	sadd.s32 $0x8F2B, s0  }
0xc0: {  	[sflag:s0] =	ssyncadd.remote.s32 $0x1  }
0xc1: {  	_ =	sfence.sel $0xFFFF  }
0xc2: {  	[dreg:$0x0] =	wrdreg $0xFFFFFFFF;
	(pc) =	sbr.abs _section_cstart, $3  }
0xc3: {  	[dreg:$0x1] =	wrdreg $0xFFFFFFFF  }
0xc4: {  	_ =	task.clear_ibuf [dreg:s6], $0x2FFFF;
	_ =	strace $0x9FFFFFFF  }
0xc5: {  	(tm) =	ssettm $0x7FFFFFFF  }
tec
execute0_lowered:
.L_overlay_start_1:
0x0: {  	(tag) =	ssettag $0x1  }
0x1: {  	s0 =	rddreg [dreg:$0x0]  }
0x2: {  	s1 =	rddreg [dreg:$0x1]  }
0x3: {  	s3 =	rddreg [dreg:$0x2]  }
0x4: {  	s2 =	srdreg.scid;
	s4 =	rddreg [dreg:$0x3]  }
0x5: {  	s18 =	stileid.u32;
	s5 =	rddreg [dreg:$0x4];
	s6 =	simm.s32 $0x0  }
0x6: {  	s28 =	simm.s32 $0x1;
	s31 =	simm.s32 $0x1388;
	s2 =	sand.u32 $0x1, s2  }
0x7: {  	s7 =	smul.u32 $0x1870, s18;
	[smem:$0x7FF] =	sst s6;
	s9 =	sadd.s32 $0x62600, s0  }
0x8: {  	s10 =	sadd.s32 $0xA00, s0;
	s12 =	sadd.s32 $0xD7000, s0;
	s26 =	smul.u32 $0x61A8, s18  }
0x9: {  	s13 =	sadd.s32 $0xC4600, s0;
	s17 =	sshll.u32 s18, $0x1;
	s8 =	smul.u32 $0x30E00, s2  }
0xa: {  	_ =	strace $0x8000004A;
	[dreg:$0x6] =	wrdreg s12;
	s16 =	ssub.s32 $0x2, s2  }
0xb: {  	[dreg:$0x7] =	wrdreg s13;
	s2 =	sshll.u32 s2, $0x5;
	s11 =	sshrl.u32 s7, $0x3  }
0xc: {  	s14 =	sshrl.u32 s16, $0x1;
	s21 =	sadd.s32 s7, s1;
	s22 =	sadd.s32 s7, s3  }
0xd: {  	s15 =	sadd.s32 s7, s5;
	s8 =	sadd.s32 s7, s8;
	[dreg:$0xb] =	wrdreg s21  }
0xe: {  	s11 =	sadd.s32 s11, s0;
	s16 =	ssub.s32 s16, s14;
	[dreg:$0xc] =	wrdreg s22  }
0xf: {  	s14 =	sadd.s32 s7, s4;
	s22 =	sadd.s32 s26, s10;
	s7 =	simm.s32 $0xAFE0  }
0x10: {  	s21 =	simm.s32 $0x0;
	s8 =	sshrl.u32 s8, $0x3;
	s19 =	sadd.s32 $0xD7200, s11  }
0x11: {  	s23 =	sadd.s32 $0xC4A00, s11;
	s24 =	sadd.s32 $0xC7AE0, s11;
	[dreg:$0x8] =	wrdreg s19  }
0x12: {  	s30 =	smax.u32 s16, $0x1;
	s11 =	simm.s32 $0x2;
	[dreg:$0xd] =	wrdreg s23  }
0x13: {  	s16 =	simm.s32 $0xC368;
	s8 =	sadd.s32 s8, s0;
	[dreg:$0xe] =	wrdreg s24  }
0x14: {  	s0 =	sadd.s32 s17, s0;
	s17 =	smul.u32 $0x30D40, s18;
	[dreg:$0x11] =	wrdreg s30  }
0x15: {  	s23 =	sadd.s32 s26, s9;
	s26 =	simm.s32 $0x17830;
	s20 =	sadd.s32 $0xCAC00, s8  }
0x16: {  	s24 =	simm.s32 $0x88D0;
	s8 =	sadd.s32 $0xCDCE0, s8;
	[dreg:$0x9] =	wrdreg s20  }
0x17: {  	s0 =	sadd.s32 s2, s0;
	[dreg:$0xa] =	wrdreg s8;
	s25 =	sshrl.u32 s17, $0x3  }
0x18: {  	s0 =	sadd.s32 $0xC4200, s0;
	s8 =	simm.s32 $0xD6F0;
	s17 =	simm.s32 $0xEA78  }
0x19: {  	s20 =	simm.s32 $0x3;
	s29 =	sadd.s32 s9, s25;
	s19 =	sadd.s32 s10, s25  }
0x1a: {  	[dreg:$0x10] =	wrdreg s0;
	s25 =	simm.s32 $0x4;
	s0 =	simm.s32 $0x61C0  }
0x1b: {  	vm0 =	vcmask $0x704;
	vm1 =	vcmask $0x3F04;
	s9 =	simm.s32 $0x7548;
	s10 =	simm.s32 $0x9C58;
	[dreg:$0xf] =	wrdreg s29  }
.LBB2_1:
0x1c: {  	s2 =	rddreg [dreg:$0x6];
	s12 =	simm.s32 $0x1A910  }
0x1d: {  	[tilespmem:s12], [sflag:$0x4] =	stream.linear.gather [hbm4b:s2+s6], $0x90, $0x38;
	[tilespmem:$0x1A9B0] =	vst v63  }
0x1e: {  	_ =	swait.ge [sflag:s25], $0x90  }
0x1f: {  	[sflag:s25] =	ssyncset.done $0x0  }
0x20: {  	s30 =	rddreg [dreg:$0x7];
	[sflag:s25] =	ssyncadd.s32 $0xFFFFFF70  }
0x21: {  	[tilespmem:s26], [sflag:$0x4] =	stream.linear.gather [hbm4b:s30+s6], $0x1870, $0x38;
	[tilespmem:$0x1A9B0] =	vst v63  }
0x22: {  	_ =	swait.ge [sflag:s25], $0x1870  }
0x23: {  	[sflag:s25] =	ssyncset.done $0x0  }
0x24: {  	s13 =	simm.s32 $0x190A0;
	s12 =	rddreg [dreg:$0x8];
	[sflag:s25] =	ssyncadd.s32 $0xFFFFE790  }
0x25: {  	[tilespmem:s13], [sflag:$0x4] =	stream.linear.gather [hbm4b:s12+s6], $0x1870, $0x38;
	[tilespmem:$0x1A9B0] =	vst v63  }
0x26: {  	_ =	swait.ge [sflag:s25], $0x1870  }
0x27: {  	[sflag:s25] =	ssyncset.done $0x0  }
0x28: {  	s12 =	simm.s32 $0x14750;
	s18 =	rddreg [dreg:$0x9];
	[sflag:s25] =	ssyncadd.s32 $0xFFFFE790  }
0x29: {  	[tilespmem:s12], [sflag:$0x4] =	stream.linear.gather [hbm4b:s18+s6], $0x1870, $0x38;
	[tilespmem:$0x1A9B0] =	vst v63  }
0x2a: {  	_ =	swait.ge [sflag:s25], $0x1870  }
0x2b: {  	[sflag:s25] =	ssyncset.done $0x0  }
0x2c: {  	s13 =	simm.s32 $0x15FC0;
	s30 =	rddreg [dreg:$0xa];
	[sflag:s25] =	ssyncadd.s32 $0xFFFFE790  }
0x2d: {  	[tilespmem:s13], [sflag:$0x4] =	stream.linear.gather [hbm4b:s30+s6], $0x1870, $0x38;
	[tilespmem:$0x1A9B0] =	vst v63  }
0x2e: {  	_ =	swait.ge [sflag:s25], $0x1870  }
0x2f: {  	[sflag:s25] =	ssyncset.done $0x0  }
0x30: {  	s18 =	rddreg [dreg:$0xb];
	[sflag:s25] =	ssyncadd.s32 $0xFFFFE790  }
0x31: {  	[spmem:s18] =	stream.linear.scatter [tilespmem:s12], [sflag:$0x4], $0x1870, $0x38;
	[tilespmem:$0x1A9B0] =	vst v63  }
0x32: {  	_ =	swait.ge [sflag:s25], $0x1870  }
0x33: {  	[sflag:s25] =	ssyncset.done $0x0  }
0x34: {  	s30 =	rddreg [dreg:$0xc];
	[sflag:s25] =	ssyncadd.s32 $0xFFFFE790  }
0x35: {  	[spmem:s30] =	stream.linear.scatter [tilespmem:s13], [sflag:$0x4], $0x1870, $0x38;
	[tilespmem:$0x1A9B0] =	vst v63  }
0x36: {  	_ =	swait.ge [sflag:s25], $0x1870  }
0x37: {  	[sflag:s25] =	ssyncset.done $0x0  }
0x38: {  	[sflag:s25] =	ssyncadd.s32 $0xFFFFE790  }
0x39: {  	[spmem:s14] =	stream.linear.scatter [tilespmem:s26], [sflag:$0x4], $0x1870, $0x38;
	[tilespmem:$0x1A9B0] =	vst v63  }
0x3a: {  	_ =	swait.ge [sflag:s25], $0x1870  }
0x3b: {  	[sflag:s25] =	ssyncset.done $0x0  }
0x3c: {  	[sflag:s25] =	ssyncadd.s32 $0xFFFFE790  }
0x3d: {  	[spmem:s15] =	stream.linear.scatter [tilespmem:s26], [sflag:$0x4], $0x1870, $0x38;
	[tilespmem:$0x1A9B0] =	vst v63  }
0x3e: {  	_ =	swait.ge [sflag:s25], $0x1870  }
0x3f: {  	[sflag:s25] =	ssyncset.done $0x0  }
0x40: {  	s13 =	simm.s32 $0x12EE0;
	s12 =	rddreg [dreg:$0xd];
	[sflag:s25] =	ssyncadd.s32 $0xFFFFE790  }
0x41: {  	[tilespmem:s13], [sflag:$0x4] =	stream.linear.gather [hbm4b:s12+s6], $0x1870, $0x38;
	[tilespmem:$0x1A9B0] =	vst v63  }
0x42: {  	_ =	swait.ge [sflag:s25], $0x1870  }
0x43: {  	[sflag:s25] =	ssyncset.done $0x0  }
0x44: {  	s30 =	simm.s32 $0xFE00;
	s18 =	rddreg [dreg:$0xe];
	[sflag:s25] =	ssyncadd.s32 $0xFFFFE790  }
0x45: {  	[tilespmem:s30], [sflag:$0x4] =	stream.linear.gather [hbm4b:s18+s6], $0x1870, $0x38;
	[tilespmem:$0x1A9B0] =	vst v63  }
0x46: {  	_ =	swait.ge [sflag:s25], $0x1870  }
0x47: {  	[sflag:s25] =	ssyncset.done $0x0  }
0x48: {  	s2 =	simm.s32 $0x0;
	[sflag:s25] =	ssyncadd.s32 $0xFFFFE790  }
0x49: {  	s29 =	simm.s32 $0x40;
	v0 =	vld [tilespmem:s2+$0xFE00]  }
.LBB2_2:
0x4a: {  	p0 =	sne.s32 s29, $0x6180;
	v1 =	vld [tilespmem:s2+$0x12EE0];
	_ =	sdelay $0x2  }
.Ltmp0:
0x4b: {  	(pc) =	sbr.rel @p0 .LBB2_2-.Ltmp0, $4  }
0x4c: {  	_ = 	snop  }
0x4d: {  	v1 =	vadd.f32 v0, v1  }
0x4e: {  	s30 =	sshra.s32 s29, $0x2  }
0x4f: {  	s29 =	sadd.s32 $0x40, s29;
	v0 =	vld [tilespmem:s30+$0xFE00];
	[tilespmem:s2+$0x12EE0] =	vst v1;
	s2 =	smov.u32 s30  }
0x50: {  	v1 =	vld [tilespmem:s2+$0x12EE0];
	_ =	sdelay $0x4  }
0x51: {  	v0 =	vadd.f32 v0, v1;
	_ =	sdelay $0x1  }
0x52: {  	[tilespmem:s2+$0x12EE0] =	vst v0  }
0x53: {  	[bflag:$0x0] =	sbarrier.arrive $0xFFFF  }
0x54: {  	s18 =	simm.s32 $0x0;
	s12 =	rddreg [dreg:$0xf]  }
0x55: {  	[tilespmem:s0], [sflag:$0x1] =	stream.linear.gather [hbm4b:s12+s18], $0x1388, $0x38;
	[tilespmem:$0x1A9B0] =	vst v63  }
0x56: {  	_ = 	snop  }
0x57: {  	[tilespmem:s24], [sflag:$0x1] =	stream.linear.gather [hbm4b:s19+s18], $0x1388, $0x38;
	[tilespmem:$0x1A9B0] =	vst v63  }
0x58: {  	_ =	swait.ge [sflag:s28], $0x1388  }
0x59: {  	[sflag:s28] =	ssyncset.done $0x0  }
0x5a: {  	[sflag:s28] =	ssyncadd.s32 $0xFFFFEC78  }
0x5b: {  	_ =	swait.ge [sflag:s28], $0x1388  }
0x5c: {  	[sflag:s28] =	ssyncset.done $0x0  }
0x5d: {  	p0 =	por $0x1, $0x1;
	[sflag:s28] =	ssyncadd.s32 $0xFFFFEC78  }
0x5e: {  	[tilespmem:s7], [sflag:$0x2] =	stream.indirect.gather [spmem:s1], $0x1, s0, s31, $0xb8;
	[tilespmem:$0x1A9B0] =	vst v63  }
0x5f: {  	s2 =	simm.s32 @!p0 $0x3  }
0x60: {  	[tilespmem:s8], [sflag:$0x2] =	stream.indirect.gather [spmem:s3], $0x1, s0, s31, $0xb8;
	[tilespmem:$0x1A9B0] =	vst v63  }
0x61: {  	_ =	swait.ge @!p0 [sflag:s2], $0x1388  }
0x62: {  	[sflag:s2] =	ssyncset.done @!p0 $0x0  }
0x63: {  	[sflag:s2] =	ssyncadd.s32 @!p0 $0xFFFFEC78  }
0x64: {  	_ =	swait.ge @!p0 [sflag:s2], $0x1388  }
0x65: {  	s29 =	sadd.s32 $0x0, s23;
	[sflag:s2] =	ssyncset.done @!p0 $0x0  }
0x66: {  	s30 =	sadd.s32 $0x0, s22;
	s29 =	sadd.s32 $0x271, s29;
	[sflag:s2] =	ssyncadd.s32 @!p0 $0xFFFFEC78  }
0x67: {  	[tilespmem:s9], [sflag:$0x1] =	stream.linear.gather [hbm4b:s29+s6], $0x1388, $0x38;
	[tilespmem:$0x1A9B0] =	vst v63  }
0x68: {  	s2 =	sadd.s32 $0x271, s30  }
0x69: {  	[tilespmem:s10], [sflag:$0x1] =	stream.linear.gather [hbm4b:s2+s6], $0x1388, $0x38;
	[tilespmem:$0x1A9B0] =	vst v63  }
0x6a: {  	_ =	swait.ge [sflag:s11], $0x1388  }
0x6b: {  	[sflag:s11] =	ssyncset.done $0x0  }
0x6c: {  	[sflag:s11] =	ssyncadd.s32 $0xFFFFEC78  }
0x6d: {  	_ =	swait.ge [sflag:s11], $0x1388  }
0x6e: {  	[sflag:s11] =	ssyncset.done $0x0  }
0x6f: {  	[sflag:s11] =	ssyncadd.s32 $0xFFFFEC78  }
0x70: {  	[spmem:s4] =	stream.indirect.scatter.add.f32 [tilespmem:s7], [sflag:$0x3], $0x1, s24, s31, $0xb8;
	[tilespmem:$0x1A9B0] =	vst v63  }
0x71: {  	_ = 	snop  }
0x72: {  	[spmem:s5] =	stream.indirect.scatter.add.f32 [tilespmem:s8], [sflag:$0x3], $0x1, s24, s31, $0xb8;
	[tilespmem:$0x1A9B0] =	vst v63  }
0x73: {  	_ =	swait.ge [sflag:s28], $0x1388  }
0x74: {  	[sflag:s28] =	ssyncset.done $0x0  }
0x75: {  	[sflag:s28] =	ssyncadd.s32 $0xFFFFEC78  }
0x76: {  	_ =	swait.ge [sflag:s28], $0x1388  }
0x77: {  	[sflag:s28] =	ssyncset.done $0x0  }
0x78: {  	[sflag:s28] =	ssyncadd.s32 $0xFFFFEC78  }
0x79: {  	[tilespmem:s16], [sflag:$0x2] =	stream.indirect.gather [spmem:s1], $0x1, s9, s31, $0xb8;
	[tilespmem:$0x1A9B0] =	vst v63  }
0x7a: {  	_ = 	snop  }
0x7b: {  	[tilespmem:s17], [sflag:$0x2] =	stream.indirect.gather [spmem:s3], $0x1, s9, s31, $0xb8;
	[tilespmem:$0x1A9B0] =	vst v63  }
0x7c: {  	_ =	swait.ge [sflag:s20], $0x1388  }
0x7d: {  	[sflag:s20] =	ssyncset.done $0x0  }
0x7e: {  	[sflag:s20] =	ssyncadd.s32 $0xFFFFEC78  }
0x7f: {  	p0 =	por $0x0, $0x0;
	_ =	swait.ge [sflag:s20], $0x1388  }
0x80: {  	s29 =	simm.s32 @!p0 $0x61C0;
	s2 =	sadd.s32 @!p0 $0x0, s23;
	[sflag:s20] =	ssyncset.done $0x0  }
0x81: {  	s30 =	simm.s32 @!p0 $0x0;
	s2 =	sadd.s32 @!p0 $0x4E2, s2;
	[sflag:s20] =	ssyncadd.s32 $0xFFFFEC78  }
0x82: {  	[tilespmem:s29], [sflag:$0x1] =	stream.linear.gather @!p0 [hbm4b:s2+s30], $0x1388, $0x38;
	[tilespmem:$0x1A9B0] =	vst v63  }
0x83: {  	s2 =	sadd.s32 @!p0 $0x0, s22  }
0x84: {  	s29 =	simm.s32 @!p0 $0x88D0;
	s2 =	sadd.s32 @!p0 $0x4E2, s2  }
0x85: {  	[tilespmem:s29], [sflag:$0x1] =	stream.linear.gather @!p0 [hbm4b:s2+s30], $0x1388, $0x38;
	[tilespmem:$0x1A9B0] =	vst v63  }
0x86: {  	_ =	swait.ge [sflag:s11], $0x1388  }
0x87: {  	[sflag:s11] =	ssyncset.done $0x0  }
0x88: {  	[sflag:s11] =	ssyncadd.s32 $0xFFFFEC78  }
0x89: {  	_ =	swait.ge [sflag:s11], $0x1388  }
0x8a: {  	[sflag:s11] =	ssyncset.done $0x0  }
0x8b: {  	s29 =	simm.s32 $0x4E2;
	[sflag:s11] =	ssyncadd.s32 $0xFFFFEC78  }
0x8c: {  	[spmem:s4] =	stream.indirect.scatter.add.f32 [tilespmem:s16], [sflag:$0x3], $0x1, s10, s31, $0xb8;
	[tilespmem:$0x1A9B0] =	vst v63  }
.LBB2_4:
0x8d: {  	s30 =	smov.u32 s29;
	s29 =	sadd.s32 $0x4E2, s29  }
0x8e: {  	[spmem:s5] =	stream.indirect.scatter.add.f32 [tilespmem:s17], [sflag:$0x3], $0x1, s10, s31, $0xb8;
	[tilespmem:$0x1A9B0] =	vst v63  }
0x8f: {  	p0 =	sne.s32 s29, $0x61A8;
	_ =	swait.ge [sflag:s28], $0x1388  }
0x90: {  	[sflag:s28] =	ssyncset.done $0x0  }
0x91: {  	[sflag:s28] =	ssyncadd.s32 $0xFFFFEC78  }
0x92: {  	_ =	swait.ge [sflag:s28], $0x1388  }
0x93: {  	[sflag:s28] =	ssyncset.done $0x0  }
0x94: {  	[sflag:s28] =	ssyncadd.s32 $0xFFFFEC78  }
0x95: {  	[tilespmem:s7], [sflag:$0x2] =	stream.indirect.gather [spmem:s1], $0x1, s0, s31, $0xb8;
	[tilespmem:$0x1A9B0] =	vst v63  }
0x96: {  	p1 =	seq.s32 s30, $0x0  }
0x97: {  	[tilespmem:s8], [sflag:$0x2] =	stream.indirect.gather [spmem:s3], $0x1, s0, s31, $0xb8;
	[tilespmem:$0x1A9B0] =	vst v63  }
0x98: {  	s2 =	simm.s32 @!p1 $0x3  }
0x99: {  	_ =	swait.ge @!p1 [sflag:s2], $0x1388  }
0x9a: {  	[sflag:s2] =	ssyncset.done @!p1 $0x0  }
0x9b: {  	[sflag:s2] =	ssyncadd.s32 @!p1 $0xFFFFEC78  }
0x9c: {  	s12 =	sadd.s32 s30, s23;
	_ =	swait.ge @!p1 [sflag:s2], $0x1388  }
0x9d: {  	s12 =	sadd.s32 $0x271, s12;
	[sflag:s2] =	ssyncset.done @!p1 $0x0  }
0x9e: {  	[sflag:s2] =	ssyncadd.s32 @!p1 $0xFFFFEC78;
	s2 =	sadd.s32 s30, s22  }
0x9f: {  	[tilespmem:s9], [sflag:$0x1] =	stream.linear.gather [hbm4b:s12+s6], $0x1388, $0x38;
	[tilespmem:$0x1A9B0] =	vst v63  }
0xa0: {  	s2 =	sadd.s32 $0x271, s2  }
0xa1: {  	[tilespmem:s10], [sflag:$0x1] =	stream.linear.gather [hbm4b:s2+s6], $0x1388, $0x38;
	[tilespmem:$0x1A9B0] =	vst v63  }
0xa2: {  	_ =	swait.ge [sflag:s11], $0x1388  }
0xa3: {  	[sflag:s11] =	ssyncset.done $0x0  }
0xa4: {  	[sflag:s11] =	ssyncadd.s32 $0xFFFFEC78  }
0xa5: {  	_ =	swait.ge [sflag:s11], $0x1388  }
0xa6: {  	[sflag:s11] =	ssyncset.done $0x0  }
0xa7: {  	[sflag:s11] =	ssyncadd.s32 $0xFFFFEC78  }
0xa8: {  	[spmem:s4] =	stream.indirect.scatter.add.f32 [tilespmem:s7], [sflag:$0x3], $0x1, s24, s31, $0xb8;
	[tilespmem:$0x1A9B0] =	vst v63  }
0xa9: {  	_ = 	snop  }
0xaa: {  	[spmem:s5] =	stream.indirect.scatter.add.f32 [tilespmem:s8], [sflag:$0x3], $0x1, s24, s31, $0xb8;
	[tilespmem:$0x1A9B0] =	vst v63  }
0xab: {  	_ =	swait.ge [sflag:s28], $0x1388  }
0xac: {  	[sflag:s28] =	ssyncset.done $0x0  }
0xad: {  	[sflag:s28] =	ssyncadd.s32 $0xFFFFEC78  }
0xae: {  	_ =	swait.ge [sflag:s28], $0x1388  }
0xaf: {  	[sflag:s28] =	ssyncset.done $0x0  }
0xb0: {  	[sflag:s28] =	ssyncadd.s32 $0xFFFFEC78  }
0xb1: {  	[tilespmem:s16], [sflag:$0x2] =	stream.indirect.gather [spmem:s1], $0x1, s9, s31, $0xb8;
	[tilespmem:$0x1A9B0] =	vst v63  }
0xb2: {  	_ = 	snop  }
0xb3: {  	[tilespmem:s17], [sflag:$0x2] =	stream.indirect.gather [spmem:s3], $0x1, s9, s31, $0xb8;
	[tilespmem:$0x1A9B0] =	vst v63  }
0xb4: {  	_ =	swait.ge [sflag:s20], $0x1388  }
0xb5: {  	[sflag:s20] =	ssyncset.done $0x0  }
0xb6: {  	p1 =	seq.s32 s30, $0x5CC6;
	[sflag:s20] =	ssyncadd.s32 $0xFFFFEC78  }
0xb7: {  	s12 =	simm.s32 @!p1 $0x61C0;
	s2 =	sadd.s32 @!p1 s30, s23;
	_ =	swait.ge [sflag:s20], $0x1388  }
0xb8: {  	s13 =	simm.s32 @!p1 $0x0;
	s2 =	sadd.s32 @!p1 $0x4E2, s2;
	[sflag:s20] =	ssyncset.done $0x0  }
0xb9: {  	s18 =	simm.s32 @!p1 $0x88D0;
	s30 =	sadd.s32 @!p1 s30, s22;
	[sflag:s20] =	ssyncadd.s32 $0xFFFFEC78  }
0xba: {  	[tilespmem:s12], [sflag:$0x1] =	stream.linear.gather @!p1 [hbm4b:s2+s13], $0x1388, $0x38;
	[tilespmem:$0x1A9B0] =	vst v63  }
0xbb: {  	s2 =	sadd.s32 @!p1 $0x4E2, s30  }
0xbc: {  	[tilespmem:s18], [sflag:$0x1] =	stream.linear.gather @!p1 [hbm4b:s2+s13], $0x1388, $0x38;
	[tilespmem:$0x1A9B0] =	vst v63  }
0xbd: {  	_ =	swait.ge [sflag:s11], $0x1388  }
0xbe: {  	[sflag:s11] =	ssyncset.done $0x0  }
.Ltmp1:
0xbf: {  	[sflag:s11] =	ssyncadd.s32 $0xFFFFEC78;
	(pc) =	sbr.rel @p0 .LBB2_4-.Ltmp1, $4  }
0xc0: {  	_ =	swait.ge [sflag:s11], $0x1388  }
0xc1: {  	[sflag:s11] =	ssyncset.done $0x0  }
0xc2: {  	[sflag:s11] =	ssyncadd.s32 $0xFFFFEC78  }
0xc3: {  	[spmem:s4] =	stream.indirect.scatter.add.f32 [tilespmem:s16], [sflag:$0x3], $0x1, s10, s31, $0xb8;
	[tilespmem:$0x1A9B0] =	vst v63  }
0xc4: {  	[spmem:s5] =	stream.indirect.scatter.add.f32 [tilespmem:s17], [sflag:$0x3], $0x1, s10, s31, $0xb8;
	[tilespmem:$0x1A9B0] =	vst v63  }
0xc5: {  	_ =	swait.ge [sflag:s20], $0x1388  }
0xc6: {  	[sflag:s20] =	ssyncset.done $0x0  }
0xc7: {  	[sflag:s20] =	ssyncadd.s32 $0xFFFFEC78  }
0xc8: {  	_ =	swait.ge [sflag:s20], $0x1388  }
0xc9: {  	[sflag:s20] =	ssyncset.done $0x0  }
0xca: {  	[sflag:s20] =	ssyncadd.s32 $0xFFFFEC78  }
0xcb: {  	s2 =	simm.s32 $0xFE00;
	[bflag:$0x0] =	sbarrier.arrive $0xFFFF  }
0xcc: {  	[tilespmem:s2], [sflag:$0x4] =	stream.linear.gather [spmem:s14], $0x1870, $0x38;
	[tilespmem:$0x1A9B0] =	vst v63  }
0xcd: {  	_ =	swait.ge [sflag:s25], $0x1870  }
0xce: {  	[sflag:s25] =	ssyncset.done $0x0  }
0xcf: {  	s18 =	simm.s32 $0x11670;
	[sflag:s25] =	ssyncadd.s32 $0xFFFFE790  }
0xd0: {  	[tilespmem:s18], [sflag:$0x4] =	stream.linear.gather [spmem:s15], $0x1870, $0x38;
	[tilespmem:$0x1A9B0] =	vst v63  }
0xd1: {  	_ =	swait.ge [sflag:s25], $0x1870  }
0xd2: {  	[sflag:s25] =	ssyncset.done $0x0  }
0xd3: {  	s29 =	simm.s32 $0x0;
	[sflag:s25] =	ssyncadd.s32 $0xFFFFE790  }
0xd4: {  	v2 =	vld [tilespmem:s29+$0x12EE0];
	_ =	sdelay $0x1  }
0xd5: {  	v0 =	vld [tilespmem:$0x1A910]  }
0xd6: {  	v1 =	vld [tilespmem:$0x1A920]  }
0xd7: {  	v5 =	vld [tilespmem:s29+$0x11670]  }
0xd8: {  	v6 =	vld [tilespmem:s29+$0x15FC0];
	v4 =	vmax.f32 v2, $1.000000000e+00  }
0xd9: {  	(erf) = vrcp.f32 v4;
	v4 =	vld [tilespmem:s29+$0x14750]  }
0xda: {  	v3 =	vld [tilespmem:s29+$0xFE00];
	_ =	sdelay $0x1  }
0xdb: {  	v2 =	vmul.f32 v2, v1  }
0xdc: {  	v5 =	vmul.f32 v5, v0  }
0xdd: {  	v4 =	vmul.f32 v4, v2;
	v2 =	vmul.f32 v6, v2  }
0xde: {  	v3 =	vmul.f32 v3, v0  }
0xdf: {  	v5 =	vadd.f32 v2, v5;
	v2 =	vld [tilespmem:$0x1A930]  }
0xe0: {  	v3 =	vadd.f32 v4, v3  }
0xe1: {  	v6 =	vpop (erf)  }
0xe2: {  	s30 =	simm.s32 $0x10;
	v4 =	vmul.f32 v3, v6  }
0xe3: {  	s2 =	simm.s32 $0x80;
	v3 =	vld [tilespmem:s30+$0x12EE0];
	v5 =	vmul.f32 v5, v6  }
.LBB2_6:
0xe4: {  	p0 =	sne.s32 s2, $0x6180;
	v4 =	vadd.f32 v4, v2  }
0xe5: {  	v5 =	vadd.f32 v5, v2  }
0xe6: {  	v6 =	vmul.f32 $1.000000010e-01, v4  }
0xe7: {  	vm2 =	vge.f32 v4, $0.0e+00;
	v7 =	vmul.f32 $1.000000010e-01, v5  }
0xe8: {  	v8 =	vmax.f32 v3, $1.000000000e+00;
	v9 =	vld [tilespmem:s30+$0xFE00];
	v4 =	vsel vm2, v4, v6;
	vm2 =	vge.f32 v5, $0.0e+00  }
0xe9: {  	v6 =	vld [tilespmem:s30+$0x11670];
	(erf) = vrcp.f32 v8;
	[tilespmem:s29+$0x14750] =	vst v4;
	v4 =	vsel vm2, v5, v7  }
0xea: {  	v5 =	vld [tilespmem:s30+$0x14750];
	[tilespmem:s29+$0x15FC0] =	vst v4;
	s29 =	smov.u32 s30  }
0xeb: {  	v4 =	vld [tilespmem:s29+$0x15FC0];
	_ =	sdelay $0x1  }
0xec: {  	v3 =	vmul.f32 v3, v1;
	_ =	sdelay $0x1  }
0xed: {  	v7 =	vmul.f32 v9, v0;
	v5 =	vmul.f32 v5, v3  }
.Ltmp2:
0xee: {  	v8 =	vmul.f32 v6, v0;
	v3 =	vmul.f32 v4, v3;
	(pc) =	sbr.rel @p0 .LBB2_6-.Ltmp2, $4  }
0xef: {  	v4 =	vadd.f32 v5, v7  }
0xf0: {  	v5 =	vadd.f32 v3, v8;
	v6 =	vpop (erf)  }
0xf1: {  	s30 =	sshra.s32 s2, $0x2;
	v4 =	vmul.f32 v4, v6  }
0xf2: {  	s2 =	sadd.s32 $0x40, s2;
	v3 =	vld [tilespmem:s30+$0x12EE0];
	v5 =	vmul.f32 v5, v6  }
0xf3: {  	v4 =	vadd.f32 v4, v2  }
0xf4: {  	v5 =	vadd.f32 v5, v2  }
0xf5: {  	v6 =	vmul.f32 $1.000000010e-01, v4  }
0xf6: {  	vm2 =	vge.f32 v4, $0.0e+00;
	v8 =	vmul.f32 $1.000000010e-01, v5  }
0xf7: {  	v7 =	vld [tilespmem:s30+$0xFE00];
	v4 =	vsel vm2, v4, v6;
	v9 =	vmax.f32 v3, $1.000000000e+00;
	vm2 =	vge.f32 v5, $0.0e+00  }
0xf8: {  	v55 =	vld [tilespmem:s30+$0x11670];
	[tilespmem:s29+$0x14750] =	vst v4;
	(erf) = vrcp.f32 v9;
	v56 =	vsel vm2, v5, v8  }
0xf9: {  	v57 =	vld [tilespmem:s30+$0x14750];
	[tilespmem:s29+$0x15FC0] =	vst v56  }
0xfa: {  	v4 =	vld [tilespmem:s30+$0x15FC0];
	_ =	sdelay $0x1  }
0xfb: {  	v1 =	vmul.f32 v3, v1;
	_ =	sdelay $0x1  }
0xfc: {  	v58 =	vmul.f32 v7, v0;
	v5 =	vmul.f32 v57, v1  }
0xfd: {  	v59 =	vmul.f32 v55, v0;
	v1 =	vmul.f32 v4, v1  }
0xfe: {  	v3 =	vadd.f32 v5, v58  }
0xff: {  	v0 =	vadd.f32 v1, v59;
	v60 =	vpop (erf)  }
0x100: {  	v3 =	vmul.f32 v3, v60  }
0x101: {  	v0 =	vmul.f32 v0, v60  }
0x102: {  	v61 =	vadd.f32 v3, v2  }
0x103: {  	v0 =	vadd.f32 v0, v2  }
0x104: {  	v62 =	vmul.f32 $1.000000010e-01, v61  }
0x105: {  	vm2 =	vge.f32 v61, $0.0e+00;
	v63 =	vmul.f32 $1.000000010e-01, v0  }
0x106: {  	v1 =	vsel vm2, v61, v62;
	vm2 =	vge.f32 v0, $0.0e+00  }
0x107: {  	[tilespmem:s30+$0x14750] =	vst v1;
	v0 =	vsel vm2, v0, v63  }
0x108: {  	[tilespmem:s30+$0x15FC0] =	vst v0  }
0x109: {  	[spmem:s14] =	stream.linear.scatter [tilespmem:s26], [sflag:$0x4], $0x1870, $0x38;
	[tilespmem:$0x1A9B0] =	vst v63  }
0x10a: {  	_ =	swait.ge [sflag:s25], $0x1870  }
0x10b: {  	[sflag:s25] =	ssyncset.done $0x0  }
0x10c: {  	[sflag:s25] =	ssyncadd.s32 $0xFFFFE790  }
0x10d: {  	[spmem:s15] =	stream.linear.scatter [tilespmem:s26], [sflag:$0x4], $0x1870, $0x38;
	[tilespmem:$0x1A9B0] =	vst v63  }
0x10e: {  	_ =	swait.ge [sflag:s25], $0x1870  }
0x10f: {  	[sflag:s25] =	ssyncset.done $0x0  }
0x110: {  	s12 =	simm.s32 $0x14750;
	s2 =	rddreg [dreg:$0xb];
	[sflag:s25] =	ssyncadd.s32 $0xFFFFE790  }
0x111: {  	[spmem:s2] =	stream.linear.scatter [tilespmem:s12], [sflag:$0x4], $0x1870, $0x38;
	[tilespmem:$0x1A9B0] =	vst v63  }
0x112: {  	_ =	swait.ge [sflag:s25], $0x1870  }
0x113: {  	[sflag:s25] =	ssyncset.done $0x0  }
0x114: {  	s18 =	simm.s32 $0x15FC0;
	s13 =	rddreg [dreg:$0xc];
	[sflag:s25] =	ssyncadd.s32 $0xFFFFE790  }
0x115: {  	[spmem:s13] =	stream.linear.scatter [tilespmem:s18], [sflag:$0x4], $0x1870, $0x38;
	[tilespmem:$0x1A9B0] =	vst v63  }
0x116: {  	_ =	swait.ge [sflag:s25], $0x1870  }
0x117: {  	[sflag:s25] =	ssyncset.done $0x0  }
0x118: {  	[sflag:s25] =	ssyncadd.s32 $0xFFFFE790  }
0x119: {  	[bflag:$0x0] =	sbarrier.arrive $0xFFFF  }
0x11a: {  	s30 =	simm.s32 $0x0;
	s13 =	rddreg [dreg:$0xf]  }
0x11b: {  	[tilespmem:s0], [sflag:$0x1] =	stream.linear.gather [hbm4b:s13+s30], $0x1388, $0x38;
	[tilespmem:$0x1A9B0] =	vst v63  }
0x11c: {  	_ = 	snop  }
0x11d: {  	[tilespmem:s24], [sflag:$0x1] =	stream.linear.gather [hbm4b:s19+s30], $0x1388, $0x38;
	[tilespmem:$0x1A9B0] =	vst v63  }
0x11e: {  	_ =	swait.ge [sflag:s28], $0x1388  }
0x11f: {  	[sflag:s28] =	ssyncset.done $0x0  }
0x120: {  	[sflag:s28] =	ssyncadd.s32 $0xFFFFEC78  }
0x121: {  	_ =	swait.ge [sflag:s28], $0x1388  }
0x122: {  	[sflag:s28] =	ssyncset.done $0x0  }
0x123: {  	p0 =	por $0x1, $0x1;
	[sflag:s28] =	ssyncadd.s32 $0xFFFFEC78  }
0x124: {  	[tilespmem:s7], [sflag:$0x2] =	stream.indirect.gather [spmem:s1], $0x1, s0, s31, $0xb8;
	[tilespmem:$0x1A9B0] =	vst v63  }
0x125: {  	s2 =	simm.s32 @!p0 $0x3  }
0x126: {  	[tilespmem:s8], [sflag:$0x2] =	stream.indirect.gather [spmem:s3], $0x1, s0, s31, $0xb8;
	[tilespmem:$0x1A9B0] =	vst v63  }
0x127: {  	_ =	swait.ge @!p0 [sflag:s2], $0x1388  }
0x128: {  	[sflag:s2] =	ssyncset.done @!p0 $0x0  }
0x129: {  	[sflag:s2] =	ssyncadd.s32 @!p0 $0xFFFFEC78  }
0x12a: {  	_ =	swait.ge @!p0 [sflag:s2], $0x1388  }
0x12b: {  	s18 =	sadd.s32 $0x0, s23;
	[sflag:s2] =	ssyncset.done @!p0 $0x0  }
0x12c: {  	s12 =	sadd.s32 $0x271, s18;
	s30 =	sadd.s32 $0x0, s22;
	[sflag:s2] =	ssyncadd.s32 @!p0 $0xFFFFEC78  }
0x12d: {  	[tilespmem:s9], [sflag:$0x1] =	stream.linear.gather [hbm4b:s12+s6], $0x1388, $0x38;
	[tilespmem:$0x1A9B0] =	vst v63  }
0x12e: {  	s2 =	sadd.s32 $0x271, s30  }
0x12f: {  	[tilespmem:s10], [sflag:$0x1] =	stream.linear.gather [hbm4b:s2+s6], $0x1388, $0x38;
	[tilespmem:$0x1A9B0] =	vst v63  }
0x130: {  	_ =	swait.ge [sflag:s11], $0x1388  }
0x131: {  	[sflag:s11] =	ssyncset.done $0x0  }
0x132: {  	[sflag:s11] =	ssyncadd.s32 $0xFFFFEC78  }
0x133: {  	_ =	swait.ge [sflag:s11], $0x1388  }
0x134: {  	[sflag:s11] =	ssyncset.done $0x0  }
0x135: {  	[sflag:s11] =	ssyncadd.s32 $0xFFFFEC78  }
0x136: {  	[spmem:s4] =	stream.indirect.scatter.add.f32 [tilespmem:s7], [sflag:$0x3], $0x1, s24, s31, $0xb8;
	[tilespmem:$0x1A9B0] =	vst v63  }
0x137: {  	_ = 	snop  }
0x138: {  	[spmem:s5] =	stream.indirect.scatter.add.f32 [tilespmem:s8], [sflag:$0x3], $0x1, s24, s31, $0xb8;
	[tilespmem:$0x1A9B0] =	vst v63  }
0x139: {  	_ =	swait.ge [sflag:s28], $0x1388  }
0x13a: {  	[sflag:s28] =	ssyncset.done $0x0  }
0x13b: {  	[sflag:s28] =	ssyncadd.s32 $0xFFFFEC78  }
0x13c: {  	_ =	swait.ge [sflag:s28], $0x1388  }
0x13d: {  	[sflag:s28] =	ssyncset.done $0x0  }
0x13e: {  	[sflag:s28] =	ssyncadd.s32 $0xFFFFEC78  }
0x13f: {  	[tilespmem:s16], [sflag:$0x2] =	stream.indirect.gather [spmem:s1], $0x1, s9, s31, $0xb8;
	[tilespmem:$0x1A9B0] =	vst v63  }
0x140: {  	_ = 	snop  }
0x141: {  	[tilespmem:s17], [sflag:$0x2] =	stream.indirect.gather [spmem:s3], $0x1, s9, s31, $0xb8;
	[tilespmem:$0x1A9B0] =	vst v63  }
0x142: {  	_ =	swait.ge [sflag:s20], $0x1388  }
0x143: {  	[sflag:s20] =	ssyncset.done $0x0  }
0x144: {  	[sflag:s20] =	ssyncadd.s32 $0xFFFFEC78  }
0x145: {  	p0 =	por $0x0, $0x0;
	_ =	swait.ge [sflag:s20], $0x1388  }
0x146: {  	s12 =	simm.s32 @!p0 $0x61C0;
	s2 =	sadd.s32 @!p0 $0x0, s23;
	[sflag:s20] =	ssyncset.done $0x0  }
0x147: {  	s13 =	simm.s32 @!p0 $0x0;
	s2 =	sadd.s32 @!p0 $0x4E2, s2;
	[sflag:s20] =	ssyncadd.s32 $0xFFFFEC78  }
0x148: {  	[tilespmem:s12], [sflag:$0x1] =	stream.linear.gather @!p0 [hbm4b:s2+s13], $0x1388, $0x38;
	[tilespmem:$0x1A9B0] =	vst v63  }
0x149: {  	s2 =	sadd.s32 @!p0 $0x0, s22  }
0x14a: {  	s12 =	simm.s32 @!p0 $0x88D0;
	s2 =	sadd.s32 @!p0 $0x4E2, s2  }
0x14b: {  	[tilespmem:s12], [sflag:$0x1] =	stream.linear.gather @!p0 [hbm4b:s2+s13], $0x1388, $0x38;
	[tilespmem:$0x1A9B0] =	vst v63  }
0x14c: {  	_ =	swait.ge [sflag:s11], $0x1388  }
0x14d: {  	[sflag:s11] =	ssyncset.done $0x0  }
0x14e: {  	[sflag:s11] =	ssyncadd.s32 $0xFFFFEC78  }
0x14f: {  	_ =	swait.ge [sflag:s11], $0x1388  }
0x150: {  	[sflag:s11] =	ssyncset.done $0x0  }
0x151: {  	s29 =	simm.s32 $0x4E2;
	[sflag:s11] =	ssyncadd.s32 $0xFFFFEC78  }
0x152: {  	[spmem:s4] =	stream.indirect.scatter.add.f32 [tilespmem:s16], [sflag:$0x3], $0x1, s10, s31, $0xb8;
	[tilespmem:$0x1A9B0] =	vst v63  }
.LBB2_8:
0x153: {  	s30 =	smov.u32 s29;
	s29 =	sadd.s32 $0x4E2, s29  }
0x154: {  	[spmem:s5] =	stream.indirect.scatter.add.f32 [tilespmem:s17], [sflag:$0x3], $0x1, s10, s31, $0xb8;
	[tilespmem:$0x1A9B0] =	vst v63  }
0x155: {  	p0 =	sne.s32 s29, $0x61A8;
	_ =	swait.ge [sflag:s28], $0x1388  }
0x156: {  	[sflag:s28] =	ssyncset.done $0x0  }
0x157: {  	[sflag:s28] =	ssyncadd.s32 $0xFFFFEC78  }
0x158: {  	_ =	swait.ge [sflag:s28], $0x1388  }
0x159: {  	[sflag:s28] =	ssyncset.done $0x0  }
0x15a: {  	[sflag:s28] =	ssyncadd.s32 $0xFFFFEC78  }
0x15b: {  	[tilespmem:s7], [sflag:$0x2] =	stream.indirect.gather [spmem:s1], $0x1, s0, s31, $0xb8;
	[tilespmem:$0x1A9B0] =	vst v63  }
0x15c: {  	p1 =	seq.s32 s30, $0x0  }
0x15d: {  	[tilespmem:s8], [sflag:$0x2] =	stream.indirect.gather [spmem:s3], $0x1, s0, s31, $0xb8;
	[tilespmem:$0x1A9B0] =	vst v63  }
0x15e: {  	s2 =	simm.s32 @!p1 $0x3  }
0x15f: {  	_ =	swait.ge @!p1 [sflag:s2], $0x1388  }
0x160: {  	[sflag:s2] =	ssyncset.done @!p1 $0x0  }
0x161: {  	[sflag:s2] =	ssyncadd.s32 @!p1 $0xFFFFEC78  }
0x162: {  	s12 =	sadd.s32 s30, s23;
	_ =	swait.ge @!p1 [sflag:s2], $0x1388  }
0x163: {  	s12 =	sadd.s32 $0x271, s12;
	[sflag:s2] =	ssyncset.done @!p1 $0x0  }
0x164: {  	[sflag:s2] =	ssyncadd.s32 @!p1 $0xFFFFEC78;
	s2 =	sadd.s32 s30, s22  }
0x165: {  	[tilespmem:s9], [sflag:$0x1] =	stream.linear.gather [hbm4b:s12+s6], $0x1388, $0x38;
	[tilespmem:$0x1A9B0] =	vst v63  }
0x166: {  	s2 =	sadd.s32 $0x271, s2  }
0x167: {  	[tilespmem:s10], [sflag:$0x1] =	stream.linear.gather [hbm4b:s2+s6], $0x1388, $0x38;
	[tilespmem:$0x1A9B0] =	vst v63  }
0x168: {  	_ =	swait.ge [sflag:s11], $0x1388  }
0x169: {  	[sflag:s11] =	ssyncset.done $0x0  }
0x16a: {  	[sflag:s11] =	ssyncadd.s32 $0xFFFFEC78  }
0x16b: {  	_ =	swait.ge [sflag:s11], $0x1388  }
0x16c: {  	[sflag:s11] =	ssyncset.done $0x0  }
0x16d: {  	[sflag:s11] =	ssyncadd.s32 $0xFFFFEC78  }
0x16e: {  	[spmem:s4] =	stream.indirect.scatter.add.f32 [tilespmem:s7], [sflag:$0x3], $0x1, s24, s31, $0xb8;
	[tilespmem:$0x1A9B0] =	vst v63  }
0x16f: {  	_ = 	snop  }
0x170: {  	[spmem:s5] =	stream.indirect.scatter.add.f32 [tilespmem:s8], [sflag:$0x3], $0x1, s24, s31, $0xb8;
	[tilespmem:$0x1A9B0] =	vst v63  }
0x171: {  	_ =	swait.ge [sflag:s28], $0x1388  }
0x172: {  	[sflag:s28] =	ssyncset.done $0x0  }
0x173: {  	[sflag:s28] =	ssyncadd.s32 $0xFFFFEC78  }
0x174: {  	_ =	swait.ge [sflag:s28], $0x1388  }
0x175: {  	[sflag:s28] =	ssyncset.done $0x0  }
0x176: {  	[sflag:s28] =	ssyncadd.s32 $0xFFFFEC78  }
0x177: {  	[tilespmem:s16], [sflag:$0x2] =	stream.indirect.gather [spmem:s1], $0x1, s9, s31, $0xb8;
	[tilespmem:$0x1A9B0] =	vst v63  }
0x178: {  	_ = 	snop  }
0x179: {  	[tilespmem:s17], [sflag:$0x2] =	stream.indirect.gather [spmem:s3], $0x1, s9, s31, $0xb8;
	[tilespmem:$0x1A9B0] =	vst v63  }
0x17a: {  	_ =	swait.ge [sflag:s20], $0x1388  }
0x17b: {  	[sflag:s20] =	ssyncset.done $0x0  }
0x17c: {  	p1 =	seq.s32 s30, $0x5CC6;
	[sflag:s20] =	ssyncadd.s32 $0xFFFFEC78  }
0x17d: {  	s12 =	simm.s32 @!p1 $0x61C0;
	s2 =	sadd.s32 @!p1 s30, s23;
	_ =	swait.ge [sflag:s20], $0x1388  }
0x17e: {  	s13 =	simm.s32 @!p1 $0x0;
	s2 =	sadd.s32 @!p1 $0x4E2, s2;
	[sflag:s20] =	ssyncset.done $0x0  }
0x17f: {  	s18 =	sadd.s32 @!p1 s30, s22;
	s30 =	simm.s32 @!p1 $0x88D0;
	[sflag:s20] =	ssyncadd.s32 $0xFFFFEC78  }
0x180: {  	[tilespmem:s12], [sflag:$0x1] =	stream.linear.gather @!p1 [hbm4b:s2+s13], $0x1388, $0x38;
	[tilespmem:$0x1A9B0] =	vst v63  }
0x181: {  	s2 =	sadd.s32 @!p1 $0x4E2, s18  }
0x182: {  	[tilespmem:s30], [sflag:$0x1] =	stream.linear.gather @!p1 [hbm4b:s2+s13], $0x1388, $0x38;
	[tilespmem:$0x1A9B0] =	vst v63  }
0x183: {  	_ =	swait.ge [sflag:s11], $0x1388  }
0x184: {  	[sflag:s11] =	ssyncset.done $0x0  }
.Ltmp3:
0x185: {  	[sflag:s11] =	ssyncadd.s32 $0xFFFFEC78;
	(pc) =	sbr.rel @p0 .LBB2_8-.Ltmp3, $4  }
0x186: {  	_ =	swait.ge [sflag:s11], $0x1388  }
0x187: {  	[sflag:s11] =	ssyncset.done $0x0  }
0x188: {  	[sflag:s11] =	ssyncadd.s32 $0xFFFFEC78  }
0x189: {  	[spmem:s4] =	stream.indirect.scatter.add.f32 [tilespmem:s16], [sflag:$0x3], $0x1, s10, s31, $0xb8;
	[tilespmem:$0x1A9B0] =	vst v63  }
0x18a: {  	[spmem:s5] =	stream.indirect.scatter.add.f32 [tilespmem:s17], [sflag:$0x3], $0x1, s10, s31, $0xb8;
	[tilespmem:$0x1A9B0] =	vst v63  }
0x18b: {  	_ =	swait.ge [sflag:s20], $0x1388  }
0x18c: {  	[sflag:s20] =	ssyncset.done $0x0  }
0x18d: {  	[sflag:s20] =	ssyncadd.s32 $0xFFFFEC78  }
0x18e: {  	_ =	swait.ge [sflag:s20], $0x1388  }
0x18f: {  	[sflag:s20] =	ssyncset.done $0x0  }
0x190: {  	[sflag:s20] =	ssyncadd.s32 $0xFFFFEC78  }
0x191: {  	s2 =	simm.s32 $0xFE00;
	[bflag:$0x0] =	sbarrier.arrive $0xFFFF  }
0x192: {  	[tilespmem:s2], [sflag:$0x4] =	stream.linear.gather [spmem:s14], $0x1870, $0x38;
	[tilespmem:$0x1A9B0] =	vst v63  }
0x193: {  	_ =	swait.ge [sflag:s25], $0x1870  }
0x194: {  	[sflag:s25] =	ssyncset.done $0x0  }
0x195: {  	s18 =	simm.s32 $0x11670;
	[sflag:s25] =	ssyncadd.s32 $0xFFFFE790  }
0x196: {  	[tilespmem:s18], [sflag:$0x4] =	stream.linear.gather [spmem:s15], $0x1870, $0x38;
	[tilespmem:$0x1A9B0] =	vst v63  }
0x197: {  	_ =	swait.ge [sflag:s25], $0x1870  }
0x198: {  	[sflag:s25] =	ssyncset.done $0x0  }
0x199: {  	s29 =	simm.s32 $0x0;
	[sflag:s25] =	ssyncadd.s32 $0xFFFFE790  }
0x19a: {  	v2 =	vld [tilespmem:s29+$0x12EE0];
	_ =	sdelay $0x1  }
0x19b: {  	v0 =	vld [tilespmem:$0x1A940]  }
0x19c: {  	v1 =	vld [tilespmem:$0x1A950]  }
0x19d: {  	v5 =	vld [tilespmem:s29+$0x11670]  }
0x19e: {  	v6 =	vld [tilespmem:s29+$0x15FC0];
	v4 =	vmax.f32 v2, $1.000000000e+00  }
0x19f: {  	(erf) = vrcp.f32 v4;
	v4 =	vld [tilespmem:s29+$0x14750]  }
0x1a0: {  	v3 =	vld [tilespmem:s29+$0xFE00];
	_ =	sdelay $0x1  }
0x1a1: {  	v2 =	vmul.f32 v2, v1  }
0x1a2: {  	v5 =	vmul.f32 v5, v0  }
0x1a3: {  	v4 =	vmul.f32 v4, v2;
	v2 =	vmul.f32 v6, v2  }
0x1a4: {  	v3 =	vmul.f32 v3, v0  }
0x1a5: {  	v5 =	vadd.f32 v2, v5;
	v2 =	vld [tilespmem:$0x1A960]  }
0x1a6: {  	v3 =	vadd.f32 v4, v3  }
0x1a7: {  	v6 =	vpop (erf)  }
0x1a8: {  	s30 =	simm.s32 $0x10;
	v4 =	vmul.f32 v3, v6  }
0x1a9: {  	s2 =	simm.s32 $0x80;
	v3 =	vld [tilespmem:s30+$0x12EE0];
	v5 =	vmul.f32 v5, v6  }
.LBB2_10:
0x1aa: {  	p0 =	sne.s32 s2, $0x6180;
	v4 =	vadd.f32 v4, v2  }
0x1ab: {  	v5 =	vadd.f32 v5, v2  }
0x1ac: {  	v6 =	vmul.f32 $1.000000010e-01, v4  }
0x1ad: {  	vm2 =	vge.f32 v4, $0.0e+00;
	v7 =	vmul.f32 $1.000000010e-01, v5  }
0x1ae: {  	v8 =	vmax.f32 v3, $1.000000000e+00;
	v9 =	vld [tilespmem:s30+$0xFE00];
	v4 =	vsel vm2, v4, v6;
	vm2 =	vge.f32 v5, $0.0e+00  }
0x1af: {  	v6 =	vld [tilespmem:s30+$0x11670];
	(erf) = vrcp.f32 v8;
	[tilespmem:s29+$0x14750] =	vst v4;
	v4 =	vsel vm2, v5, v7  }
0x1b0: {  	v5 =	vld [tilespmem:s30+$0x14750];
	[tilespmem:s29+$0x15FC0] =	vst v4;
	s29 =	smov.u32 s30  }
0x1b1: {  	v4 =	vld [tilespmem:s29+$0x15FC0];
	_ =	sdelay $0x1  }
0x1b2: {  	v3 =	vmul.f32 v3, v1;
	_ =	sdelay $0x1  }
0x1b3: {  	v7 =	vmul.f32 v9, v0;
	v5 =	vmul.f32 v5, v3  }
.Ltmp4:
0x1b4: {  	v8 =	vmul.f32 v6, v0;
	v3 =	vmul.f32 v4, v3;
	(pc) =	sbr.rel @p0 .LBB2_10-.Ltmp4, $4  }
0x1b5: {  	v4 =	vadd.f32 v5, v7  }
0x1b6: {  	v5 =	vadd.f32 v3, v8;
	v6 =	vpop (erf)  }
0x1b7: {  	s30 =	sshra.s32 s2, $0x2;
	v4 =	vmul.f32 v4, v6  }
0x1b8: {  	s2 =	sadd.s32 $0x40, s2;
	v3 =	vld [tilespmem:s30+$0x12EE0];
	v5 =	vmul.f32 v5, v6  }
0x1b9: {  	v4 =	vadd.f32 v4, v2  }
0x1ba: {  	v5 =	vadd.f32 v5, v2  }
0x1bb: {  	v6 =	vmul.f32 $1.000000010e-01, v4  }
0x1bc: {  	vm2 =	vge.f32 v4, $0.0e+00;
	v8 =	vmul.f32 $1.000000010e-01, v5  }
0x1bd: {  	v7 =	vld [tilespmem:s30+$0xFE00];
	v4 =	vsel vm2, v4, v6;
	v9 =	vmax.f32 v3, $1.000000000e+00;
	vm2 =	vge.f32 v5, $0.0e+00  }
0x1be: {  	v55 =	vld [tilespmem:s30+$0x11670];
	[tilespmem:s29+$0x14750] =	vst v4;
	(erf) = vrcp.f32 v9;
	v56 =	vsel vm2, v5, v8  }
0x1bf: {  	v57 =	vld [tilespmem:s30+$0x14750];
	[tilespmem:s29+$0x15FC0] =	vst v56  }
0x1c0: {  	v4 =	vld [tilespmem:s30+$0x15FC0];
	_ =	sdelay $0x1  }
0x1c1: {  	v1 =	vmul.f32 v3, v1;
	_ =	sdelay $0x1  }
0x1c2: {  	v58 =	vmul.f32 v7, v0;
	v5 =	vmul.f32 v57, v1  }
0x1c3: {  	v59 =	vmul.f32 v55, v0;
	v1 =	vmul.f32 v4, v1  }
0x1c4: {  	v3 =	vadd.f32 v5, v58  }
0x1c5: {  	v0 =	vadd.f32 v1, v59;
	v60 =	vpop (erf)  }
0x1c6: {  	v3 =	vmul.f32 v3, v60  }
0x1c7: {  	v0 =	vmul.f32 v0, v60  }
0x1c8: {  	v61 =	vadd.f32 v3, v2  }
0x1c9: {  	v0 =	vadd.f32 v0, v2  }
0x1ca: {  	v62 =	vmul.f32 $1.000000010e-01, v61  }
0x1cb: {  	vm2 =	vge.f32 v61, $0.0e+00;
	v63 =	vmul.f32 $1.000000010e-01, v0  }
0x1cc: {  	v1 =	vsel vm2, v61, v62;
	vm2 =	vge.f32 v0, $0.0e+00  }
0x1cd: {  	[tilespmem:s30+$0x14750] =	vst v1;
	v0 =	vsel vm2, v0, v63  }
0x1ce: {  	[tilespmem:s30+$0x15FC0] =	vst v0  }
0x1cf: {  	[spmem:s14] =	stream.linear.scatter [tilespmem:s26], [sflag:$0x4], $0x1870, $0x38;
	[tilespmem:$0x1A9B0] =	vst v63  }
0x1d0: {  	_ =	swait.ge [sflag:s25], $0x1870  }
0x1d1: {  	[sflag:s25] =	ssyncset.done $0x0  }
0x1d2: {  	[sflag:s25] =	ssyncadd.s32 $0xFFFFE790  }
0x1d3: {  	[spmem:s15] =	stream.linear.scatter [tilespmem:s26], [sflag:$0x4], $0x1870, $0x38;
	[tilespmem:$0x1A9B0] =	vst v63  }
0x1d4: {  	_ =	swait.ge [sflag:s25], $0x1870  }
0x1d5: {  	[sflag:s25] =	ssyncset.done $0x0  }
0x1d6: {  	s12 =	simm.s32 $0x14750;
	s2 =	rddreg [dreg:$0xb];
	[sflag:s25] =	ssyncadd.s32 $0xFFFFE790  }
0x1d7: {  	[spmem:s2] =	stream.linear.scatter [tilespmem:s12], [sflag:$0x4], $0x1870, $0x38;
	[tilespmem:$0x1A9B0] =	vst v63  }
0x1d8: {  	_ =	swait.ge [sflag:s25], $0x1870  }
0x1d9: {  	[sflag:s25] =	ssyncset.done $0x0  }
0x1da: {  	s18 =	simm.s32 $0x15FC0;
	s13 =	rddreg [dreg:$0xc];
	[sflag:s25] =	ssyncadd.s32 $0xFFFFE790  }
0x1db: {  	[spmem:s13] =	stream.linear.scatter [tilespmem:s18], [sflag:$0x4], $0x1870, $0x38;
	[tilespmem:$0x1A9B0] =	vst v63  }
0x1dc: {  	_ =	swait.ge [sflag:s25], $0x1870  }
0x1dd: {  	[sflag:s25] =	ssyncset.done $0x0  }
0x1de: {  	[sflag:s25] =	ssyncadd.s32 $0xFFFFE790  }
0x1df: {  	[bflag:$0x0] =	sbarrier.arrive $0xFFFF  }
0x1e0: {  	s30 =	simm.s32 $0x0;
	s13 =	rddreg [dreg:$0xf]  }
0x1e1: {  	[tilespmem:s0], [sflag:$0x1] =	stream.linear.gather [hbm4b:s13+s30], $0x1388, $0x38;
	[tilespmem:$0x1A9B0] =	vst v63  }
0x1e2: {  	_ = 	snop  }
0x1e3: {  	[tilespmem:s24], [sflag:$0x1] =	stream.linear.gather [hbm4b:s19+s30], $0x1388, $0x38;
	[tilespmem:$0x1A9B0] =	vst v63  }
0x1e4: {  	_ =	swait.ge [sflag:s28], $0x1388  }
0x1e5: {  	[sflag:s28] =	ssyncset.done $0x0  }
0x1e6: {  	[sflag:s28] =	ssyncadd.s32 $0xFFFFEC78  }
0x1e7: {  	_ =	swait.ge [sflag:s28], $0x1388  }
0x1e8: {  	[sflag:s28] =	ssyncset.done $0x0  }
0x1e9: {  	p0 =	por $0x1, $0x1;
	[sflag:s28] =	ssyncadd.s32 $0xFFFFEC78  }
0x1ea: {  	[tilespmem:s7], [sflag:$0x2] =	stream.indirect.gather [spmem:s1], $0x1, s0, s31, $0xb8;
	[tilespmem:$0x1A9B0] =	vst v63  }
0x1eb: {  	s2 =	simm.s32 @!p0 $0x3  }
0x1ec: {  	[tilespmem:s8], [sflag:$0x2] =	stream.indirect.gather [spmem:s3], $0x1, s0, s31, $0xb8;
	[tilespmem:$0x1A9B0] =	vst v63  }
0x1ed: {  	_ =	swait.ge @!p0 [sflag:s2], $0x1388  }
0x1ee: {  	[sflag:s2] =	ssyncset.done @!p0 $0x0  }
0x1ef: {  	[sflag:s2] =	ssyncadd.s32 @!p0 $0xFFFFEC78  }
0x1f0: {  	_ =	swait.ge @!p0 [sflag:s2], $0x1388  }
0x1f1: {  	s18 =	sadd.s32 $0x0, s23;
	[sflag:s2] =	ssyncset.done @!p0 $0x0  }
0x1f2: {  	s12 =	sadd.s32 $0x271, s18;
	s30 =	sadd.s32 $0x0, s22;
	[sflag:s2] =	ssyncadd.s32 @!p0 $0xFFFFEC78  }
0x1f3: {  	[tilespmem:s9], [sflag:$0x1] =	stream.linear.gather [hbm4b:s12+s6], $0x1388, $0x38;
	[tilespmem:$0x1A9B0] =	vst v63  }
0x1f4: {  	s2 =	sadd.s32 $0x271, s30  }
0x1f5: {  	[tilespmem:s10], [sflag:$0x1] =	stream.linear.gather [hbm4b:s2+s6], $0x1388, $0x38;
	[tilespmem:$0x1A9B0] =	vst v63  }
0x1f6: {  	_ =	swait.ge [sflag:s11], $0x1388  }
0x1f7: {  	[sflag:s11] =	ssyncset.done $0x0  }
0x1f8: {  	[sflag:s11] =	ssyncadd.s32 $0xFFFFEC78  }
0x1f9: {  	_ =	swait.ge [sflag:s11], $0x1388  }
0x1fa: {  	[sflag:s11] =	ssyncset.done $0x0  }
0x1fb: {  	[sflag:s11] =	ssyncadd.s32 $0xFFFFEC78  }
0x1fc: {  	[spmem:s4] =	stream.indirect.scatter.add.f32 [tilespmem:s7], [sflag:$0x3], $0x1, s24, s31, $0xb8;
	[tilespmem:$0x1A9B0] =	vst v63  }
0x1fd: {  	_ = 	snop  }
0x1fe: {  	[spmem:s5] =	stream.indirect.scatter.add.f32 [tilespmem:s8], [sflag:$0x3], $0x1, s24, s31, $0xb8;
	[tilespmem:$0x1A9B0] =	vst v63  }
0x1ff: {  	_ =	swait.ge [sflag:s28], $0x1388  }
0x200: {  	[sflag:s28] =	ssyncset.done $0x0  }
0x201: {  	[sflag:s28] =	ssyncadd.s32 $0xFFFFEC78  }
0x202: {  	_ =	swait.ge [sflag:s28], $0x1388  }
0x203: {  	[sflag:s28] =	ssyncset.done $0x0  }
0x204: {  	[sflag:s28] =	ssyncadd.s32 $0xFFFFEC78  }
0x205: {  	[tilespmem:s16], [sflag:$0x2] =	stream.indirect.gather [spmem:s1], $0x1, s9, s31, $0xb8;
	[tilespmem:$0x1A9B0] =	vst v63  }
0x206: {  	_ = 	snop  }
0x207: {  	[tilespmem:s17], [sflag:$0x2] =	stream.indirect.gather [spmem:s3], $0x1, s9, s31, $0xb8;
	[tilespmem:$0x1A9B0] =	vst v63  }
0x208: {  	_ =	swait.ge [sflag:s20], $0x1388  }
0x209: {  	[sflag:s20] =	ssyncset.done $0x0  }
0x20a: {  	[sflag:s20] =	ssyncadd.s32 $0xFFFFEC78  }
0x20b: {  	p0 =	por $0x0, $0x0;
	_ =	swait.ge [sflag:s20], $0x1388  }
0x20c: {  	s12 =	simm.s32 @!p0 $0x61C0;
	s2 =	sadd.s32 @!p0 $0x0, s23;
	[sflag:s20] =	ssyncset.done $0x0  }
0x20d: {  	s13 =	simm.s32 @!p0 $0x0;
	s2 =	sadd.s32 @!p0 $0x4E2, s2;
	[sflag:s20] =	ssyncadd.s32 $0xFFFFEC78  }
0x20e: {  	[tilespmem:s12], [sflag:$0x1] =	stream.linear.gather @!p0 [hbm4b:s2+s13], $0x1388, $0x38;
	[tilespmem:$0x1A9B0] =	vst v63  }
0x20f: {  	s2 =	sadd.s32 @!p0 $0x0, s22  }
0x210: {  	s12 =	simm.s32 @!p0 $0x88D0;
	s2 =	sadd.s32 @!p0 $0x4E2, s2  }
0x211: {  	[tilespmem:s12], [sflag:$0x1] =	stream.linear.gather @!p0 [hbm4b:s2+s13], $0x1388, $0x38;
	[tilespmem:$0x1A9B0] =	vst v63  }
0x212: {  	_ =	swait.ge [sflag:s11], $0x1388  }
0x213: {  	[sflag:s11] =	ssyncset.done $0x0  }
0x214: {  	[sflag:s11] =	ssyncadd.s32 $0xFFFFEC78  }
0x215: {  	_ =	swait.ge [sflag:s11], $0x1388  }
0x216: {  	[sflag:s11] =	ssyncset.done $0x0  }
0x217: {  	s29 =	simm.s32 $0x4E2;
	[sflag:s11] =	ssyncadd.s32 $0xFFFFEC78  }
0x218: {  	[spmem:s4] =	stream.indirect.scatter.add.f32 [tilespmem:s16], [sflag:$0x3], $0x1, s10, s31, $0xb8;
	[tilespmem:$0x1A9B0] =	vst v63  }
.LBB2_12:
0x219: {  	s30 =	smov.u32 s29;
	s29 =	sadd.s32 $0x4E2, s29  }
0x21a: {  	[spmem:s5] =	stream.indirect.scatter.add.f32 [tilespmem:s17], [sflag:$0x3], $0x1, s10, s31, $0xb8;
	[tilespmem:$0x1A9B0] =	vst v63  }
0x21b: {  	p0 =	sne.s32 s29, $0x61A8;
	_ =	swait.ge [sflag:s28], $0x1388  }
0x21c: {  	[sflag:s28] =	ssyncset.done $0x0  }
0x21d: {  	[sflag:s28] =	ssyncadd.s32 $0xFFFFEC78  }
0x21e: {  	_ =	swait.ge [sflag:s28], $0x1388  }
0x21f: {  	[sflag:s28] =	ssyncset.done $0x0  }
0x220: {  	[sflag:s28] =	ssyncadd.s32 $0xFFFFEC78  }
0x221: {  	[tilespmem:s7], [sflag:$0x2] =	stream.indirect.gather [spmem:s1], $0x1, s0, s31, $0xb8;
	[tilespmem:$0x1A9B0] =	vst v63  }
0x222: {  	p1 =	seq.s32 s30, $0x0  }
0x223: {  	[tilespmem:s8], [sflag:$0x2] =	stream.indirect.gather [spmem:s3], $0x1, s0, s31, $0xb8;
	[tilespmem:$0x1A9B0] =	vst v63  }
0x224: {  	s2 =	simm.s32 @!p1 $0x3  }
0x225: {  	_ =	swait.ge @!p1 [sflag:s2], $0x1388  }
0x226: {  	[sflag:s2] =	ssyncset.done @!p1 $0x0  }
0x227: {  	[sflag:s2] =	ssyncadd.s32 @!p1 $0xFFFFEC78  }
0x228: {  	s12 =	sadd.s32 s30, s23;
	_ =	swait.ge @!p1 [sflag:s2], $0x1388  }
0x229: {  	s12 =	sadd.s32 $0x271, s12;
	[sflag:s2] =	ssyncset.done @!p1 $0x0  }
0x22a: {  	[sflag:s2] =	ssyncadd.s32 @!p1 $0xFFFFEC78;
	s2 =	sadd.s32 s30, s22  }
0x22b: {  	[tilespmem:s9], [sflag:$0x1] =	stream.linear.gather [hbm4b:s12+s6], $0x1388, $0x38;
	[tilespmem:$0x1A9B0] =	vst v63  }
0x22c: {  	s2 =	sadd.s32 $0x271, s2  }
0x22d: {  	[tilespmem:s10], [sflag:$0x1] =	stream.linear.gather [hbm4b:s2+s6], $0x1388, $0x38;
	[tilespmem:$0x1A9B0] =	vst v63  }
0x22e: {  	_ =	swait.ge [sflag:s11], $0x1388  }
0x22f: {  	[sflag:s11] =	ssyncset.done $0x0  }
0x230: {  	[sflag:s11] =	ssyncadd.s32 $0xFFFFEC78  }
0x231: {  	_ =	swait.ge [sflag:s11], $0x1388  }
0x232: {  	[sflag:s11] =	ssyncset.done $0x0  }
0x233: {  	[sflag:s11] =	ssyncadd.s32 $0xFFFFEC78  }
0x234: {  	[spmem:s4] =	stream.indirect.scatter.add.f32 [tilespmem:s7], [sflag:$0x3], $0x1, s24, s31, $0xb8;
	[tilespmem:$0x1A9B0] =	vst v63  }
0x235: {  	_ = 	snop  }
0x236: {  	[spmem:s5] =	stream.indirect.scatter.add.f32 [tilespmem:s8], [sflag:$0x3], $0x1, s24, s31, $0xb8;
	[tilespmem:$0x1A9B0] =	vst v63  }
0x237: {  	_ =	swait.ge [sflag:s28], $0x1388  }
0x238: {  	[sflag:s28] =	ssyncset.done $0x0  }
0x239: {  	[sflag:s28] =	ssyncadd.s32 $0xFFFFEC78  }
0x23a: {  	_ =	swait.ge [sflag:s28], $0x1388  }
0x23b: {  	[sflag:s28] =	ssyncset.done $0x0  }
0x23c: {  	[sflag:s28] =	ssyncadd.s32 $0xFFFFEC78  }
0x23d: {  	[tilespmem:s16], [sflag:$0x2] =	stream.indirect.gather [spmem:s1], $0x1, s9, s31, $0xb8;
	[tilespmem:$0x1A9B0] =	vst v63  }
0x23e: {  	_ = 	snop  }
0x23f: {  	[tilespmem:s17], [sflag:$0x2] =	stream.indirect.gather [spmem:s3], $0x1, s9, s31, $0xb8;
	[tilespmem:$0x1A9B0] =	vst v63  }
0x240: {  	_ =	swait.ge [sflag:s20], $0x1388  }
0x241: {  	[sflag:s20] =	ssyncset.done $0x0  }
0x242: {  	p1 =	seq.s32 s30, $0x5CC6;
	[sflag:s20] =	ssyncadd.s32 $0xFFFFEC78  }
0x243: {  	s12 =	simm.s32 @!p1 $0x61C0;
	s2 =	sadd.s32 @!p1 s30, s23;
	_ =	swait.ge [sflag:s20], $0x1388  }
0x244: {  	s13 =	simm.s32 @!p1 $0x0;
	s2 =	sadd.s32 @!p1 $0x4E2, s2;
	[sflag:s20] =	ssyncset.done $0x0  }
0x245: {  	s18 =	sadd.s32 @!p1 s30, s22;
	s30 =	simm.s32 @!p1 $0x88D0;
	[sflag:s20] =	ssyncadd.s32 $0xFFFFEC78  }
0x246: {  	[tilespmem:s12], [sflag:$0x1] =	stream.linear.gather @!p1 [hbm4b:s2+s13], $0x1388, $0x38;
	[tilespmem:$0x1A9B0] =	vst v63  }
0x247: {  	s2 =	sadd.s32 @!p1 $0x4E2, s18  }
0x248: {  	[tilespmem:s30], [sflag:$0x1] =	stream.linear.gather @!p1 [hbm4b:s2+s13], $0x1388, $0x38;
	[tilespmem:$0x1A9B0] =	vst v63  }
0x249: {  	_ =	swait.ge [sflag:s11], $0x1388  }
0x24a: {  	[sflag:s11] =	ssyncset.done $0x0  }
.Ltmp5:
0x24b: {  	[sflag:s11] =	ssyncadd.s32 $0xFFFFEC78;
	(pc) =	sbr.rel @p0 .LBB2_12-.Ltmp5, $4  }
0x24c: {  	_ =	swait.ge [sflag:s11], $0x1388  }
0x24d: {  	[sflag:s11] =	ssyncset.done $0x0  }
0x24e: {  	[sflag:s11] =	ssyncadd.s32 $0xFFFFEC78  }
0x24f: {  	[spmem:s4] =	stream.indirect.scatter.add.f32 [tilespmem:s16], [sflag:$0x3], $0x1, s10, s31, $0xb8;
	[tilespmem:$0x1A9B0] =	vst v63  }
0x250: {  	[spmem:s5] =	stream.indirect.scatter.add.f32 [tilespmem:s17], [sflag:$0x3], $0x1, s10, s31, $0xb8;
	[tilespmem:$0x1A9B0] =	vst v63  }
0x251: {  	_ =	swait.ge [sflag:s20], $0x1388  }
0x252: {  	[sflag:s20] =	ssyncset.done $0x0  }
0x253: {  	[sflag:s20] =	ssyncadd.s32 $0xFFFFEC78  }
0x254: {  	_ =	swait.ge [sflag:s20], $0x1388  }
0x255: {  	[sflag:s20] =	ssyncset.done $0x0  }
0x256: {  	[sflag:s20] =	ssyncadd.s32 $0xFFFFEC78  }
0x257: {  	s2 =	simm.s32 $0xFE00;
	[bflag:$0x0] =	sbarrier.arrive $0xFFFF  }
0x258: {  	[tilespmem:s2], [sflag:$0x4] =	stream.linear.gather [spmem:s14], $0x1870, $0x38;
	[tilespmem:$0x1A9B0] =	vst v63  }
0x259: {  	_ =	swait.ge [sflag:s25], $0x1870  }
0x25a: {  	[sflag:s25] =	ssyncset.done $0x0  }
0x25b: {  	s13 =	simm.s32 $0x11670;
	[sflag:s25] =	ssyncadd.s32 $0xFFFFE790  }
0x25c: {  	[tilespmem:s13], [sflag:$0x4] =	stream.linear.gather [spmem:s15], $0x1870, $0x38;
	[tilespmem:$0x1A9B0] =	vst v63  }
0x25d: {  	_ =	swait.ge [sflag:s25], $0x1870  }
0x25e: {  	[sflag:s25] =	ssyncset.done $0x0  }
0x25f: {  	s18 =	simm.s32 $0x0;
	[sflag:s25] =	ssyncadd.s32 $0xFFFFE790  }
0x260: {  	v0 =	vld [tilespmem:s18+$0x12EE0];
	_ =	sdelay $0x2  }
0x261: {  	v2 =	vld [tilespmem:$0x1A970]  }
0x262: {  	v3 =	vld [tilespmem:$0x1A980]  }
0x263: {  	v4 =	vld [tilespmem:s18+$0xFE00];
	v1 =	vmax.f32 v0, $1.000000000e+00  }
0x264: {  	v5 =	vld [tilespmem:s18+$0x11670];
	(erf) = vrcp.f32 v1  }
0x265: {  	v1 =	vld [tilespmem:s18+$0x14750]  }
0x266: {  	v6 =	vld [tilespmem:s18+$0x15FC0];
	_ =	sdelay $0x1  }
0x267: {  	v7 =	vmul.f32 v0, v3  }
0x268: {  	v5 =	vmul.f32 v5, v2  }
0x269: {  	v4 =	vmul.f32 v4, v2;
	v1 =	vmul.f32 v1, v7  }
0x26a: {  	v0 =	vld [tilespmem:$0x1A990];
	v6 =	vmul.f32 v6, v7  }
0x26b: {  	v1 =	vadd.f32 v1, v4  }
0x26c: {  	v4 =	vadd.f32 v6, v5;
	v5 =	vpop (erf)  }
0x26d: {  	v1 =	vmul.f32 v1, v5  }
0x26e: {  	v4 =	vmul.f32 v4, v5  }
0x26f: {  	s29 =	simm.s32 $0x10;
	v5 =	vadd.f32 v1, v0  }
0x270: {  	v6 =	vld [tilespmem:s29+$0x12EE0];
	v9 =	vadd.f32 v4, v0  }
0x271: {  	v4 =	vmul.f32 $1.000000010e-01, v5  }
0x272: {  	vm2 =	vge.f32 v5, $0.0e+00;
	v10 =	vmul.f32 $1.000000010e-01, v9  }
0x273: {  	v8 =	vld [tilespmem:s29+$0x11670];
	v5 =	vsel vm2, v5, v4;
	vm2 =	vge.f32 v9, $0.0e+00  }
0x274: {  	v7 =	vld [tilespmem:s29+$0xFE00];
	v9 =	vsel vm2, v9, v10;
	v10 =	vshrl.u32 v5, $0x10  }
0x275: {  	v1 =	vld [tilespmem:s29+$0x190A0];
	v11 =	vmax.f32 v6, $1.000000000e+00;
	v10 =	vand.u32 $0x1, v10  }
0x276: {  	(erf) = vrcp.f32 v11;
	[tilespmem:s18+$0x14750] =	vst v5;
	v12 =	vshrl.u32 v9, $0x10;
	v10 =	vadd.s32 v10, v5;
	v5 =	vld [tilespmem:s18+$0x190A0]  }
0x277: {  	v11 =	vld [tilespmem:s29+$0x14750];
	[tilespmem:s18+$0x15FC0] =	vst v9;
	v12 =	vand.u32 $0x1, v12  }
0x278: {  	v14 =	vadd.s32 v12, v9;
	v12 =	vld [tilespmem:s29+$0x15FC0]  }
0x279: {  	v13 =	vmul.f32 v6, v3;
	v6 =	vimm.f32 $0.0e+00;
	v10 =	vadd.s32 $0x7FFF, v10  }
0x27a: {  	s30 =	simm.s32 $0x80;
	s2 =	simm.s32 $0xC0;
	v4 =	vimm.f32 $0.0e+00;
	v9 =	vand.u32 $0xFFFF0000, v10;
	v10 =	vadd.s32 $0x7FFF, v14  }
.LBB2_14:
0x27b: {  	p0 =	sne.s32 s2, $0x6180;
	v9 =	vmul.f32 v9, v5;
	v10 =	vand.u32 $0xFFFF0000, v10  }
0x27c: {  	v7 =	vmul.f32 v7, v2;
	v11 =	vmul.f32 v11, v13  }
0x27d: {  	v14 =	vmul.f32 v8, v2;
	v12 =	vmul.f32 v12, v13;
	v4 =	vadd.f32 v9, v4  }
0x27e: {  	v9 =	vmul.f32 v10, v5;
	v5 =	vmov v1;
	v7 =	vadd.f32 v11, v7  }
0x27f: {  	v1 =	vadd.f32 v12, v14;
	v8 =	vpop (erf)  }
0x280: {  	s12 =	sshra.s32 s30, $0x2;
	s30 =	smov.u32 s2;
	v6 =	vadd.f32 v9, v6;
	v7 =	vmul.f32 v7, v8  }
0x281: {  	v9 =	vld [tilespmem:s12+$0x12EE0];
	v8 =	vmul.f32 v1, v8  }
0x282: {  	v1 =	vld [tilespmem:s12+$0x190A0];
	v10 =	vadd.f32 v7, v0  }
0x283: {  	v11 =	vadd.f32 v8, v0  }
0x284: {  	v8 =	vmul.f32 $1.000000010e-01, v10  }
0x285: {  	vm2 =	vge.f32 v10, $0.0e+00;
	v12 =	vmul.f32 $1.000000010e-01, v11  }
0x286: {  	v13 =	vmax.f32 v9, $1.000000000e+00;
	v7 =	vld [tilespmem:s12+$0xFE00];
	v10 =	vsel vm2, v10, v8;
	vm2 =	vge.f32 v11, $0.0e+00  }
.Ltmp6:
0x287: {  	v8 =	vld [tilespmem:s12+$0x11670];
	(erf) = vrcp.f32 v13;
	[tilespmem:s29+$0x14750] =	vst v10;
	v13 =	vsel vm2, v11, v12;
	v12 =	vshrl.u32 v10, $0x10;
	(pc) =	sbr.rel @p0 .LBB2_14-.Ltmp6, $4  }
0x288: {  	v11 =	vld [tilespmem:s12+$0x14750];
	[tilespmem:s29+$0x15FC0] =	vst v13;
	v14 =	vand.u32 $0x1, v12;
	v15 =	vshrl.u32 v13, $0x10;
	s29 =	smov.u32 s12  }
0x289: {  	v12 =	vld [tilespmem:s29+$0x15FC0];
	v10 =	vadd.s32 v14, v10;
	v14 =	vand.u32 $0x1, v15  }
0x28a: {  	v10 =	vadd.s32 $0x7FFF, v10;
	v14 =	vadd.s32 v14, v13  }
0x28b: {  	s2 =	sadd.s32 $0x40, s2;
	v13 =	vmul.f32 v9, v3;
	v9 =	vand.u32 $0xFFFF0000, v10;
	v10 =	vadd.s32 $0x7FFF, v14  }
0x28c: {  	_ = 	snop  }
0x28d: {  	v7 =	vmul.f32 v7, v2;
	v11 =	vmul.f32 v11, v13  }
0x28e: {  	v8 =	vmul.f32 v8, v2;
	v12 =	vmul.f32 v12, v13  }
0x28f: {  	v7 =	vadd.f32 v11, v7  }
0x290: {  	v32 =	vpop (erf);
	v8 =	vadd.f32 v12, v8  }
0x291: {  	s30 =	sshra.s32 s30, $0x2;
	v7 =	vmul.f32 v7, v32  }
0x292: {  	v33 =	vld [tilespmem:s30+$0x12EE0];
	v8 =	vmul.f32 v8, v32  }
0x293: {  	v7 =	vadd.f32 v7, v0  }
0x294: {  	v8 =	vadd.f32 v8, v0  }
0x295: {  	v35 =	vmul.f32 $1.000000010e-01, v7  }
0x296: {  	v34 =	vld [tilespmem:s30+$0x190A0];
	vm2 =	vge.f32 v7, $0.0e+00;
	v15 =	vmul.f32 $1.000000010e-01, v8  }
0x297: {  	v14 =	vld [tilespmem:s30+$0xFE00];
	v16 =	vmax.f32 v33, $1.000000000e+00;
	v7 =	vsel vm2, v7, v35;
	vm2 =	vge.f32 v8, $0.0e+00  }
0x298: {  	v36 =	vld [tilespmem:s30+$0x11670];
	(erf) = vrcp.f32 v16;
	[tilespmem:s29+$0x14750] =	vst v7;
	v8 =	vsel vm2, v8, v15  }
0x299: {  	v37 =	vld [tilespmem:s30+$0x14750];
	[tilespmem:s29+$0x15FC0] =	vst v8  }
0x29a: {  	v38 =	vld [tilespmem:s30+$0x15FC0];
	_ =	sdelay $0x1  }
0x29b: {  	v3 =	vmul.f32 v33, v3;
	_ =	sdelay $0x1  }
0x29c: {  	v39 =	vmul.f32 v14, v2;
	v40 =	vmul.f32 v37, v3  }
0x29d: {  	v41 =	vmul.f32 v36, v2;
	v3 =	vmul.f32 v38, v3  }
0x29e: {  	v12 =	vadd.f32 v40, v39  }
0x29f: {  	v9 =	vmul.f32 v9, v5;
	v10 =	vand.u32 $0xFFFF0000, v10;
	v42 =	vpop (erf);
	v2 =	vadd.f32 v3, v41  }
0x2a0: {  	v43 =	vmul.f32 v10, v5;
	v44 =	vmul.f32 v12, v42  }
0x2a1: {  	v4 =	vadd.f32 v9, v4;
	v2 =	vmul.f32 v2, v42  }
0x2a2: {  	v45 =	vadd.f32 v43, v6;
	v46 =	vshrl.u32 v7, $0x10;
	v47 =	vadd.f32 v44, v0  }
0x2a3: {  	v5 =	vand.u32 $0x1, v46;
	v48 =	vshrl.u32 v8, $0x10;
	v49 =	vadd.f32 v2, v0  }
0x2a4: {  	v50 =	vadd.s32 v5, v7;
	v51 =	vand.u32 $0x1, v48;
	v52 =	vmul.f32 $1.000000010e-01, v47  }
0x2a5: {  	v5 =	vadd.s32 v51, v8;
	vm2 =	vge.f32 v47, $0.0e+00;
	v53 =	vmul.f32 $1.000000010e-01, v49  }
0x2a6: {  	v5 =	vadd.s32 $0x7FFF, v5;
	v6 =	vsel vm2, v47, v52;
	vm2 =	vge.f32 v49, $0.0e+00  }
0x2a7: {  	v5 =	vand.u32 $0xFFFF0000, v5;
	v0 =	vsel vm2, v49, v53;
	v7 =	vshrl.u32 v6, $0x10  }
0x2a8: {  	v2 =	vadd.s32 $0x7FFF, v50;
	v7 =	vand.u32 $0x1, v7;
	v54 =	vshrl.u32 v0, $0x10  }
0x2a9: {  	v2 =	vand.u32 $0xFFFF0000, v2;
	v7 =	vadd.s32 v7, v6;
	v8 =	vand.u32 $0x1, v54  }
0x2aa: {  	v2 =	vmul.f32 v2, v1;
	v7 =	vadd.s32 $0x7FFF, v7;
	v8 =	vadd.s32 v8, v0  }
0x2ab: {  	v55 =	vmul.f32 v5, v1;
	v56 =	vand.u32 $0xFFFF0000, v7;
	v57 =	vadd.s32 $0x7FFF, v8  }
0x2ac: {  	v2 =	vadd.f32 v2, v4;
	v58 =	vmul.f32 v56, v34;
	v59 =	vand.u32 $0xFFFF0000, v57  }
0x2ad: {  	v1 =	vadd.f32 v55, v45;
	v60 =	vmul.f32 v59, v34  }
0x2ae: {  	v2 =	vadd.f32 v58, v2  }
0x2af: {  	v1 =	vadd.f32 v60, v1  }
0x2b0: {  	(xrf2) =	vadd.scan.msk.f32 $0xffff, v2  }
0x2b1: {  	(xrf2) =	vadd.scan.msk.f32 $0xffff, v1;
	_ =	sdelay $0x8  }
0x2b2: {  	v61, _, _ =	vpop (xrf2)  }
0x2b3: {  	v62, _, _ =	vpop (xrf2)  }
0x2b4: {  	v2 =	vbroadcast v62, $0xF  }
0x2b5: {  	v1 =	vbroadcast v61, $0xF  }
0x2b6: {  	[tilespmem:s30+$0x14750] =	vst v6;
	v2 =	vnsel vm0, $0x0, v2  }
0x2b7: {  	[tilespmem:s30+$0x15FC0] =	vst v0;
	v63 =	vsel vm1, v2, v1  }
0x2b8: {  	s2 =	rddreg [dreg:$0x10];
	s12 =	simm.s32 $0x1A9A0;
	[tilespmem:$0x1A9A0] =	vst v63  }
0x2b9: {  	[hbm4b:s2+s6] =	stream.linear.scatter [tilespmem:s12], [sflag:$0x4], $0x10, $0x38;
	[tilespmem:$0x1A9B0] =	vst v63  }
0x2ba: {  	_ =	swait.ge [sflag:s25], $0x10  }
0x2bb: {  	s21 =	sadd.s32 $0x1, s21;
	s30 =	rddreg [dreg:$0x11]  }
0x2bc: {  	p0 =	sne.s32 s21, s30  }
.Ltmp7:
0x2bd: {  	_ = 	snop;
	(pc) =	sbr.rel @p0 .LBB2_1-.Ltmp7, $3  }
0x2be: {  	_ =	sdelay $0x1  }
0x2bf: {  	[sflag:s25] =	ssyncset.done $0x0  }
0x2c0: {  	[sflag:s25] =	ssyncadd.s32 $0xFFFFFFF0  }
0x2c1: {  	_ =	sfence.sel $0x180000  }
0x2c2: {  	[bflag:$0x0] =	sbarrier.arrive $0xFFFF  }
0x2c3: {  	_ =	strace $0x9000004A  }
0x2c4: {  	s0 =	stileid.u32;
	[bflag:$0x2] =	sbarrier.arrive $0xFFFF  }
0x2c5: {  	p0 =	sne.s32 s0, $0x0;
	s0 =	rddreg [dreg:$0x5]  }
0x2c6: {  	s0 =	sadd.s32 @!p0 $0x100000, s0  }
0x2c7: {  	[sflag:s0] =	ssyncadd.tile.s32 @!p0 $0x1;
	_ =	shalt  }
.Lfunc_end2:
_tile_overlayer_lowered:
.L_overlay_start_2:
0x2c8: {  	(tag) =	ssettag $0x2  }
0x2c9: {  	s0 =	rddreg [dreg:$0x0];
	s2 =	stileid.u32  }
0x2ca: {  	s1 =	rddreg [dreg:$0x1];
	p0 =	sne.s32 s2, $0x0  }
0x2cb: {  	s3 =	rddreg [dreg:$0x2];
	[bflag:$0x3] =	sbarrier.arrive $0xFFFF;
	s2 =	simm.s32 @!p0 $0x1C04  }
0x2cc: {  	[timem:s3], [sflag:s2] =	dma.local @!p0 [hbm:s0], s1  }
0x2cd: {  	s0 =	simm.s32 @!p0 $0x4  }
0x2ce: {  	_ =	swait.ge @!p0 [sflag:s0], s1  }
0x2cf: {  	s1 =	ssub.s32 @!p0 $0x0, s1;
	[sflag:s0] =	ssyncset.done @!p0 $0x0  }
0x2d0: {  	[sflag:s0] =	ssyncadd.s32 @!p0 s1  }
0x2d1: {  	[bflag:$0x3] =	sbarrier.arrive $0xFFFF  }
0x2d2: {  	_ =	shalt  }

</sc_bundles>
